<compile_context>
chip_gen: v7x
topology: tpu7x:2x2x1
jax: 0.10.2.dev20260603
libtpu: 0.0.44.dev20260713+nightly
codegen_flags: <defaults>
</compile_context>

<pallas_src>
import functools

import jax
import jax.numpy as jnp
from jax import lax
from jax.experimental import pallas as pl
from jax.experimental.pallas import tpu as pltpu
from jax.experimental.pallas import tpu_sc as plsc

_D = 32
_NC = 2
_NS = 16
_NW = _NC * _NS
_S = 16384
_W = 50
_B = _S * _W
_SPW = _S // _NW
_SPC = 16
_CHUNK = _SPC * _W
_NCH = _SPW // _SPC
_NBUF = 2
_L = 16


@functools.partial(
    pl.kernel,
    out_type=jax.ShapeDtypeStruct((_W, _D, _S), jnp.float32),
    mesh=plsc.VectorSubcoreMesh(core_axis_name="c", subcore_axis_name="s"),
    scratch_types=[
        [pltpu.VMEM((_CHUNK,), jnp.int32)] * _NBUF,
        [pltpu.VMEM((_CHUNK, _D), jnp.float32)] * _NBUF,
        [pltpu.VMEM((_W, _D, _SPC), jnp.float32)] * _NBUF,
        [pltpu.SemaphoreType.DMA] * _NBUF,
        [pltpu.SemaphoreType.DMA] * _NBUF,
        [pltpu.SemaphoreType.DMA] * _NBUF,
    ],
    compiler_params=pltpu.CompilerParams(
        use_tc_tiling_on_sc=False, needs_layout_passes=False
    ),
)
def _gather_body(ids_hbm, table_hbm, out_hbm, idxb, rows, trows, isem, gsem, wsem):
    wid = lax.axis_index("s") * _NC + lax.axis_index("c")
    sbase = wid * _SPW
    wbase = sbase * _W

    def istart(c, b):
        pltpu.async_copy(
            ids_hbm.at[pl.ds(wbase + c * _CHUNK, _CHUNK)], idxb[b], isem[b]
        )

    def iwait(c, b):
        pltpu.make_async_copy(
            ids_hbm.at[pl.ds(wbase + c * _CHUNK, _CHUNK)], idxb[b], isem[b]
        ).wait()

    def gstart(c, b):
        pltpu.async_copy(table_hbm.at[idxb[b]], rows[b], gsem[b])

    def gwait(c, b):
        pltpu.make_async_copy(table_hbm.at[idxb[b]], rows[b], gsem[b]).wait()

    def wstart(c, b):
        pltpu.async_copy(
            trows[b],
            out_hbm.at[:, :, pl.ds(sbase + c * _SPC, _SPC)],
            wsem[b],
        )

    def wwait(c, b):
        pltpu.make_async_copy(
            trows[b],
            out_hbm.at[:, :, pl.ds(sbase + c * _SPC, _SPC)],
            wsem[b],
        ).wait()

    lane = lax.iota(jnp.int32, _L)
    srow = lane * _W
    dvecs = [
        j * _L + (lane + i) % _L
        for j in range(_D // _L)
        for i in range(_L)
    ]

    def transpose_chunk(b):
        def per_w(i, carry):
            w0 = i * 2
            for u in range(2):
                w = w0 + u
                ridx = srow + w
                wvec = jnp.full((_L,), 0, jnp.int32) + w
                for dvec in dvecs:
                    vals = plsc.load_gather(rows[b], [ridx, dvec])
                    plsc.store_scatter(trows[b], [wvec, dvec, lane], vals)
            return carry

        lax.fori_loop(0, _W // 2, per_w, 0)

    istart(0, 0)
    iwait(0, 0)
    gstart(0, 0)
    istart(1, 1)

    def group(i, carry):
        for b in range(_NBUF):
            c = i * _NBUF + b
            nb = (b + _NBUF - 1) % _NBUF
            gwait(c, b)

            n = c + _NBUF - 1

            @pl.when(n < _NCH)
            def _():
                iwait(n, nb)
                gstart(n, nb)

            @pl.when(c >= _NBUF)
            def _():
                wwait(c - _NBUF, b)

            transpose_chunk(b)
            wstart(c, b)

            m = c + _NBUF

            @pl.when(m < _NCH)
            def _():
                istart(m, b)

        return carry

    lax.fori_loop(0, _NCH // _NBUF, group, 0)

    for k in range(_NBUF):
        c = _NCH - _NBUF + k
        wwait(c, c % _NBUF)


@jax.jit
def _run(ids, table):
    out = _gather_body(ids, table)
    return jnp.transpose(out, (2, 0, 1))


def kernel(token_ids, weights):
    ids = token_ids.reshape(-1).astype(jnp.int32)
    return _run(ids, weights)

# --- scband reference (transcript-rebuilt; emitter-appended) ---
"""Pipeline reference for scband-embedding-11579231830026 (READ-ONLY COPY).

The authoritative reference and input builder live on the scoring server;
editing this copy changes nothing except your own understanding.
"""

import jax, jax.numpy as jnp
import numpy as np

NUM_EMBEDDINGS = 1000000
EMBEDDING_DIM = 32

def setup_inputs(seed: int = 0) -> dict:
    key = jax.random.key(seed)
    k_idx, k_w = jax.random.split(key)
    token_ids = jax.random.randint(k_idx, (16384, 50), 0, NUM_EMBEDDINGS, dtype=jnp.int64 if jax.config.read('jax_enable_x64') else jnp.int32)
    # trunc_normal init (mean=0, std=1, a=-3, b=3)
    weights = jax.random.truncated_normal(k_w, -3.0, 3.0, (NUM_EMBEDDINGS, EMBEDDING_DIM), dtype=jnp.float32)
    return {"token_ids": token_ids, "weights": weights}

def reference(token_ids, weights):
    # output = self.weights[token_ids]
    output = jnp.take(weights, token_ids, axis=0)
    return output

if __name__ == "__main__":
    import jax
    _d = setup_inputs()
    print(jax.jit(kernel)(*tuple(_d.values())))

</pallas_src>

<mosaic_0001>
#map = affine_map<(d0, d1) -> (0)>
#map1 = affine_map<(d0, d1) -> (0, 0)>
#map2 = affine_map<(d0, d1) -> (0, 0, 0)>
module attributes {stable_mosaic.version = 14 : i64} {
  func.func @_gather_body(%arg0: i32, %arg1: i32, %arg2: memref<819200xi32, #tpu.memory_space<hbm>>, %arg3: memref<1000000x32xf32, #tpu.memory_space<hbm>>, %arg4: memref<50x32x16384xf32, #tpu.memory_space<hbm>>, %arg5: memref<800xi32, #tpu.memory_space<vmem>>, %arg6: memref<800xi32, #tpu.memory_space<vmem>>, %arg7: memref<800x32xf32, #tpu.memory_space<vmem>>, %arg8: memref<800x32xf32, #tpu.memory_space<vmem>>, %arg9: memref<50x32x16xf32, #tpu.memory_space<vmem>>, %arg10: memref<50x32x16xf32, #tpu.memory_space<vmem>>, %arg11: memref<!tpu.dma_semaphore, #tpu.memory_space<semaphore_mem>>, %arg12: memref<!tpu.dma_semaphore, #tpu.memory_space<semaphore_mem>>, %arg13: memref<!tpu.dma_semaphore, #tpu.memory_space<semaphore_mem>>, %arg14: memref<!tpu.dma_semaphore, #tpu.memory_space<semaphore_mem>>, %arg15: memref<!tpu.dma_semaphore, #tpu.memory_space<semaphore_mem>>, %arg16: memref<!tpu.dma_semaphore, #tpu.memory_space<semaphore_mem>>) attributes {dimension_semantics = [#tpu.dimension_semantics<core_parallel>, #tpu.dimension_semantics<subcore_parallel>], iteration_bounds = array<i64: 2, 16>, scalar_prefetch = 0 : i64, scratch_operands = 12 : i64, tpu.core_type = #tpu.core_type<sc_vector_subcore>, window_params = [{transform_indices = #map}, {transform_indices = #map1}, {transform_indices = #map2}]} {
    %mul3A = arith.constant 2 : i32
    %mul3A_0 = arith.muli %arg1, %mul3A : i32
    %add3A = arith.addi %mul3A_0, %arg0 : i32
    %mul3A_1 = arith.constant 512 : i32
    %mul3A_2 = arith.muli %add3A, %mul3A_1 : i32
    %mul3A_3 = arith.constant 50 : i32
    %mul3A_4 = arith.muli %mul3A_2, %mul3A_3 : i32
    %iota3A = tpu.iota {dimensions = array<i32: 0>} : vector<16xi32>
    %mul3A_5 = arith.constant 50 : i32
    %mul3A_6 = vector.broadcast %mul3A_5 : i32 to vector<16xi32>
    %mul3A_7 = arith.muli %iota3A, %mul3A_6 : vector<16xi32>
    %add3A_8 = arith.constant 0 : i32
    %add3A_9 = vector.broadcast %add3A_8 : i32 to vector<16xi32>
    %add3A_10 = arith.addi %iota3A, %add3A_9 : vector<16xi32>
    %jit3A = arith.constant 16 : i32
    %eq3A = arith.constant 0 : i32
    %eq3A_11 = arith.cmpi eq, %jit3A, %eq3A : i32
    %jit3A_12 = arith.constant 1 : i32
    %select_n3A = arith.select %eq3A_11, %jit3A_12, %jit3A : i32
    %rem3A = vector.broadcast %select_n3A : i32 to vector<16xi32>
    %rem3A_13 = arith.remsi %add3A_10, %rem3A : vector<16xi32>
    %ne3A = arith.constant 0 : i32
    %ne3A_14 = vector.broadcast %ne3A : i32 to vector<16xi32>
    %ne3A_15 = arith.cmpi ne, %rem3A_13, %ne3A_14 : vector<16xi32>
    %lt3A = arith.constant 0 : i32
    %lt3A_16 = vector.broadcast %lt3A : i32 to vector<16xi32>
    %lt3A_17 = arith.cmpi slt, %rem3A_13, %lt3A_16 : vector<16xi32>
    %lt3A_18 = arith.constant 0 : i32
    %lt3A_19 = arith.cmpi slt, %select_n3A, %lt3A_18 : i32
    %ne3A_20 = vector.broadcast %lt3A_19 : i1 to vector<16xi1>
    %ne3A_21 = vector.broadcast %ne3A_20 : vector<16xi1> to vector<16xi1>
    %ne3A_22 = arith.xori %lt3A_17, %ne3A_21 : vector<16xi1>
    %and3A = arith.andi %ne3A_22, %ne3A_15 : vector<16xi1>
    %add3A_23 = vector.broadcast %select_n3A : i32 to vector<16xi32>
    %add3A_24 = arith.addi %rem3A_13, %add3A_23 : vector<16xi32>
    %select_n3A_25 = arith.select %and3A, %add3A_24, %rem3A_13 : vector<16xi1>, vector<16xi32>
    %add3A_26 = arith.constant 0 : i32
    %add3A_27 = vector.broadcast %add3A_26 : i32 to vector<16xi32>
    %add3A_28 = arith.addi %add3A_27, %select_n3A_25 : vector<16xi32>
    %add3A_29 = arith.constant 1 : i32
    %add3A_30 = vector.broadcast %add3A_29 : i32 to vector<16xi32>
    %add3A_31 = arith.addi %iota3A, %add3A_30 : vector<16xi32>
    %jit3A_32 = arith.constant 16 : i32
    %eq3A_33 = arith.constant 0 : i32
    %eq3A_34 = arith.cmpi eq, %jit3A_32, %eq3A_33 : i32
    %jit3A_35 = arith.constant 1 : i32
    %select_n3A_36 = arith.select %eq3A_34, %jit3A_35, %jit3A_32 : i32
    %rem3A_37 = vector.broadcast %select_n3A_36 : i32 to vector<16xi32>
    %rem3A_38 = arith.remsi %add3A_31, %rem3A_37 : vector<16xi32>
    %ne3A_39 = arith.constant 0 : i32
    %ne3A_40 = vector.broadcast %ne3A_39 : i32 to vector<16xi32>
    %ne3A_41 = arith.cmpi ne, %rem3A_38, %ne3A_40 : vector<16xi32>
    %lt3A_42 = arith.constant 0 : i32
    %lt3A_43 = vector.broadcast %lt3A_42 : i32 to vector<16xi32>
    %lt3A_44 = arith.cmpi slt, %rem3A_38, %lt3A_43 : vector<16xi32>
    %lt3A_45 = arith.constant 0 : i32
    %lt3A_46 = arith.cmpi slt, %select_n3A_36, %lt3A_45 : i32
    %ne3A_47 = vector.broadcast %lt3A_46 : i1 to vector<16xi1>
    %ne3A_48 = vector.broadcast %ne3A_47 : vector<16xi1> to vector<16xi1>
    %ne3A_49 = arith.xori %lt3A_44, %ne3A_48 : vector<16xi1>
    %and3A_50 = arith.andi %ne3A_49, %ne3A_41 : vector<16xi1>
    %add3A_51 = vector.broadcast %select_n3A_36 : i32 to vector<16xi32>
    %add3A_52 = arith.addi %rem3A_38, %add3A_51 : vector<16xi32>
    %select_n3A_53 = arith.select %and3A_50, %add3A_52, %rem3A_38 : vector<16xi1>, vector<16xi32>
    %add3A_54 = arith.constant 0 : i32
    %add3A_55 = vector.broadcast %add3A_54 : i32 to vector<16xi32>
    %add3A_56 = arith.addi %add3A_55, %select_n3A_53 : vector<16xi32>
    %add3A_57 = arith.constant 2 : i32
    %add3A_58 = vector.broadcast %add3A_57 : i32 to vector<16xi32>
    %add3A_59 = arith.addi %iota3A, %add3A_58 : vector<16xi32>
    %jit3A_60 = arith.constant 16 : i32
    %eq3A_61 = arith.constant 0 : i32
    %eq3A_62 = arith.cmpi eq, %jit3A_60, %eq3A_61 : i32
    %jit3A_63 = arith.constant 1 : i32
    %select_n3A_64 = arith.select %eq3A_62, %jit3A_63, %jit3A_60 : i32
    %rem3A_65 = vector.broadcast %select_n3A_64 : i32 to vector<16xi32>
    %rem3A_66 = arith.remsi %add3A_59, %rem3A_65 : vector<16xi32>
    %ne3A_67 = arith.constant 0 : i32
    %ne3A_68 = vector.broadcast %ne3A_67 : i32 to vector<16xi32>
    %ne3A_69 = arith.cmpi ne, %rem3A_66, %ne3A_68 : vector<16xi32>
    %lt3A_70 = arith.constant 0 : i32
    %lt3A_71 = vector.broadcast %lt3A_70 : i32 to vector<16xi32>
    %lt3A_72 = arith.cmpi slt, %rem3A_66, %lt3A_71 : vector<16xi32>
    %lt3A_73 = arith.constant 0 : i32
    %lt3A_74 = arith.cmpi slt, %select_n3A_64, %lt3A_73 : i32
    %ne3A_75 = vector.broadcast %lt3A_74 : i1 to vector<16xi1>
    %ne3A_76 = vector.broadcast %ne3A_75 : vector<16xi1> to vector<16xi1>
    %ne3A_77 = arith.xori %lt3A_72, %ne3A_76 : vector<16xi1>
    %and3A_78 = arith.andi %ne3A_77, %ne3A_69 : vector<16xi1>
    %add3A_79 = vector.broadcast %select_n3A_64 : i32 to vector<16xi32>
    %add3A_80 = arith.addi %rem3A_66, %add3A_79 : vector<16xi32>
    %select_n3A_81 = arith.select %and3A_78, %add3A_80, %rem3A_66 : vector<16xi1>, vector<16xi32>
    %add3A_82 = arith.constant 0 : i32
    %add3A_83 = vector.broadcast %add3A_82 : i32 to vector<16xi32>
    %add3A_84 = arith.addi %add3A_83, %select_n3A_81 : vector<16xi32>
    %add3A_85 = arith.constant 3 : i32
    %add3A_86 = vector.broadcast %add3A_85 : i32 to vector<16xi32>
    %add3A_87 = arith.addi %iota3A, %add3A_86 : vector<16xi32>
    %jit3A_88 = arith.constant 16 : i32
    %eq3A_89 = arith.constant 0 : i32
    %eq3A_90 = arith.cmpi eq, %jit3A_88, %eq3A_89 : i32
    %jit3A_91 = arith.constant 1 : i32
    %select_n3A_92 = arith.select %eq3A_90, %jit3A_91, %jit3A_88 : i32
    %rem3A_93 = vector.broadcast %select_n3A_92 : i32 to vector<16xi32>
    %rem3A_94 = arith.remsi %add3A_87, %rem3A_93 : vector<16xi32>
    %ne3A_95 = arith.constant 0 : i32
    %ne3A_96 = vector.broadcast %ne3A_95 : i32 to vector<16xi32>
    %ne3A_97 = arith.cmpi ne, %rem3A_94, %ne3A_96 : vector<16xi32>
    %lt3A_98 = arith.constant 0 : i32
    %lt3A_99 = vector.broadcast %lt3A_98 : i32 to vector<16xi32>
    %lt3A_100 = arith.cmpi slt, %rem3A_94, %lt3A_99 : vector<16xi32>
    %lt3A_101 = arith.constant 0 : i32
    %lt3A_102 = arith.cmpi slt, %select_n3A_92, %lt3A_101 : i32
    %ne3A_103 = vector.broadcast %lt3A_102 : i1 to vector<16xi1>
    %ne3A_104 = vector.broadcast %ne3A_103 : vector<16xi1> to vector<16xi1>
    %ne3A_105 = arith.xori %lt3A_100, %ne3A_104 : vector<16xi1>
    %and3A_106 = arith.andi %ne3A_105, %ne3A_97 : vector<16xi1>
    %add3A_107 = vector.broadcast %select_n3A_92 : i32 to vector<16xi32>
    %add3A_108 = arith.addi %rem3A_94, %add3A_107 : vector<16xi32>
    %select_n3A_109 = arith.select %and3A_106, %add3A_108, %rem3A_94 : vector<16xi1>, vector<16xi32>
    %add3A_110 = arith.constant 0 : i32
    %add3A_111 = vector.broadcast %add3A_110 : i32 to vector<16xi32>
    %add3A_112 = arith.addi %add3A_111, %select_n3A_109 : vector<16xi32>
    %add3A_113 = arith.constant 4 : i32
    %add3A_114 = vector.broadcast %add3A_113 : i32 to vector<16xi32>
    %add3A_115 = arith.addi %iota3A, %add3A_114 : vector<16xi32>
    %jit3A_116 = arith.constant 16 : i32
    %eq3A_117 = arith.constant 0 : i32
    %eq3A_118 = arith.cmpi eq, %jit3A_116, %eq3A_117 : i32
    %jit3A_119 = arith.constant 1 : i32
    %select_n3A_120 = arith.select %eq3A_118, %jit3A_119, %jit3A_116 : i32
    %rem3A_121 = vector.broadcast %select_n3A_120 : i32 to vector<16xi32>
    %rem3A_122 = arith.remsi %add3A_115, %rem3A_121 : vector<16xi32>
    %ne3A_123 = arith.constant 0 : i32
    %ne3A_124 = vector.broadcast %ne3A_123 : i32 to vector<16xi32>
    %ne3A_125 = arith.cmpi ne, %rem3A_122, %ne3A_124 : vector<16xi32>
    %lt3A_126 = arith.constant 0 : i32
    %lt3A_127 = vector.broadcast %lt3A_126 : i32 to vector<16xi32>
    %lt3A_128 = arith.cmpi slt, %rem3A_122, %lt3A_127 : vector<16xi32>
    %lt3A_129 = arith.constant 0 : i32
    %lt3A_130 = arith.cmpi slt, %select_n3A_120, %lt3A_129 : i32
    %ne3A_131 = vector.broadcast %lt3A_130 : i1 to vector<16xi1>
    %ne3A_132 = vector.broadcast %ne3A_131 : vector<16xi1> to vector<16xi1>
    %ne3A_133 = arith.xori %lt3A_128, %ne3A_132 : vector<16xi1>
    %and3A_134 = arith.andi %ne3A_133, %ne3A_125 : vector<16xi1>
    %add3A_135 = vector.broadcast %select_n3A_120 : i32 to vector<16xi32>
    %add3A_136 = arith.addi %rem3A_122, %add3A_135 : vector<16xi32>
    %select_n3A_137 = arith.select %and3A_134, %add3A_136, %rem3A_122 : vector<16xi1>, vector<16xi32>
    %add3A_138 = arith.constant 0 : i32
    %add3A_139 = vector.broadcast %add3A_138 : i32 to vector<16xi32>
    %add3A_140 = arith.addi %add3A_139, %select_n3A_137 : vector<16xi32>
    %add3A_141 = arith.constant 5 : i32
    %add3A_142 = vector.broadcast %add3A_141 : i32 to vector<16xi32>
    %add3A_143 = arith.addi %iota3A, %add3A_142 : vector<16xi32>
    %jit3A_144 = arith.constant 16 : i32
    %eq3A_145 = arith.constant 0 : i32
    %eq3A_146 = arith.cmpi eq, %jit3A_144, %eq3A_145 : i32
    %jit3A_147 = arith.constant 1 : i32
    %select_n3A_148 = arith.select %eq3A_146, %jit3A_147, %jit3A_144 : i32
    %rem3A_149 = vector.broadcast %select_n3A_148 : i32 to vector<16xi32>
    %rem3A_150 = arith.remsi %add3A_143, %rem3A_149 : vector<16xi32>
    %ne3A_151 = arith.constant 0 : i32
    %ne3A_152 = vector.broadcast %ne3A_151 : i32 to vector<16xi32>
    %ne3A_153 = arith.cmpi ne, %rem3A_150, %ne3A_152 : vector<16xi32>
    %lt3A_154 = arith.constant 0 : i32
    %lt3A_155 = vector.broadcast %lt3A_154 : i32 to vector<16xi32>
    %lt3A_156 = arith.cmpi slt, %rem3A_150, %lt3A_155 : vector<16xi32>
    %lt3A_157 = arith.constant 0 : i32
    %lt3A_158 = arith.cmpi slt, %select_n3A_148, %lt3A_157 : i32
    %ne3A_159 = vector.broadcast %lt3A_158 : i1 to vector<16xi1>
    %ne3A_160 = vector.broadcast %ne3A_159 : vector<16xi1> to vector<16xi1>
    %ne3A_161 = arith.xori %lt3A_156, %ne3A_160 : vector<16xi1>
    %and3A_162 = arith.andi %ne3A_161, %ne3A_153 : vector<16xi1>
    %add3A_163 = vector.broadcast %select_n3A_148 : i32 to vector<16xi32>
    %add3A_164 = arith.addi %rem3A_150, %add3A_163 : vector<16xi32>
    %select_n3A_165 = arith.select %and3A_162, %add3A_164, %rem3A_150 : vector<16xi1>, vector<16xi32>
    %add3A_166 = arith.constant 0 : i32
    %add3A_167 = vector.broadcast %add3A_166 : i32 to vector<16xi32>
    %add3A_168 = arith.addi %add3A_167, %select_n3A_165 : vector<16xi32>
    %add3A_169 = arith.constant 6 : i32
    %add3A_170 = vector.broadcast %add3A_169 : i32 to vector<16xi32>
    %add3A_171 = arith.addi %iota3A, %add3A_170 : vector<16xi32>
    %jit3A_172 = arith.constant 16 : i32
    %eq3A_173 = arith.constant 0 : i32
    %eq3A_174 = arith.cmpi eq, %jit3A_172, %eq3A_173 : i32
    %jit3A_175 = arith.constant 1 : i32
    %select_n3A_176 = arith.select %eq3A_174, %jit3A_175, %jit3A_172 : i32
    %rem3A_177 = vector.broadcast %select_n3A_176 : i32 to vector<16xi32>
    %rem3A_178 = arith.remsi %add3A_171, %rem3A_177 : vector<16xi32>
    %ne3A_179 = arith.constant 0 : i32
    %ne3A_180 = vector.broadcast %ne3A_179 : i32 to vector<16xi32>
    %ne3A_181 = arith.cmpi ne, %rem3A_178, %ne3A_180 : vector<16xi32>
    %lt3A_182 = arith.constant 0 : i32
    %lt3A_183 = vector.broadcast %lt3A_182 : i32 to vector<16xi32>
    %lt3A_184 = arith.cmpi slt, %rem3A_178, %lt3A_183 : vector<16xi32>
    %lt3A_185 = arith.constant 0 : i32
    %lt3A_186 = arith.cmpi slt, %select_n3A_176, %lt3A_185 : i32
    %ne3A_187 = vector.broadcast %lt3A_186 : i1 to vector<16xi1>
    %ne3A_188 = vector.broadcast %ne3A_187 : vector<16xi1> to vector<16xi1>
    %ne3A_189 = arith.xori %lt3A_184, %ne3A_188 : vector<16xi1>
    %and3A_190 = arith.andi %ne3A_189, %ne3A_181 : vector<16xi1>
    %add3A_191 = vector.broadcast %select_n3A_176 : i32 to vector<16xi32>
    %add3A_192 = arith.addi %rem3A_178, %add3A_191 : vector<16xi32>
    %select_n3A_193 = arith.select %and3A_190, %add3A_192, %rem3A_178 : vector<16xi1>, vector<16xi32>
    %add3A_194 = arith.constant 0 : i32
    %add3A_195 = vector.broadcast %add3A_194 : i32 to vector<16xi32>
    %add3A_196 = arith.addi %add3A_195, %select_n3A_193 : vector<16xi32>
    %add3A_197 = arith.constant 7 : i32
    %add3A_198 = vector.broadcast %add3A_197 : i32 to vector<16xi32>
    %add3A_199 = arith.addi %iota3A, %add3A_198 : vector<16xi32>
    %jit3A_200 = arith.constant 16 : i32
    %eq3A_201 = arith.constant 0 : i32
    %eq3A_202 = arith.cmpi eq, %jit3A_200, %eq3A_201 : i32
    %jit3A_203 = arith.constant 1 : i32
    %select_n3A_204 = arith.select %eq3A_202, %jit3A_203, %jit3A_200 : i32
    %rem3A_205 = vector.broadcast %select_n3A_204 : i32 to vector<16xi32>
    %rem3A_206 = arith.remsi %add3A_199, %rem3A_205 : vector<16xi32>
    %ne3A_207 = arith.constant 0 : i32
    %ne3A_208 = vector.broadcast %ne3A_207 : i32 to vector<16xi32>
    %ne3A_209 = arith.cmpi ne, %rem3A_206, %ne3A_208 : vector<16xi32>
    %lt3A_210 = arith.constant 0 : i32
    %lt3A_211 = vector.broadcast %lt3A_210 : i32 to vector<16xi32>
    %lt3A_212 = arith.cmpi slt, %rem3A_206, %lt3A_211 : vector<16xi32>
    %lt3A_213 = arith.constant 0 : i32
    %lt3A_214 = arith.cmpi slt, %select_n3A_204, %lt3A_213 : i32
    %ne3A_215 = vector.broadcast %lt3A_214 : i1 to vector<16xi1>
    %ne3A_216 = vector.broadcast %ne3A_215 : vector<16xi1> to vector<16xi1>
    %ne3A_217 = arith.xori %lt3A_212, %ne3A_216 : vector<16xi1>
    %and3A_218 = arith.andi %ne3A_217, %ne3A_209 : vector<16xi1>
    %add3A_219 = vector.broadcast %select_n3A_204 : i32 to vector<16xi32>
    %add3A_220 = arith.addi %rem3A_206, %add3A_219 : vector<16xi32>
    %select_n3A_221 = arith.select %and3A_218, %add3A_220, %rem3A_206 : vector<16xi1>, vector<16xi32>
    %add3A_222 = arith.constant 0 : i32
    %add3A_223 = vector.broadcast %add3A_222 : i32 to vector<16xi32>
    %add3A_224 = arith.addi %add3A_223, %select_n3A_221 : vector<16xi32>
    %add3A_225 = arith.constant 8 : i32
    %add3A_226 = vector.broadcast %add3A_225 : i32 to vector<16xi32>
    %add3A_227 = arith.addi %iota3A, %add3A_226 : vector<16xi32>
    %jit3A_228 = arith.constant 16 : i32
    %eq3A_229 = arith.constant 0 : i32
    %eq3A_230 = arith.cmpi eq, %jit3A_228, %eq3A_229 : i32
    %jit3A_231 = arith.constant 1 : i32
    %select_n3A_232 = arith.select %eq3A_230, %jit3A_231, %jit3A_228 : i32
    %rem3A_233 = vector.broadcast %select_n3A_232 : i32 to vector<16xi32>
    %rem3A_234 = arith.remsi %add3A_227, %rem3A_233 : vector<16xi32>
    %ne3A_235 = arith.constant 0 : i32
    %ne3A_236 = vector.broadcast %ne3A_235 : i32 to vector<16xi32>
    %ne3A_237 = arith.cmpi ne, %rem3A_234, %ne3A_236 : vector<16xi32>
    %lt3A_238 = arith.constant 0 : i32
    %lt3A_239 = vector.broadcast %lt3A_238 : i32 to vector<16xi32>
    %lt3A_240 = arith.cmpi slt, %rem3A_234, %lt3A_239 : vector<16xi32>
    %lt3A_241 = arith.constant 0 : i32
    %lt3A_242 = arith.cmpi slt, %select_n3A_232, %lt3A_241 : i32
    %ne3A_243 = vector.broadcast %lt3A_242 : i1 to vector<16xi1>
    %ne3A_244 = vector.broadcast %ne3A_243 : vector<16xi1> to vector<16xi1>
    %ne3A_245 = arith.xori %lt3A_240, %ne3A_244 : vector<16xi1>
    %and3A_246 = arith.andi %ne3A_245, %ne3A_237 : vector<16xi1>
    %add3A_247 = vector.broadcast %select_n3A_232 : i32 to vector<16xi32>
    %add3A_248 = arith.addi %rem3A_234, %add3A_247 : vector<16xi32>
    %select_n3A_249 = arith.select %and3A_246, %add3A_248, %rem3A_234 : vector<16xi1>, vector<16xi32>
    %add3A_250 = arith.constant 0 : i32
    %add3A_251 = vector.broadcast %add3A_250 : i32 to vector<16xi32>
    %add3A_252 = arith.addi %add3A_251, %select_n3A_249 : vector<16xi32>
    %add3A_253 = arith.constant 9 : i32
    %add3A_254 = vector.broadcast %add3A_253 : i32 to vector<16xi32>
    %add3A_255 = arith.addi %iota3A, %add3A_254 : vector<16xi32>
    %jit3A_256 = arith.constant 16 : i32
    %eq3A_257 = arith.constant 0 : i32
    %eq3A_258 = arith.cmpi eq, %jit3A_256, %eq3A_257 : i32
    %jit3A_259 = arith.constant 1 : i32
    %select_n3A_260 = arith.select %eq3A_258, %jit3A_259, %jit3A_256 : i32
    %rem3A_261 = vector.broadcast %select_n3A_260 : i32 to vector<16xi32>
    %rem3A_262 = arith.remsi %add3A_255, %rem3A_261 : vector<16xi32>
    %ne3A_263 = arith.constant 0 : i32
    %ne3A_264 = vector.broadcast %ne3A_263 : i32 to vector<16xi32>
    %ne3A_265 = arith.cmpi ne, %rem3A_262, %ne3A_264 : vector<16xi32>
    %lt3A_266 = arith.constant 0 : i32
    %lt3A_267 = vector.broadcast %lt3A_266 : i32 to vector<16xi32>
    %lt3A_268 = arith.cmpi slt, %rem3A_262, %lt3A_267 : vector<16xi32>
    %lt3A_269 = arith.constant 0 : i32
    %lt3A_270 = arith.cmpi slt, %select_n3A_260, %lt3A_269 : i32
    %ne3A_271 = vector.broadcast %lt3A_270 : i1 to vector<16xi1>
    %ne3A_272 = vector.broadcast %ne3A_271 : vector<16xi1> to vector<16xi1>
    %ne3A_273 = arith.xori %lt3A_268, %ne3A_272 : vector<16xi1>
    %and3A_274 = arith.andi %ne3A_273, %ne3A_265 : vector<16xi1>
    %add3A_275 = vector.broadcast %select_n3A_260 : i32 to vector<16xi32>
    %add3A_276 = arith.addi %rem3A_262, %add3A_275 : vector<16xi32>
    %select_n3A_277 = arith.select %and3A_274, %add3A_276, %rem3A_262 : vector<16xi1>, vector<16xi32>
    %add3A_278 = arith.constant 0 : i32
    %add3A_279 = vector.broadcast %add3A_278 : i32 to vector<16xi32>
    %add3A_280 = arith.addi %add3A_279, %select_n3A_277 : vector<16xi32>
    %add3A_281 = arith.constant 10 : i32
    %add3A_282 = vector.broadcast %add3A_281 : i32 to vector<16xi32>
    %add3A_283 = arith.addi %iota3A, %add3A_282 : vector<16xi32>
    %jit3A_284 = arith.constant 16 : i32
    %eq3A_285 = arith.constant 0 : i32
    %eq3A_286 = arith.cmpi eq, %jit3A_284, %eq3A_285 : i32
    %jit3A_287 = arith.constant 1 : i32
    %select_n3A_288 = arith.select %eq3A_286, %jit3A_287, %jit3A_284 : i32
    %rem3A_289 = vector.broadcast %select_n3A_288 : i32 to vector<16xi32>
    %rem3A_290 = arith.remsi %add3A_283, %rem3A_289 : vector<16xi32>
    %ne3A_291 = arith.constant 0 : i32
    %ne3A_292 = vector.broadcast %ne3A_291 : i32 to vector<16xi32>
    %ne3A_293 = arith.cmpi ne, %rem3A_290, %ne3A_292 : vector<16xi32>
    %lt3A_294 = arith.constant 0 : i32
    %lt3A_295 = vector.broadcast %lt3A_294 : i32 to vector<16xi32>
    %lt3A_296 = arith.cmpi slt, %rem3A_290, %lt3A_295 : vector<16xi32>
    %lt3A_297 = arith.constant 0 : i32
    %lt3A_298 = arith.cmpi slt, %select_n3A_288, %lt3A_297 : i32
    %ne3A_299 = vector.broadcast %lt3A_298 : i1 to vector<16xi1>
    %ne3A_300 = vector.broadcast %ne3A_299 : vector<16xi1> to vector<16xi1>
    %ne3A_301 = arith.xori %lt3A_296, %ne3A_300 : vector<16xi1>
    %and3A_302 = arith.andi %ne3A_301, %ne3A_293 : vector<16xi1>
    %add3A_303 = vector.broadcast %select_n3A_288 : i32 to vector<16xi32>
    %add3A_304 = arith.addi %rem3A_290, %add3A_303 : vector<16xi32>
    %select_n3A_305 = arith.select %and3A_302, %add3A_304, %rem3A_290 : vector<16xi1>, vector<16xi32>
    %add3A_306 = arith.constant 0 : i32
    %add3A_307 = vector.broadcast %add3A_306 : i32 to vector<16xi32>
    %add3A_308 = arith.addi %add3A_307, %select_n3A_305 : vector<16xi32>
    %add3A_309 = arith.constant 11 : i32
    %add3A_310 = vector.broadcast %add3A_309 : i32 to vector<16xi32>
    %add3A_311 = arith.addi %iota3A, %add3A_310 : vector<16xi32>
    %jit3A_312 = arith.constant 16 : i32
    %eq3A_313 = arith.constant 0 : i32
    %eq3A_314 = arith.cmpi eq, %jit3A_312, %eq3A_313 : i32
    %jit3A_315 = arith.constant 1 : i32
    %select_n3A_316 = arith.select %eq3A_314, %jit3A_315, %jit3A_312 : i32
    %rem3A_317 = vector.broadcast %select_n3A_316 : i32 to vector<16xi32>
    %rem3A_318 = arith.remsi %add3A_311, %rem3A_317 : vector<16xi32>
    %ne3A_319 = arith.constant 0 : i32
    %ne3A_320 = vector.broadcast %ne3A_319 : i32 to vector<16xi32>
    %ne3A_321 = arith.cmpi ne, %rem3A_318, %ne3A_320 : vector<16xi32>
    %lt3A_322 = arith.constant 0 : i32
    %lt3A_323 = vector.broadcast %lt3A_322 : i32 to vector<16xi32>
    %lt3A_324 = arith.cmpi slt, %rem3A_318, %lt3A_323 : vector<16xi32>
    %lt3A_325 = arith.constant 0 : i32
    %lt3A_326 = arith.cmpi slt, %select_n3A_316, %lt3A_325 : i32
    %ne3A_327 = vector.broadcast %lt3A_326 : i1 to vector<16xi1>
    %ne3A_328 = vector.broadcast %ne3A_327 : vector<16xi1> to vector<16xi1>
    %ne3A_329 = arith.xori %lt3A_324, %ne3A_328 : vector<16xi1>
    %and3A_330 = arith.andi %ne3A_329, %ne3A_321 : vector<16xi1>
    %add3A_331 = vector.broadcast %select_n3A_316 : i32 to vector<16xi32>
    %add3A_332 = arith.addi %rem3A_318, %add3A_331 : vector<16xi32>
    %select_n3A_333 = arith.select %and3A_330, %add3A_332, %rem3A_318 : vector<16xi1>, vector<16xi32>
    %add3A_334 = arith.constant 0 : i32
    %add3A_335 = vector.broadcast %add3A_334 : i32 to vector<16xi32>
    %add3A_336 = arith.addi %add3A_335, %select_n3A_333 : vector<16xi32>
    %add3A_337 = arith.constant 12 : i32
    %add3A_338 = vector.broadcast %add3A_337 : i32 to vector<16xi32>
    %add3A_339 = arith.addi %iota3A, %add3A_338 : vector<16xi32>
    %jit3A_340 = arith.constant 16 : i32
    %eq3A_341 = arith.constant 0 : i32
    %eq3A_342 = arith.cmpi eq, %jit3A_340, %eq3A_341 : i32
    %jit3A_343 = arith.constant 1 : i32
    %select_n3A_344 = arith.select %eq3A_342, %jit3A_343, %jit3A_340 : i32
    %rem3A_345 = vector.broadcast %select_n3A_344 : i32 to vector<16xi32>
    %rem3A_346 = arith.remsi %add3A_339, %rem3A_345 : vector<16xi32>
    %ne3A_347 = arith.constant 0 : i32
    %ne3A_348 = vector.broadcast %ne3A_347 : i32 to vector<16xi32>
    %ne3A_349 = arith.cmpi ne, %rem3A_346, %ne3A_348 : vector<16xi32>
    %lt3A_350 = arith.constant 0 : i32
    %lt3A_351 = vector.broadcast %lt3A_350 : i32 to vector<16xi32>
    %lt3A_352 = arith.cmpi slt, %rem3A_346, %lt3A_351 : vector<16xi32>
    %lt3A_353 = arith.constant 0 : i32
    %lt3A_354 = arith.cmpi slt, %select_n3A_344, %lt3A_353 : i32
    %ne3A_355 = vector.broadcast %lt3A_354 : i1 to vector<16xi1>
    %ne3A_356 = vector.broadcast %ne3A_355 : vector<16xi1> to vector<16xi1>
    %ne3A_357 = arith.xori %lt3A_352, %ne3A_356 : vector<16xi1>
    %and3A_358 = arith.andi %ne3A_357, %ne3A_349 : vector<16xi1>
    %add3A_359 = vector.broadcast %select_n3A_344 : i32 to vector<16xi32>
    %add3A_360 = arith.addi %rem3A_346, %add3A_359 : vector<16xi32>
    %select_n3A_361 = arith.select %and3A_358, %add3A_360, %rem3A_346 : vector<16xi1>, vector<16xi32>
    %add3A_362 = arith.constant 0 : i32
    %add3A_363 = vector.broadcast %add3A_362 : i32 to vector<16xi32>
    %add3A_364 = arith.addi %add3A_363, %select_n3A_361 : vector<16xi32>
    %add3A_365 = arith.constant 13 : i32
    %add3A_366 = vector.broadcast %add3A_365 : i32 to vector<16xi32>
    %add3A_367 = arith.addi %iota3A, %add3A_366 : vector<16xi32>
    %jit3A_368 = arith.constant 16 : i32
    %eq3A_369 = arith.constant 0 : i32
    %eq3A_370 = arith.cmpi eq, %jit3A_368, %eq3A_369 : i32
    %jit3A_371 = arith.constant 1 : i32
    %select_n3A_372 = arith.select %eq3A_370, %jit3A_371, %jit3A_368 : i32
    %rem3A_373 = vector.broadcast %select_n3A_372 : i32 to vector<16xi32>
    %rem3A_374 = arith.remsi %add3A_367, %rem3A_373 : vector<16xi32>
    %ne3A_375 = arith.constant 0 : i32
    %ne3A_376 = vector.broadcast %ne3A_375 : i32 to vector<16xi32>
    %ne3A_377 = arith.cmpi ne, %rem3A_374, %ne3A_376 : vector<16xi32>
    %lt3A_378 = arith.constant 0 : i32
    %lt3A_379 = vector.broadcast %lt3A_378 : i32 to vector<16xi32>
    %lt3A_380 = arith.cmpi slt, %rem3A_374, %lt3A_379 : vector<16xi32>
    %lt3A_381 = arith.constant 0 : i32
    %lt3A_382 = arith.cmpi slt, %select_n3A_372, %lt3A_381 : i32
    %ne3A_383 = vector.broadcast %lt3A_382 : i1 to vector<16xi1>
    %ne3A_384 = vector.broadcast %ne3A_383 : vector<16xi1> to vector<16xi1>
    %ne3A_385 = arith.xori %lt3A_380, %ne3A_384 : vector<16xi1>
    %and3A_386 = arith.andi %ne3A_385, %ne3A_377 : vector<16xi1>
    %add3A_387 = vector.broadcast %select_n3A_372 : i32 to vector<16xi32>
    %add3A_388 = arith.addi %rem3A_374, %add3A_387 : vector<16xi32>
    %select_n3A_389 = arith.select %and3A_386, %add3A_388, %rem3A_374 : vector<16xi1>, vector<16xi32>
    %add3A_390 = arith.constant 0 : i32
    %add3A_391 = vector.broadcast %add3A_390 : i32 to vector<16xi32>
    %add3A_392 = arith.addi %add3A_391, %select_n3A_389 : vector<16xi32>
    %add3A_393 = arith.constant 14 : i32
    %add3A_394 = vector.broadcast %add3A_393 : i32 to vector<16xi32>
    %add3A_395 = arith.addi %iota3A, %add3A_394 : vector<16xi32>
    %jit3A_396 = arith.constant 16 : i32
    %eq3A_397 = arith.constant 0 : i32
    %eq3A_398 = arith.cmpi eq, %jit3A_396, %eq3A_397 : i32
    %jit3A_399 = arith.constant 1 : i32
    %select_n3A_400 = arith.select %eq3A_398, %jit3A_399, %jit3A_396 : i32
    %rem3A_401 = vector.broadcast %select_n3A_400 : i32 to vector<16xi32>
    %rem3A_402 = arith.remsi %add3A_395, %rem3A_401 : vector<16xi32>
    %ne3A_403 = arith.constant 0 : i32
    %ne3A_404 = vector.broadcast %ne3A_403 : i32 to vector<16xi32>
    %ne3A_405 = arith.cmpi ne, %rem3A_402, %ne3A_404 : vector<16xi32>
    %lt3A_406 = arith.constant 0 : i32
    %lt3A_407 = vector.broadcast %lt3A_406 : i32 to vector<16xi32>
    %lt3A_408 = arith.cmpi slt, %rem3A_402, %lt3A_407 : vector<16xi32>
    %lt3A_409 = arith.constant 0 : i32
    %lt3A_410 = arith.cmpi slt, %select_n3A_400, %lt3A_409 : i32
    %ne3A_411 = vector.broadcast %lt3A_410 : i1 to vector<16xi1>
    %ne3A_412 = vector.broadcast %ne3A_411 : vector<16xi1> to vector<16xi1>
    %ne3A_413 = arith.xori %lt3A_408, %ne3A_412 : vector<16xi1>
    %and3A_414 = arith.andi %ne3A_413, %ne3A_405 : vector<16xi1>
    %add3A_415 = vector.broadcast %select_n3A_400 : i32 to vector<16xi32>
    %add3A_416 = arith.addi %rem3A_402, %add3A_415 : vector<16xi32>
    %select_n3A_417 = arith.select %and3A_414, %add3A_416, %rem3A_402 : vector<16xi1>, vector<16xi32>
    %add3A_418 = arith.constant 0 : i32
    %add3A_419 = vector.broadcast %add3A_418 : i32 to vector<16xi32>
    %add3A_420 = arith.addi %add3A_419, %select_n3A_417 : vector<16xi32>
    %add3A_421 = arith.constant 15 : i32
    %add3A_422 = vector.broadcast %add3A_421 : i32 to vector<16xi32>
    %add3A_423 = arith.addi %iota3A, %add3A_422 : vector<16xi32>
    %jit3A_424 = arith.constant 16 : i32
    %eq3A_425 = arith.constant 0 : i32
    %eq3A_426 = arith.cmpi eq, %jit3A_424, %eq3A_425 : i32
    %jit3A_427 = arith.constant 1 : i32
    %select_n3A_428 = arith.select %eq3A_426, %jit3A_427, %jit3A_424 : i32
    %rem3A_429 = vector.broadcast %select_n3A_428 : i32 to vector<16xi32>
    %rem3A_430 = arith.remsi %add3A_423, %rem3A_429 : vector<16xi32>
    %ne3A_431 = arith.constant 0 : i32
    %ne3A_432 = vector.broadcast %ne3A_431 : i32 to vector<16xi32>
    %ne3A_433 = arith.cmpi ne, %rem3A_430, %ne3A_432 : vector<16xi32>
    %lt3A_434 = arith.constant 0 : i32
    %lt3A_435 = vector.broadcast %lt3A_434 : i32 to vector<16xi32>
    %lt3A_436 = arith.cmpi slt, %rem3A_430, %lt3A_435 : vector<16xi32>
    %lt3A_437 = arith.constant 0 : i32
    %lt3A_438 = arith.cmpi slt, %select_n3A_428, %lt3A_437 : i32
    %ne3A_439 = vector.broadcast %lt3A_438 : i1 to vector<16xi1>
    %ne3A_440 = vector.broadcast %ne3A_439 : vector<16xi1> to vector<16xi1>
    %ne3A_441 = arith.xori %lt3A_436, %ne3A_440 : vector<16xi1>
    %and3A_442 = arith.andi %ne3A_441, %ne3A_433 : vector<16xi1>
    %add3A_443 = vector.broadcast %select_n3A_428 : i32 to vector<16xi32>
    %add3A_444 = arith.addi %rem3A_430, %add3A_443 : vector<16xi32>
    %select_n3A_445 = arith.select %and3A_442, %add3A_444, %rem3A_430 : vector<16xi1>, vector<16xi32>
    %add3A_446 = arith.constant 0 : i32
    %add3A_447 = vector.broadcast %add3A_446 : i32 to vector<16xi32>
    %add3A_448 = arith.addi %add3A_447, %select_n3A_445 : vector<16xi32>
    %add3A_449 = arith.constant 0 : i32
    %add3A_450 = vector.broadcast %add3A_449 : i32 to vector<16xi32>
    %add3A_451 = arith.addi %iota3A, %add3A_450 : vector<16xi32>
    %jit3A_452 = arith.constant 16 : i32
    %eq3A_453 = arith.constant 0 : i32
    %eq3A_454 = arith.cmpi eq, %jit3A_452, %eq3A_453 : i32
    %jit3A_455 = arith.constant 1 : i32
    %select_n3A_456 = arith.select %eq3A_454, %jit3A_455, %jit3A_452 : i32
    %rem3A_457 = vector.broadcast %select_n3A_456 : i32 to vector<16xi32>
    %rem3A_458 = arith.remsi %add3A_451, %rem3A_457 : vector<16xi32>
    %ne3A_459 = arith.constant 0 : i32
    %ne3A_460 = vector.broadcast %ne3A_459 : i32 to vector<16xi32>
    %ne3A_461 = arith.cmpi ne, %rem3A_458, %ne3A_460 : vector<16xi32>
    %lt3A_462 = arith.constant 0 : i32
    %lt3A_463 = vector.broadcast %lt3A_462 : i32 to vector<16xi32>
    %lt3A_464 = arith.cmpi slt, %rem3A_458, %lt3A_463 : vector<16xi32>
    %lt3A_465 = arith.constant 0 : i32
    %lt3A_466 = arith.cmpi slt, %select_n3A_456, %lt3A_465 : i32
    %ne3A_467 = vector.broadcast %lt3A_466 : i1 to vector<16xi1>
    %ne3A_468 = vector.broadcast %ne3A_467 : vector<16xi1> to vector<16xi1>
    %ne3A_469 = arith.xori %lt3A_464, %ne3A_468 : vector<16xi1>
    %and3A_470 = arith.andi %ne3A_469, %ne3A_461 : vector<16xi1>
    %add3A_471 = vector.broadcast %select_n3A_456 : i32 to vector<16xi32>
    %add3A_472 = arith.addi %rem3A_458, %add3A_471 : vector<16xi32>
    %select_n3A_473 = arith.select %and3A_470, %add3A_472, %rem3A_458 : vector<16xi1>, vector<16xi32>
    %add3A_474 = arith.constant 16 : i32
    %add3A_475 = vector.broadcast %add3A_474 : i32 to vector<16xi32>
    %add3A_476 = arith.addi %add3A_475, %select_n3A_473 : vector<16xi32>
    %add3A_477 = arith.constant 1 : i32
    %add3A_478 = vector.broadcast %add3A_477 : i32 to vector<16xi32>
    %add3A_479 = arith.addi %iota3A, %add3A_478 : vector<16xi32>
    %jit3A_480 = arith.constant 16 : i32
    %eq3A_481 = arith.constant 0 : i32
    %eq3A_482 = arith.cmpi eq, %jit3A_480, %eq3A_481 : i32
    %jit3A_483 = arith.constant 1 : i32
    %select_n3A_484 = arith.select %eq3A_482, %jit3A_483, %jit3A_480 : i32
    %rem3A_485 = vector.broadcast %select_n3A_484 : i32 to vector<16xi32>
    %rem3A_486 = arith.remsi %add3A_479, %rem3A_485 : vector<16xi32>
    %ne3A_487 = arith.constant 0 : i32
    %ne3A_488 = vector.broadcast %ne3A_487 : i32 to vector<16xi32>
    %ne3A_489 = arith.cmpi ne, %rem3A_486, %ne3A_488 : vector<16xi32>
    %lt3A_490 = arith.constant 0 : i32
    %lt3A_491 = vector.broadcast %lt3A_490 : i32 to vector<16xi32>
    %lt3A_492 = arith.cmpi slt, %rem3A_486, %lt3A_491 : vector<16xi32>
    %lt3A_493 = arith.constant 0 : i32
    %lt3A_494 = arith.cmpi slt, %select_n3A_484, %lt3A_493 : i32
    %ne3A_495 = vector.broadcast %lt3A_494 : i1 to vector<16xi1>
    %ne3A_496 = vector.broadcast %ne3A_495 : vector<16xi1> to vector<16xi1>
    %ne3A_497 = arith.xori %lt3A_492, %ne3A_496 : vector<16xi1>
    %and3A_498 = arith.andi %ne3A_497, %ne3A_489 : vector<16xi1>
    %add3A_499 = vector.broadcast %select_n3A_484 : i32 to vector<16xi32>
    %add3A_500 = arith.addi %rem3A_486, %add3A_499 : vector<16xi32>
    %select_n3A_501 = arith.select %and3A_498, %add3A_500, %rem3A_486 : vector<16xi1>, vector<16xi32>
    %add3A_502 = arith.constant 16 : i32
    %add3A_503 = vector.broadcast %add3A_502 : i32 to vector<16xi32>
    %add3A_504 = arith.addi %add3A_503, %select_n3A_501 : vector<16xi32>
    %add3A_505 = arith.constant 2 : i32
    %add3A_506 = vector.broadcast %add3A_505 : i32 to vector<16xi32>
    %add3A_507 = arith.addi %iota3A, %add3A_506 : vector<16xi32>
    %jit3A_508 = arith.constant 16 : i32
    %eq3A_509 = arith.constant 0 : i32
    %eq3A_510 = arith.cmpi eq, %jit3A_508, %eq3A_509 : i32
    %jit3A_511 = arith.constant 1 : i32
    %select_n3A_512 = arith.select %eq3A_510, %jit3A_511, %jit3A_508 : i32
    %rem3A_513 = vector.broadcast %select_n3A_512 : i32 to vector<16xi32>
    %rem3A_514 = arith.remsi %add3A_507, %rem3A_513 : vector<16xi32>
    %ne3A_515 = arith.constant 0 : i32
    %ne3A_516 = vector.broadcast %ne3A_515 : i32 to vector<16xi32>
    %ne3A_517 = arith.cmpi ne, %rem3A_514, %ne3A_516 : vector<16xi32>
    %lt3A_518 = arith.constant 0 : i32
    %lt3A_519 = vector.broadcast %lt3A_518 : i32 to vector<16xi32>
    %lt3A_520 = arith.cmpi slt, %rem3A_514, %lt3A_519 : vector<16xi32>
    %lt3A_521 = arith.constant 0 : i32
    %lt3A_522 = arith.cmpi slt, %select_n3A_512, %lt3A_521 : i32
    %ne3A_523 = vector.broadcast %lt3A_522 : i1 to vector<16xi1>
    %ne3A_524 = vector.broadcast %ne3A_523 : vector<16xi1> to vector<16xi1>
    %ne3A_525 = arith.xori %lt3A_520, %ne3A_524 : vector<16xi1>
    %and3A_526 = arith.andi %ne3A_525, %ne3A_517 : vector<16xi1>
    %add3A_527 = vector.broadcast %select_n3A_512 : i32 to vector<16xi32>
    %add3A_528 = arith.addi %rem3A_514, %add3A_527 : vector<16xi32>
    %select_n3A_529 = arith.select %and3A_526, %add3A_528, %rem3A_514 : vector<16xi1>, vector<16xi32>
    %add3A_530 = arith.constant 16 : i32
    %add3A_531 = vector.broadcast %add3A_530 : i32 to vector<16xi32>
    %add3A_532 = arith.addi %add3A_531, %select_n3A_529 : vector<16xi32>
    %add3A_533 = arith.constant 3 : i32
    %add3A_534 = vector.broadcast %add3A_533 : i32 to vector<16xi32>
    %add3A_535 = arith.addi %iota3A, %add3A_534 : vector<16xi32>
    %jit3A_536 = arith.constant 16 : i32
    %eq3A_537 = arith.constant 0 : i32
    %eq3A_538 = arith.cmpi eq, %jit3A_536, %eq3A_537 : i32
    %jit3A_539 = arith.constant 1 : i32
    %select_n3A_540 = arith.select %eq3A_538, %jit3A_539, %jit3A_536 : i32
    %rem3A_541 = vector.broadcast %select_n3A_540 : i32 to vector<16xi32>
    %rem3A_542 = arith.remsi %add3A_535, %rem3A_541 : vector<16xi32>
    %ne3A_543 = arith.constant 0 : i32
    %ne3A_544 = vector.broadcast %ne3A_543 : i32 to vector<16xi32>
    %ne3A_545 = arith.cmpi ne, %rem3A_542, %ne3A_544 : vector<16xi32>
    %lt3A_546 = arith.constant 0 : i32
    %lt3A_547 = vector.broadcast %lt3A_546 : i32 to vector<16xi32>
    %lt3A_548 = arith.cmpi slt, %rem3A_542, %lt3A_547 : vector<16xi32>
    %lt3A_549 = arith.constant 0 : i32
    %lt3A_550 = arith.cmpi slt, %select_n3A_540, %lt3A_549 : i32
    %ne3A_551 = vector.broadcast %lt3A_550 : i1 to vector<16xi1>
    %ne3A_552 = vector.broadcast %ne3A_551 : vector<16xi1> to vector<16xi1>
    %ne3A_553 = arith.xori %lt3A_548, %ne3A_552 : vector<16xi1>
    %and3A_554 = arith.andi %ne3A_553, %ne3A_545 : vector<16xi1>
    %add3A_555 = vector.broadcast %select_n3A_540 : i32 to vector<16xi32>
    %add3A_556 = arith.addi %rem3A_542, %add3A_555 : vector<16xi32>
    %select_n3A_557 = arith.select %and3A_554, %add3A_556, %rem3A_542 : vector<16xi1>, vector<16xi32>
    %add3A_558 = arith.constant 16 : i32
    %add3A_559 = vector.broadcast %add3A_558 : i32 to vector<16xi32>
    %add3A_560 = arith.addi %add3A_559, %select_n3A_557 : vector<16xi32>
    %add3A_561 = arith.constant 4 : i32
    %add3A_562 = vector.broadcast %add3A_561 : i32 to vector<16xi32>
    %add3A_563 = arith.addi %iota3A, %add3A_562 : vector<16xi32>
    %jit3A_564 = arith.constant 16 : i32
    %eq3A_565 = arith.constant 0 : i32
    %eq3A_566 = arith.cmpi eq, %jit3A_564, %eq3A_565 : i32
    %jit3A_567 = arith.constant 1 : i32
    %select_n3A_568 = arith.select %eq3A_566, %jit3A_567, %jit3A_564 : i32
    %rem3A_569 = vector.broadcast %select_n3A_568 : i32 to vector<16xi32>
    %rem3A_570 = arith.remsi %add3A_563, %rem3A_569 : vector<16xi32>
    %ne3A_571 = arith.constant 0 : i32
    %ne3A_572 = vector.broadcast %ne3A_571 : i32 to vector<16xi32>
    %ne3A_573 = arith.cmpi ne, %rem3A_570, %ne3A_572 : vector<16xi32>
    %lt3A_574 = arith.constant 0 : i32
    %lt3A_575 = vector.broadcast %lt3A_574 : i32 to vector<16xi32>
    %lt3A_576 = arith.cmpi slt, %rem3A_570, %lt3A_575 : vector<16xi32>
    %lt3A_577 = arith.constant 0 : i32
    %lt3A_578 = arith.cmpi slt, %select_n3A_568, %lt3A_577 : i32
    %ne3A_579 = vector.broadcast %lt3A_578 : i1 to vector<16xi1>
    %ne3A_580 = vector.broadcast %ne3A_579 : vector<16xi1> to vector<16xi1>
    %ne3A_581 = arith.xori %lt3A_576, %ne3A_580 : vector<16xi1>
    %and3A_582 = arith.andi %ne3A_581, %ne3A_573 : vector<16xi1>
    %add3A_583 = vector.broadcast %select_n3A_568 : i32 to vector<16xi32>
    %add3A_584 = arith.addi %rem3A_570, %add3A_583 : vector<16xi32>
    %select_n3A_585 = arith.select %and3A_582, %add3A_584, %rem3A_570 : vector<16xi1>, vector<16xi32>
    %add3A_586 = arith.constant 16 : i32
    %add3A_587 = vector.broadcast %add3A_586 : i32 to vector<16xi32>
    %add3A_588 = arith.addi %add3A_587, %select_n3A_585 : vector<16xi32>
    %add3A_589 = arith.constant 5 : i32
    %add3A_590 = vector.broadcast %add3A_589 : i32 to vector<16xi32>
    %add3A_591 = arith.addi %iota3A, %add3A_590 : vector<16xi32>
    %jit3A_592 = arith.constant 16 : i32
    %eq3A_593 = arith.constant 0 : i32
    %eq3A_594 = arith.cmpi eq, %jit3A_592, %eq3A_593 : i32
    %jit3A_595 = arith.constant 1 : i32
    %select_n3A_596 = arith.select %eq3A_594, %jit3A_595, %jit3A_592 : i32
    %rem3A_597 = vector.broadcast %select_n3A_596 : i32 to vector<16xi32>
    %rem3A_598 = arith.remsi %add3A_591, %rem3A_597 : vector<16xi32>
    %ne3A_599 = arith.constant 0 : i32
    %ne3A_600 = vector.broadcast %ne3A_599 : i32 to vector<16xi32>
    %ne3A_601 = arith.cmpi ne, %rem3A_598, %ne3A_600 : vector<16xi32>
    %lt3A_602 = arith.constant 0 : i32
    %lt3A_603 = vector.broadcast %lt3A_602 : i32 to vector<16xi32>
    %lt3A_604 = arith.cmpi slt, %rem3A_598, %lt3A_603 : vector<16xi32>
    %lt3A_605 = arith.constant 0 : i32
    %lt3A_606 = arith.cmpi slt, %select_n3A_596, %lt3A_605 : i32
    %ne3A_607 = vector.broadcast %lt3A_606 : i1 to vector<16xi1>
    %ne3A_608 = vector.broadcast %ne3A_607 : vector<16xi1> to vector<16xi1>
    %ne3A_609 = arith.xori %lt3A_604, %ne3A_608 : vector<16xi1>
    %and3A_610 = arith.andi %ne3A_609, %ne3A_601 : vector<16xi1>
    %add3A_611 = vector.broadcast %select_n3A_596 : i32 to vector<16xi32>
    %add3A_612 = arith.addi %rem3A_598, %add3A_611 : vector<16xi32>
    %select_n3A_613 = arith.select %and3A_610, %add3A_612, %rem3A_598 : vector<16xi1>, vector<16xi32>
    %add3A_614 = arith.constant 16 : i32
    %add3A_615 = vector.broadcast %add3A_614 : i32 to vector<16xi32>
    %add3A_616 = arith.addi %add3A_615, %select_n3A_613 : vector<16xi32>
    %add3A_617 = arith.constant 6 : i32
    %add3A_618 = vector.broadcast %add3A_617 : i32 to vector<16xi32>
    %add3A_619 = arith.addi %iota3A, %add3A_618 : vector<16xi32>
    %jit3A_620 = arith.constant 16 : i32
    %eq3A_621 = arith.constant 0 : i32
    %eq3A_622 = arith.cmpi eq, %jit3A_620, %eq3A_621 : i32
    %jit3A_623 = arith.constant 1 : i32
    %select_n3A_624 = arith.select %eq3A_622, %jit3A_623, %jit3A_620 : i32
    %rem3A_625 = vector.broadcast %select_n3A_624 : i32 to vector<16xi32>
    %rem3A_626 = arith.remsi %add3A_619, %rem3A_625 : vector<16xi32>
    %ne3A_627 = arith.constant 0 : i32
    %ne3A_628 = vector.broadcast %ne3A_627 : i32 to vector<16xi32>
    %ne3A_629 = arith.cmpi ne, %rem3A_626, %ne3A_628 : vector<16xi32>
    %lt3A_630 = arith.constant 0 : i32
    %lt3A_631 = vector.broadcast %lt3A_630 : i32 to vector<16xi32>
    %lt3A_632 = arith.cmpi slt, %rem3A_626, %lt3A_631 : vector<16xi32>
    %lt3A_633 = arith.constant 0 : i32
    %lt3A_634 = arith.cmpi slt, %select_n3A_624, %lt3A_633 : i32
    %ne3A_635 = vector.broadcast %lt3A_634 : i1 to vector<16xi1>
    %ne3A_636 = vector.broadcast %ne3A_635 : vector<16xi1> to vector<16xi1>
    %ne3A_637 = arith.xori %lt3A_632, %ne3A_636 : vector<16xi1>
    %and3A_638 = arith.andi %ne3A_637, %ne3A_629 : vector<16xi1>
    %add3A_639 = vector.broadcast %select_n3A_624 : i32 to vector<16xi32>
    %add3A_640 = arith.addi %rem3A_626, %add3A_639 : vector<16xi32>
    %select_n3A_641 = arith.select %and3A_638, %add3A_640, %rem3A_626 : vector<16xi1>, vector<16xi32>
    %add3A_642 = arith.constant 16 : i32
    %add3A_643 = vector.broadcast %add3A_642 : i32 to vector<16xi32>
    %add3A_644 = arith.addi %add3A_643, %select_n3A_641 : vector<16xi32>
    %add3A_645 = arith.constant 7 : i32
    %add3A_646 = vector.broadcast %add3A_645 : i32 to vector<16xi32>
    %add3A_647 = arith.addi %iota3A, %add3A_646 : vector<16xi32>
    %jit3A_648 = arith.constant 16 : i32
    %eq3A_649 = arith.constant 0 : i32
    %eq3A_650 = arith.cmpi eq, %jit3A_648, %eq3A_649 : i32
    %jit3A_651 = arith.constant 1 : i32
    %select_n3A_652 = arith.select %eq3A_650, %jit3A_651, %jit3A_648 : i32
    %rem3A_653 = vector.broadcast %select_n3A_652 : i32 to vector<16xi32>
    %rem3A_654 = arith.remsi %add3A_647, %rem3A_653 : vector<16xi32>
    %ne3A_655 = arith.constant 0 : i32
    %ne3A_656 = vector.broadcast %ne3A_655 : i32 to vector<16xi32>
    %ne3A_657 = arith.cmpi ne, %rem3A_654, %ne3A_656 : vector<16xi32>
    %lt3A_658 = arith.constant 0 : i32
    %lt3A_659 = vector.broadcast %lt3A_658 : i32 to vector<16xi32>
    %lt3A_660 = arith.cmpi slt, %rem3A_654, %lt3A_659 : vector<16xi32>
    %lt3A_661 = arith.constant 0 : i32
    %lt3A_662 = arith.cmpi slt, %select_n3A_652, %lt3A_661 : i32
    %ne3A_663 = vector.broadcast %lt3A_662 : i1 to vector<16xi1>
    %ne3A_664 = vector.broadcast %ne3A_663 : vector<16xi1> to vector<16xi1>
    %ne3A_665 = arith.xori %lt3A_660, %ne3A_664 : vector<16xi1>
    %and3A_666 = arith.andi %ne3A_665, %ne3A_657 : vector<16xi1>
    %add3A_667 = vector.broadcast %select_n3A_652 : i32 to vector<16xi32>
    %add3A_668 = arith.addi %rem3A_654, %add3A_667 : vector<16xi32>
    %select_n3A_669 = arith.select %and3A_666, %add3A_668, %rem3A_654 : vector<16xi1>, vector<16xi32>
    %add3A_670 = arith.constant 16 : i32
    %add3A_671 = vector.broadcast %add3A_670 : i32 to vector<16xi32>
    %add3A_672 = arith.addi %add3A_671, %select_n3A_669 : vector<16xi32>
    %add3A_673 = arith.constant 8 : i32
    %add3A_674 = vector.broadcast %add3A_673 : i32 to vector<16xi32>
    %add3A_675 = arith.addi %iota3A, %add3A_674 : vector<16xi32>
    %jit3A_676 = arith.constant 16 : i32
    %eq3A_677 = arith.constant 0 : i32
    %eq3A_678 = arith.cmpi eq, %jit3A_676, %eq3A_677 : i32
    %jit3A_679 = arith.constant 1 : i32
    %select_n3A_680 = arith.select %eq3A_678, %jit3A_679, %jit3A_676 : i32
    %rem3A_681 = vector.broadcast %select_n3A_680 : i32 to vector<16xi32>
    %rem3A_682 = arith.remsi %add3A_675, %rem3A_681 : vector<16xi32>
    %ne3A_683 = arith.constant 0 : i32
    %ne3A_684 = vector.broadcast %ne3A_683 : i32 to vector<16xi32>
    %ne3A_685 = arith.cmpi ne, %rem3A_682, %ne3A_684 : vector<16xi32>
    %lt3A_686 = arith.constant 0 : i32
    %lt3A_687 = vector.broadcast %lt3A_686 : i32 to vector<16xi32>
    %lt3A_688 = arith.cmpi slt, %rem3A_682, %lt3A_687 : vector<16xi32>
    %lt3A_689 = arith.constant 0 : i32
    %lt3A_690 = arith.cmpi slt, %select_n3A_680, %lt3A_689 : i32
    %ne3A_691 = vector.broadcast %lt3A_690 : i1 to vector<16xi1>
    %ne3A_692 = vector.broadcast %ne3A_691 : vector<16xi1> to vector<16xi1>
    %ne3A_693 = arith.xori %lt3A_688, %ne3A_692 : vector<16xi1>
    %and3A_694 = arith.andi %ne3A_693, %ne3A_685 : vector<16xi1>
    %add3A_695 = vector.broadcast %select_n3A_680 : i32 to vector<16xi32>
    %add3A_696 = arith.addi %rem3A_682, %add3A_695 : vector<16xi32>
    %select_n3A_697 = arith.select %and3A_694, %add3A_696, %rem3A_682 : vector<16xi1>, vector<16xi32>
    %add3A_698 = arith.constant 16 : i32
    %add3A_699 = vector.broadcast %add3A_698 : i32 to vector<16xi32>
    %add3A_700 = arith.addi %add3A_699, %select_n3A_697 : vector<16xi32>
    %add3A_701 = arith.constant 9 : i32
    %add3A_702 = vector.broadcast %add3A_701 : i32 to vector<16xi32>
    %add3A_703 = arith.addi %iota3A, %add3A_702 : vector<16xi32>
    %jit3A_704 = arith.constant 16 : i32
    %eq3A_705 = arith.constant 0 : i32
    %eq3A_706 = arith.cmpi eq, %jit3A_704, %eq3A_705 : i32
    %jit3A_707 = arith.constant 1 : i32
    %select_n3A_708 = arith.select %eq3A_706, %jit3A_707, %jit3A_704 : i32
    %rem3A_709 = vector.broadcast %select_n3A_708 : i32 to vector<16xi32>
    %rem3A_710 = arith.remsi %add3A_703, %rem3A_709 : vector<16xi32>
    %ne3A_711 = arith.constant 0 : i32
    %ne3A_712 = vector.broadcast %ne3A_711 : i32 to vector<16xi32>
    %ne3A_713 = arith.cmpi ne, %rem3A_710, %ne3A_712 : vector<16xi32>
    %lt3A_714 = arith.constant 0 : i32
    %lt3A_715 = vector.broadcast %lt3A_714 : i32 to vector<16xi32>
    %lt3A_716 = arith.cmpi slt, %rem3A_710, %lt3A_715 : vector<16xi32>
    %lt3A_717 = arith.constant 0 : i32
    %lt3A_718 = arith.cmpi slt, %select_n3A_708, %lt3A_717 : i32
    %ne3A_719 = vector.broadcast %lt3A_718 : i1 to vector<16xi1>
    %ne3A_720 = vector.broadcast %ne3A_719 : vector<16xi1> to vector<16xi1>
    %ne3A_721 = arith.xori %lt3A_716, %ne3A_720 : vector<16xi1>
    %and3A_722 = arith.andi %ne3A_721, %ne3A_713 : vector<16xi1>
    %add3A_723 = vector.broadcast %select_n3A_708 : i32 to vector<16xi32>
    %add3A_724 = arith.addi %rem3A_710, %add3A_723 : vector<16xi32>
    %select_n3A_725 = arith.select %and3A_722, %add3A_724, %rem3A_710 : vector<16xi1>, vector<16xi32>
    %add3A_726 = arith.constant 16 : i32
    %add3A_727 = vector.broadcast %add3A_726 : i32 to vector<16xi32>
    %add3A_728 = arith.addi %add3A_727, %select_n3A_725 : vector<16xi32>
    %add3A_729 = arith.constant 10 : i32
    %add3A_730 = vector.broadcast %add3A_729 : i32 to vector<16xi32>
    %add3A_731 = arith.addi %iota3A, %add3A_730 : vector<16xi32>
    %jit3A_732 = arith.constant 16 : i32
    %eq3A_733 = arith.constant 0 : i32
    %eq3A_734 = arith.cmpi eq, %jit3A_732, %eq3A_733 : i32
    %jit3A_735 = arith.constant 1 : i32
    %select_n3A_736 = arith.select %eq3A_734, %jit3A_735, %jit3A_732 : i32
    %rem3A_737 = vector.broadcast %select_n3A_736 : i32 to vector<16xi32>
    %rem3A_738 = arith.remsi %add3A_731, %rem3A_737 : vector<16xi32>
    %ne3A_739 = arith.constant 0 : i32
    %ne3A_740 = vector.broadcast %ne3A_739 : i32 to vector<16xi32>
    %ne3A_741 = arith.cmpi ne, %rem3A_738, %ne3A_740 : vector<16xi32>
    %lt3A_742 = arith.constant 0 : i32
    %lt3A_743 = vector.broadcast %lt3A_742 : i32 to vector<16xi32>
    %lt3A_744 = arith.cmpi slt, %rem3A_738, %lt3A_743 : vector<16xi32>
    %lt3A_745 = arith.constant 0 : i32
    %lt3A_746 = arith.cmpi slt, %select_n3A_736, %lt3A_745 : i32
    %ne3A_747 = vector.broadcast %lt3A_746 : i1 to vector<16xi1>
    %ne3A_748 = vector.broadcast %ne3A_747 : vector<16xi1> to vector<16xi1>
    %ne3A_749 = arith.xori %lt3A_744, %ne3A_748 : vector<16xi1>
    %and3A_750 = arith.andi %ne3A_749, %ne3A_741 : vector<16xi1>
    %add3A_751 = vector.broadcast %select_n3A_736 : i32 to vector<16xi32>
    %add3A_752 = arith.addi %rem3A_738, %add3A_751 : vector<16xi32>
    %select_n3A_753 = arith.select %and3A_750, %add3A_752, %rem3A_738 : vector<16xi1>, vector<16xi32>
    %add3A_754 = arith.constant 16 : i32
    %add3A_755 = vector.broadcast %add3A_754 : i32 to vector<16xi32>
    %add3A_756 = arith.addi %add3A_755, %select_n3A_753 : vector<16xi32>
    %add3A_757 = arith.constant 11 : i32
    %add3A_758 = vector.broadcast %add3A_757 : i32 to vector<16xi32>
    %add3A_759 = arith.addi %iota3A, %add3A_758 : vector<16xi32>
    %jit3A_760 = arith.constant 16 : i32
    %eq3A_761 = arith.constant 0 : i32
    %eq3A_762 = arith.cmpi eq, %jit3A_760, %eq3A_761 : i32
    %jit3A_763 = arith.constant 1 : i32
    %select_n3A_764 = arith.select %eq3A_762, %jit3A_763, %jit3A_760 : i32
    %rem3A_765 = vector.broadcast %select_n3A_764 : i32 to vector<16xi32>
    %rem3A_766 = arith.remsi %add3A_759, %rem3A_765 : vector<16xi32>
    %ne3A_767 = arith.constant 0 : i32
    %ne3A_768 = vector.broadcast %ne3A_767 : i32 to vector<16xi32>
    %ne3A_769 = arith.cmpi ne, %rem3A_766, %ne3A_768 : vector<16xi32>
    %lt3A_770 = arith.constant 0 : i32
    %lt3A_771 = vector.broadcast %lt3A_770 : i32 to vector<16xi32>
    %lt3A_772 = arith.cmpi slt, %rem3A_766, %lt3A_771 : vector<16xi32>
    %lt3A_773 = arith.constant 0 : i32
    %lt3A_774 = arith.cmpi slt, %select_n3A_764, %lt3A_773 : i32
    %ne3A_775 = vector.broadcast %lt3A_774 : i1 to vector<16xi1>
    %ne3A_776 = vector.broadcast %ne3A_775 : vector<16xi1> to vector<16xi1>
    %ne3A_777 = arith.xori %lt3A_772, %ne3A_776 : vector<16xi1>
    %and3A_778 = arith.andi %ne3A_777, %ne3A_769 : vector<16xi1>
    %add3A_779 = vector.broadcast %select_n3A_764 : i32 to vector<16xi32>
    %add3A_780 = arith.addi %rem3A_766, %add3A_779 : vector<16xi32>
    %select_n3A_781 = arith.select %and3A_778, %add3A_780, %rem3A_766 : vector<16xi1>, vector<16xi32>
    %add3A_782 = arith.constant 16 : i32
    %add3A_783 = vector.broadcast %add3A_782 : i32 to vector<16xi32>
    %add3A_784 = arith.addi %add3A_783, %select_n3A_781 : vector<16xi32>
    %add3A_785 = arith.constant 12 : i32
    %add3A_786 = vector.broadcast %add3A_785 : i32 to vector<16xi32>
    %add3A_787 = arith.addi %iota3A, %add3A_786 : vector<16xi32>
    %jit3A_788 = arith.constant 16 : i32
    %eq3A_789 = arith.constant 0 : i32
    %eq3A_790 = arith.cmpi eq, %jit3A_788, %eq3A_789 : i32
    %jit3A_791 = arith.constant 1 : i32
    %select_n3A_792 = arith.select %eq3A_790, %jit3A_791, %jit3A_788 : i32
    %rem3A_793 = vector.broadcast %select_n3A_792 : i32 to vector<16xi32>
    %rem3A_794 = arith.remsi %add3A_787, %rem3A_793 : vector<16xi32>
    %ne3A_795 = arith.constant 0 : i32
    %ne3A_796 = vector.broadcast %ne3A_795 : i32 to vector<16xi32>
    %ne3A_797 = arith.cmpi ne, %rem3A_794, %ne3A_796 : vector<16xi32>
    %lt3A_798 = arith.constant 0 : i32
    %lt3A_799 = vector.broadcast %lt3A_798 : i32 to vector<16xi32>
    %lt3A_800 = arith.cmpi slt, %rem3A_794, %lt3A_799 : vector<16xi32>
    %lt3A_801 = arith.constant 0 : i32
    %lt3A_802 = arith.cmpi slt, %select_n3A_792, %lt3A_801 : i32
    %ne3A_803 = vector.broadcast %lt3A_802 : i1 to vector<16xi1>
    %ne3A_804 = vector.broadcast %ne3A_803 : vector<16xi1> to vector<16xi1>
    %ne3A_805 = arith.xori %lt3A_800, %ne3A_804 : vector<16xi1>
    %and3A_806 = arith.andi %ne3A_805, %ne3A_797 : vector<16xi1>
    %add3A_807 = vector.broadcast %select_n3A_792 : i32 to vector<16xi32>
    %add3A_808 = arith.addi %rem3A_794, %add3A_807 : vector<16xi32>
    %select_n3A_809 = arith.select %and3A_806, %add3A_808, %rem3A_794 : vector<16xi1>, vector<16xi32>
    %add3A_810 = arith.constant 16 : i32
    %add3A_811 = vector.broadcast %add3A_810 : i32 to vector<16xi32>
    %add3A_812 = arith.addi %add3A_811, %select_n3A_809 : vector<16xi32>
    %add3A_813 = arith.constant 13 : i32
    %add3A_814 = vector.broadcast %add3A_813 : i32 to vector<16xi32>
    %add3A_815 = arith.addi %iota3A, %add3A_814 : vector<16xi32>
    %jit3A_816 = arith.constant 16 : i32
    %eq3A_817 = arith.constant 0 : i32
    %eq3A_818 = arith.cmpi eq, %jit3A_816, %eq3A_817 : i32
    %jit3A_819 = arith.constant 1 : i32
    %select_n3A_820 = arith.select %eq3A_818, %jit3A_819, %jit3A_816 : i32
    %rem3A_821 = vector.broadcast %select_n3A_820 : i32 to vector<16xi32>
    %rem3A_822 = arith.remsi %add3A_815, %rem3A_821 : vector<16xi32>
    %ne3A_823 = arith.constant 0 : i32
    %ne3A_824 = vector.broadcast %ne3A_823 : i32 to vector<16xi32>
    %ne3A_825 = arith.cmpi ne, %rem3A_822, %ne3A_824 : vector<16xi32>
    %lt3A_826 = arith.constant 0 : i32
    %lt3A_827 = vector.broadcast %lt3A_826 : i32 to vector<16xi32>
    %lt3A_828 = arith.cmpi slt, %rem3A_822, %lt3A_827 : vector<16xi32>
    %lt3A_829 = arith.constant 0 : i32
    %lt3A_830 = arith.cmpi slt, %select_n3A_820, %lt3A_829 : i32
    %ne3A_831 = vector.broadcast %lt3A_830 : i1 to vector<16xi1>
    %ne3A_832 = vector.broadcast %ne3A_831 : vector<16xi1> to vector<16xi1>
    %ne3A_833 = arith.xori %lt3A_828, %ne3A_832 : vector<16xi1>
    %and3A_834 = arith.andi %ne3A_833, %ne3A_825 : vector<16xi1>
    %add3A_835 = vector.broadcast %select_n3A_820 : i32 to vector<16xi32>
    %add3A_836 = arith.addi %rem3A_822, %add3A_835 : vector<16xi32>
    %select_n3A_837 = arith.select %and3A_834, %add3A_836, %rem3A_822 : vector<16xi1>, vector<16xi32>
    %add3A_838 = arith.constant 16 : i32
    %add3A_839 = vector.broadcast %add3A_838 : i32 to vector<16xi32>
    %add3A_840 = arith.addi %add3A_839, %select_n3A_837 : vector<16xi32>
    %add3A_841 = arith.constant 14 : i32
    %add3A_842 = vector.broadcast %add3A_841 : i32 to vector<16xi32>
    %add3A_843 = arith.addi %iota3A, %add3A_842 : vector<16xi32>
    %jit3A_844 = arith.constant 16 : i32
    %eq3A_845 = arith.constant 0 : i32
    %eq3A_846 = arith.cmpi eq, %jit3A_844, %eq3A_845 : i32
    %jit3A_847 = arith.constant 1 : i32
    %select_n3A_848 = arith.select %eq3A_846, %jit3A_847, %jit3A_844 : i32
    %rem3A_849 = vector.broadcast %select_n3A_848 : i32 to vector<16xi32>
    %rem3A_850 = arith.remsi %add3A_843, %rem3A_849 : vector<16xi32>
    %ne3A_851 = arith.constant 0 : i32
    %ne3A_852 = vector.broadcast %ne3A_851 : i32 to vector<16xi32>
    %ne3A_853 = arith.cmpi ne, %rem3A_850, %ne3A_852 : vector<16xi32>
    %lt3A_854 = arith.constant 0 : i32
    %lt3A_855 = vector.broadcast %lt3A_854 : i32 to vector<16xi32>
    %lt3A_856 = arith.cmpi slt, %rem3A_850, %lt3A_855 : vector<16xi32>
    %lt3A_857 = arith.constant 0 : i32
    %lt3A_858 = arith.cmpi slt, %select_n3A_848, %lt3A_857 : i32
    %ne3A_859 = vector.broadcast %lt3A_858 : i1 to vector<16xi1>
    %ne3A_860 = vector.broadcast %ne3A_859 : vector<16xi1> to vector<16xi1>
    %ne3A_861 = arith.xori %lt3A_856, %ne3A_860 : vector<16xi1>
    %and3A_862 = arith.andi %ne3A_861, %ne3A_853 : vector<16xi1>
    %add3A_863 = vector.broadcast %select_n3A_848 : i32 to vector<16xi32>
    %add3A_864 = arith.addi %rem3A_850, %add3A_863 : vector<16xi32>
    %select_n3A_865 = arith.select %and3A_862, %add3A_864, %rem3A_850 : vector<16xi1>, vector<16xi32>
    %add3A_866 = arith.constant 16 : i32
    %add3A_867 = vector.broadcast %add3A_866 : i32 to vector<16xi32>
    %add3A_868 = arith.addi %add3A_867, %select_n3A_865 : vector<16xi32>
    %add3A_869 = arith.constant 15 : i32
    %add3A_870 = vector.broadcast %add3A_869 : i32 to vector<16xi32>
    %add3A_871 = arith.addi %iota3A, %add3A_870 : vector<16xi32>
    %jit3A_872 = arith.constant 16 : i32
    %eq3A_873 = arith.constant 0 : i32
    %eq3A_874 = arith.cmpi eq, %jit3A_872, %eq3A_873 : i32
    %jit3A_875 = arith.constant 1 : i32
    %select_n3A_876 = arith.select %eq3A_874, %jit3A_875, %jit3A_872 : i32
    %rem3A_877 = vector.broadcast %select_n3A_876 : i32 to vector<16xi32>
    %rem3A_878 = arith.remsi %add3A_871, %rem3A_877 : vector<16xi32>
    %ne3A_879 = arith.constant 0 : i32
    %ne3A_880 = vector.broadcast %ne3A_879 : i32 to vector<16xi32>
    %ne3A_881 = arith.cmpi ne, %rem3A_878, %ne3A_880 : vector<16xi32>
    %lt3A_882 = arith.constant 0 : i32
    %lt3A_883 = vector.broadcast %lt3A_882 : i32 to vector<16xi32>
    %lt3A_884 = arith.cmpi slt, %rem3A_878, %lt3A_883 : vector<16xi32>
    %lt3A_885 = arith.constant 0 : i32
    %lt3A_886 = arith.cmpi slt, %select_n3A_876, %lt3A_885 : i32
    %ne3A_887 = vector.broadcast %lt3A_886 : i1 to vector<16xi1>
    %ne3A_888 = vector.broadcast %ne3A_887 : vector<16xi1> to vector<16xi1>
    %ne3A_889 = arith.xori %lt3A_884, %ne3A_888 : vector<16xi1>
    %and3A_890 = arith.andi %ne3A_889, %ne3A_881 : vector<16xi1>
    %add3A_891 = vector.broadcast %select_n3A_876 : i32 to vector<16xi32>
    %add3A_892 = arith.addi %rem3A_878, %add3A_891 : vector<16xi32>
    %select_n3A_893 = arith.select %and3A_890, %add3A_892, %rem3A_878 : vector<16xi1>, vector<16xi32>
    %add3A_894 = arith.constant 16 : i32
    %add3A_895 = vector.broadcast %add3A_894 : i32 to vector<16xi32>
    %add3A_896 = arith.addi %add3A_895, %select_n3A_893 : vector<16xi32>
    %add3A_897 = arith.constant 0 : i32
    %add3A_898 = arith.addi %mul3A_4, %add3A_897 : i32
    %dma_start3A = tpu.memref_slice %arg2[%add3A_898] : memref<819200xi32, #tpu.memory_space<hbm>> -> memref<800xi32, #tpu.memory_space<hbm>>
    %dma_start3A_899 = tpu.memref_slice %arg2[%add3A_898] : memref<819200xi32, #tpu.memory_space<hbm>> -> memref<800xi32, #tpu.memory_space<hbm>>
    tpu.enqueue_dma source(%dma_start3A_899 : memref<800xi32, #tpu.memory_space<hbm>>) target(%arg5 : memref<800xi32, #tpu.memory_space<vmem>>) target_semaphore(%arg11 : memref<!tpu.dma_semaphore, #tpu.memory_space<semaphore_mem>>)
    %add3A_900 = arith.constant 0 : i32
    %add3A_901 = arith.addi %mul3A_4, %add3A_900 : i32
    %dma_wait3A = tpu.memref_slice %arg2[%add3A_901] : memref<819200xi32, #tpu.memory_space<hbm>> -> memref<800xi32, #tpu.memory_space<hbm>>
    %dma_wait3A_902 = tpu.memref_slice %arg2[%add3A_901] : memref<819200xi32, #tpu.memory_space<hbm>> -> memref<800xi32, #tpu.memory_space<hbm>>
    tpu.wait_dma2 semaphore(%arg11 : memref<!tpu.dma_semaphore, #tpu.memory_space<semaphore_mem>>) src(%dma_wait3A_902 : memref<800xi32, #tpu.memory_space<hbm>>) dst(%arg5 : memref<800xi32, #tpu.memory_space<vmem>>)
    %dma_start3A_903 = arith.constant 0 : i32
    %dma_start3A_904 = arith.constant 0 : i32
    %dma_start3A_905 = tpu.memref_slice %arg3[%dma_start3A_903, %dma_start3A_904] : memref<1000000x32xf32, #tpu.memory_space<hbm>> -> memref<1000000x32xf32, #tpu.memory_space<hbm>>
    tpu.enqueue_indirect_dma source(%dma_start3A_905 : memref<1000000x32xf32, #tpu.memory_space<hbm>>) target(%arg7 : memref<800x32xf32, #tpu.memory_space<vmem>>) offsets(%arg5 : memref<800xi32, #tpu.memory_space<vmem>>) semaphore(%arg13 : memref<!tpu.dma_semaphore, #tpu.memory_space<semaphore_mem>>)
    %add3A_906 = arith.constant 800 : i32
    %add3A_907 = arith.addi %mul3A_4, %add3A_906 : i32
    %dma_start3A_908 = tpu.memref_slice %arg2[%add3A_907] : memref<819200xi32, #tpu.memory_space<hbm>> -> memref<800xi32, #tpu.memory_space<hbm>>
    %dma_start3A_909 = tpu.memref_slice %arg2[%add3A_907] : memref<819200xi32, #tpu.memory_space<hbm>> -> memref<800xi32, #tpu.memory_space<hbm>>
    tpu.enqueue_dma source(%dma_start3A_909 : memref<800xi32, #tpu.memory_space<hbm>>) target(%arg6 : memref<800xi32, #tpu.memory_space<vmem>>) target_semaphore(%arg12 : memref<!tpu.dma_semaphore, #tpu.memory_space<semaphore_mem>>)
    %scan3A = arith.constant 0 : i32
    %scan3A_910 = arith.constant 0 : i32
    %scan3A_911 = arith.constant 16 : i32
    %scan3A_912 = arith.addi %scan3A_910, %scan3A_911 : i32
    %scan3A_913 = arith.constant 1 : i32
    scf.for %scan3A_931 = %scan3A_910 to %scan3A_912 step %scan3A_913  : i32 {
      %mul3A_932 = arith.constant 2 : i32
      %mul3A_933 = arith.muli %scan3A_931, %mul3A_932 : i32
      %add3A_934 = arith.constant 0 : i32
      %add3A_935 = arith.addi %mul3A_933, %add3A_934 : i32
      %dma_wait3A_936 = arith.constant 0 : i32
      %dma_wait3A_937 = arith.constant 0 : i32
      %dma_wait3A_938 = tpu.memref_slice %arg3[%dma_wait3A_936, %dma_wait3A_937] : memref<1000000x32xf32, #tpu.memory_space<hbm>> -> memref<1000000x32xf32, #tpu.memory_space<hbm>>
      tpu.wait_indirect_dma semaphore(%arg13 : memref<!tpu.dma_semaphore, #tpu.memory_space<semaphore_mem>>) src(%dma_wait3A_938 : memref<1000000x32xf32, #tpu.memory_space<hbm>>) dst(%arg7 : memref<800x32xf32, #tpu.memory_space<vmem>>)
      %add3A_939 = arith.constant 2 : i32
      %add3A_940 = arith.addi %add3A_935, %add3A_939 : i32
      %sub3A = arith.constant 1 : i32
      %sub3A_941 = arith.subi %add3A_940, %sub3A : i32
      %lt3A_942 = arith.constant 32 : i32
      %lt3A_943 = arith.cmpi slt, %sub3A_941, %lt3A_942 : i32
      %convert_element_type3A = arith.extui %lt3A_943 : i1 to i32
      %cond3A = arith.constant 0 : i32
      %cond3A_944 = arith.cmpi ne, %convert_element_type3A, %cond3A : i32
      scf.if %cond3A_944 {
        %mul3A_1014 = arith.constant 800 : i32
        %mul3A_1015 = arith.muli %sub3A_941, %mul3A_1014 : i32
        %add3A_1016 = arith.addi %mul3A_4, %mul3A_1015 : i32
        %dma_wait3A_1017 = tpu.memref_slice %arg2[%add3A_1016] : memref<819200xi32, #tpu.memory_space<hbm>> -> memref<800xi32, #tpu.memory_space<hbm>>
        %dma_wait3A_1018 = tpu.memref_slice %arg2[%add3A_1016] : memref<819200xi32, #tpu.memory_space<hbm>> -> memref<800xi32, #tpu.memory_space<hbm>>
        tpu.wait_dma2 semaphore(%arg12 : memref<!tpu.dma_semaphore, #tpu.memory_space<semaphore_mem>>) src(%dma_wait3A_1018 : memref<800xi32, #tpu.memory_space<hbm>>) dst(%arg6 : memref<800xi32, #tpu.memory_space<vmem>>)
        %dma_start3A_1019 = arith.constant 0 : i32
        %dma_start3A_1020 = arith.constant 0 : i32
        %dma_start3A_1021 = tpu.memref_slice %arg3[%dma_start3A_1019, %dma_start3A_1020] : memref<1000000x32xf32, #tpu.memory_space<hbm>> -> memref<1000000x32xf32, #tpu.memory_space<hbm>>
        tpu.enqueue_indirect_dma source(%dma_start3A_1021 : memref<1000000x32xf32, #tpu.memory_space<hbm>>) target(%arg8 : memref<800x32xf32, #tpu.memory_space<vmem>>) offsets(%arg6 : memref<800xi32, #tpu.memory_space<vmem>>) semaphore(%arg14 : memref<!tpu.dma_semaphore, #tpu.memory_space<semaphore_mem>>)
      } else {
      }
      %ge3A = arith.constant 2 : i32
      %ge3A_945 = arith.cmpi sge, %add3A_935, %ge3A : i32
      %convert_element_type3A_946 = arith.extui %ge3A_945 : i1 to i32
      %cond3A_947 = arith.constant 0 : i32
      %cond3A_948 = arith.cmpi ne, %convert_element_type3A_946, %cond3A_947 : i32
      scf.if %cond3A_948 {
        %sub3A_1014 = arith.constant 2 : i32
        %sub3A_1015 = arith.subi %add3A_935, %sub3A_1014 : i32
        %mul3A_1016 = arith.constant 16 : i32
        %mul3A_1017 = arith.muli %sub3A_1015, %mul3A_1016 : i32
        %add3A_1018 = arith.addi %mul3A_2, %mul3A_1017 : i32
        %dma_wait3A_1019 = arith.constant 0 : i32
        %dma_wait3A_1020 = arith.constant 0 : i32
        %dma_wait3A_1021 = tpu.memref_slice %arg4[%dma_wait3A_1019, %dma_wait3A_1020, %add3A_1018] : memref<50x32x16384xf32, #tpu.memory_space<hbm>> -> memref<50x32x16xf32, #tpu.memory_space<hbm>>
        %dma_wait3A_1022 = arith.constant 0 : i32
        %dma_wait3A_1023 = arith.constant 0 : i32
        %dma_wait3A_1024 = tpu.memref_slice %arg4[%dma_wait3A_1022, %dma_wait3A_1023, %add3A_1018] : memref<50x32x16384xf32, #tpu.memory_space<hbm>> -> memref<50x32x16xf32, #tpu.memory_space<hbm>>
        tpu.wait_dma2 semaphore(%arg15 : memref<!tpu.dma_semaphore, #tpu.memory_space<semaphore_mem>>) src(%arg9 : memref<50x32x16xf32, #tpu.memory_space<vmem>>) dst(%dma_wait3A_1024 : memref<50x32x16xf32, #tpu.memory_space<hbm>>)
      } else {
      }
      %scan3A_949 = arith.constant 0 : i32
      %scan3A_950 = arith.constant 0 : i32
      %scan3A_951 = arith.constant 25 : i32
      %scan3A_952 = arith.addi %scan3A_950, %scan3A_951 : i32
      %scan3A_953 = arith.constant 1 : i32
      scf.for %scan3A_1014 = %scan3A_950 to %scan3A_952 step %scan3A_953  : i32 {
        %mul3A_1015 = arith.constant 2 : i32
        %mul3A_1016 = arith.muli %scan3A_1014, %mul3A_1015 : i32
        %add3A_1017 = arith.constant 0 : i32
        %add3A_1018 = arith.addi %mul3A_1016, %add3A_1017 : i32
        %add3A_1019 = vector.broadcast %add3A_1018 : i32 to vector<16xi32>
        %add3A_1020 = arith.addi %mul3A_7, %add3A_1019 : vector<16xi32>
        %broadcast_in_dim3A = arith.constant 0 : i32
        %broadcast_in_dim3A_1021 = vector.broadcast %broadcast_in_dim3A : i32 to vector<16xi32>
        %add3A_1022 = vector.broadcast %add3A_1018 : i32 to vector<16xi32>
        %add3A_1023 = arith.addi %broadcast_in_dim3A_1021, %add3A_1022 : vector<16xi32>
        %gather3A = tpu.vector_load_idx %arg7[%add3A_1020, %add3A_28] : memref<800x32xf32, #tpu.memory_space<vmem>>[vector<16xi32>, vector<16xi32>], vector<16xf32>,
        tpu.vector_store_idx %arg9[%add3A_1023, %add3A_28, %iota3A], %gather3A : memref<50x32x16xf32, #tpu.memory_space<vmem>>[vector<16xi32>, vector<16xi32>, vector<16xi32>], vector<16xf32>,
        %gather3A_1024 = tpu.vector_load_idx %arg7[%add3A_1020, %add3A_56] : memref<800x32xf32, #tpu.memory_space<vmem>>[vector<16xi32>, vector<16xi32>], vector<16xf32>,
        tpu.vector_store_idx %arg9[%add3A_1023, %add3A_56, %iota3A], %gather3A_1024 : memref<50x32x16xf32, #tpu.memory_space<vmem>>[vector<16xi32>, vector<16xi32>, vector<16xi32>], vector<16xf32>,
        %gather3A_1025 = tpu.vector_load_idx %arg7[%add3A_1020, %add3A_84] : memref<800x32xf32, #tpu.memory_space<vmem>>[vector<16xi32>, vector<16xi32>], vector<16xf32>,
        tpu.vector_store_idx %arg9[%add3A_1023, %add3A_84, %iota3A], %gather3A_1025 : memref<50x32x16xf32, #tpu.memory_space<vmem>>[vector<16xi32>, vector<16xi32>, vector<16xi32>], vector<16xf32>,
        %gather3A_1026 = tpu.vector_load_idx %arg7[%add3A_1020, %add3A_112] : memref<800x32xf32, #tpu.memory_space<vmem>>[vector<16xi32>, vector<16xi32>], vector<16xf32>,
        tpu.vector_store_idx %arg9[%add3A_1023, %add3A_112, %iota3A], %gather3A_1026 : memref<50x32x16xf32, #tpu.memory_space<vmem>>[vector<16xi32>, vector<16xi32>, vector<16xi32>], vector<16xf32>,
        %gather3A_1027 = tpu.vector_load_idx %arg7[%add3A_1020, %add3A_140] : memref<800x32xf32, #tpu.memory_space<vmem>>[vector<16xi32>, vector<16xi32>], vector<16xf32>,
        tpu.vector_store_idx %arg9[%add3A_1023, %add3A_140, %iota3A], %gather3A_1027 : memref<50x32x16xf32, #tpu.memory_space<vmem>>[vector<16xi32>, vector<16xi32>, vector<16xi32>], vector<16xf32>,
        %gather3A_1028 = tpu.vector_load_idx %arg7[%add3A_1020, %add3A_168] : memref<800x32xf32, #tpu.memory_space<vmem>>[vector<16xi32>, vector<16xi32>], vector<16xf32>,
        tpu.vector_store_idx %arg9[%add3A_1023, %add3A_168, %iota3A], %gather3A_1028 : memref<50x32x16xf32, #tpu.memory_space<vmem>>[vector<16xi32>, vector<16xi32>, vector<16xi32>], vector<16xf32>,
        %gather3A_1029 = tpu.vector_load_idx %arg7[%add3A_1020, %add3A_196] : memref<800x32xf32, #tpu.memory_space<vmem>>[vector<16xi32>, vector<16xi32>], vector<16xf32>,
        tpu.vector_store_idx %arg9[%add3A_1023, %add3A_196, %iota3A], %gather3A_1029 : memref<50x32x16xf32, #tpu.memory_space<vmem>>[vector<16xi32>, vector<16xi32>, vector<16xi32>], vector<16xf32>,
        %gather3A_1030 = tpu.vector_load_idx %arg7[%add3A_1020, %add3A_224] : memref<800x32xf32, #tpu.memory_space<vmem>>[vector<16xi32>, vector<16xi32>], vector<16xf32>,
        tpu.vector_store_idx %arg9[%add3A_1023, %add3A_224, %iota3A], %gather3A_1030 : memref<50x32x16xf32, #tpu.memory_space<vmem>>[vector<16xi32>, vector<16xi32>, vector<16xi32>], vector<16xf32>,
        %gather3A_1031 = tpu.vector_load_idx %arg7[%add3A_1020, %add3A_252] : memref<800x32xf32, #tpu.memory_space<vmem>>[vector<16xi32>, vector<16xi32>], vector<16xf32>,
        tpu.vector_store_idx %arg9[%add3A_1023, %add3A_252, %iota3A], %gather3A_1031 : memref<50x32x16xf32, #tpu.memory_space<vmem>>[vector<16xi32>, vector<16xi32>, vector<16xi32>], vector<16xf32>,
        %gather3A_1032 = tpu.vector_load_idx %arg7[%add3A_1020, %add3A_280] : memref<800x32xf32, #tpu.memory_space<vmem>>[vector<16xi32>, vector<16xi32>], vector<16xf32>,
        tpu.vector_store_idx %arg9[%add3A_1023, %add3A_280, %iota3A], %gather3A_1032 : memref<50x32x16xf32, #tpu.memory_space<vmem>>[vector<16xi32>, vector<16xi32>, vector<16xi32>], vector<16xf32>,
        %gather3A_1033 = tpu.vector_load_idx %arg7[%add3A_1020, %add3A_308] : memref<800x32xf32, #tpu.memory_space<vmem>>[vector<16xi32>, vector<16xi32>], vector<16xf32>,
        tpu.vector_store_idx %arg9[%add3A_1023, %add3A_308, %iota3A], %gather3A_1033 : memref<50x32x16xf32, #tpu.memory_space<vmem>>[vector<16xi32>, vector<16xi32>, vector<16xi32>], vector<16xf32>,
        %gather3A_1034 = tpu.vector_load_idx %arg7[%add3A_1020, %add3A_336] : memref<800x32xf32, #tpu.memory_space<vmem>>[vector<16xi32>, vector<16xi32>], vector<16xf32>,
        tpu.vector_store_idx %arg9[%add3A_1023, %add3A_336, %iota3A], %gather3A_1034 : memref<50x32x16xf32, #tpu.memory_space<vmem>>[vector<16xi32>, vector<16xi32>, vector<16xi32>], vector<16xf32>,
        %gather3A_1035 = tpu.vector_load_idx %arg7[%add3A_1020, %add3A_364] : memref<800x32xf32, #tpu.memory_space<vmem>>[vector<16xi32>, vector<16xi32>], vector<16xf32>,
        tpu.vector_store_idx %arg9[%add3A_1023, %add3A_364, %iota3A], %gather3A_1035 : memref<50x32x16xf32, #tpu.memory_space<vmem>>[vector<16xi32>, vector<16xi32>, vector<16xi32>], vector<16xf32>,
        %gather3A_1036 = tpu.vector_load_idx %arg7[%add3A_1020, %add3A_392] : memref<800x32xf32, #tpu.memory_space<vmem>>[vector<16xi32>, vector<16xi32>], vector<16xf32>,
        tpu.vector_store_idx %arg9[%add3A_1023, %add3A_392, %iota3A], %gather3A_1036 : memref<50x32x16xf32, #tpu.memory_space<vmem>>[vector<16xi32>, vector<16xi32>, vector<16xi32>], vector<16xf32>,
        %gather3A_1037 = tpu.vector_load_idx %arg7[%add3A_1020, %add3A_420] : memref<800x32xf32, #tpu.memory_space<vmem>>[vector<16xi32>, vector<16xi32>], vector<16xf32>,
        tpu.vector_store_idx %arg9[%add3A_1023, %add3A_420, %iota3A], %gather3A_1037 : memref<50x32x16xf32, #tpu.memory_space<vmem>>[vector<16xi32>, vector<16xi32>, vector<16xi32>], vector<16xf32>,
        %gather3A_1038 = tpu.vector_load_idx %arg7[%add3A_1020, %add3A_448] : memref<800x32xf32, #tpu.memory_space<vmem>>[vector<16xi32>, vector<16xi32>], vector<16xf32>,
        tpu.vector_store_idx %arg9[%add3A_1023, %add3A_448, %iota3A], %gather3A_1038 : memref<50x32x16xf32, #tpu.memory_space<vmem>>[vector<16xi32>, vector<16xi32>, vector<16xi32>], vector<16xf32>,
        %gather3A_1039 = tpu.vector_load_idx %arg7[%add3A_1020, %add3A_476] : memref<800x32xf32, #tpu.memory_space<vmem>>[vector<16xi32>, vector<16xi32>], vector<16xf32>,
        tpu.vector_store_idx %arg9[%add3A_1023, %add3A_476, %iota3A], %gather3A_1039 : memref<50x32x16xf32, #tpu.memory_space<vmem>>[vector<16xi32>, vector<16xi32>, vector<16xi32>], vector<16xf32>,
        %gather3A_1040 = tpu.vector_load_idx %arg7[%add3A_1020, %add3A_504] : memref<800x32xf32, #tpu.memory_space<vmem>>[vector<16xi32>, vector<16xi32>], vector<16xf32>,
        tpu.vector_store_idx %arg9[%add3A_1023, %add3A_504, %iota3A], %gather3A_1040 : memref<50x32x16xf32, #tpu.memory_space<vmem>>[vector<16xi32>, vector<16xi32>, vector<16xi32>], vector<16xf32>,
        %gather3A_1041 = tpu.vector_load_idx %arg7[%add3A_1020, %add3A_532] : memref<800x32xf32, #tpu.memory_space<vmem>>[vector<16xi32>, vector<16xi32>], vector<16xf32>,
        tpu.vector_store_idx %arg9[%add3A_1023, %add3A_532, %iota3A], %gather3A_1041 : memref<50x32x16xf32, #tpu.memory_space<vmem>>[vector<16xi32>, vector<16xi32>, vector<16xi32>], vector<16xf32>,
        %gather3A_1042 = tpu.vector_load_idx %arg7[%add3A_1020, %add3A_560] : memref<800x32xf32, #tpu.memory_space<vmem>>[vector<16xi32>, vector<16xi32>], vector<16xf32>,
        tpu.vector_store_idx %arg9[%add3A_1023, %add3A_560, %iota3A], %gather3A_1042 : memref<50x32x16xf32, #tpu.memory_space<vmem>>[vector<16xi32>, vector<16xi32>, vector<16xi32>], vector<16xf32>,
        %gather3A_1043 = tpu.vector_load_idx %arg7[%add3A_1020, %add3A_588] : memref<800x32xf32, #tpu.memory_space<vmem>>[vector<16xi32>, vector<16xi32>], vector<16xf32>,
        tpu.vector_store_idx %arg9[%add3A_1023, %add3A_588, %iota3A], %gather3A_1043 : memref<50x32x16xf32, #tpu.memory_space<vmem>>[vector<16xi32>, vector<16xi32>, vector<16xi32>], vector<16xf32>,
        %gather3A_1044 = tpu.vector_load_idx %arg7[%add3A_1020, %add3A_616] : memref<800x32xf32, #tpu.memory_space<vmem>>[vector<16xi32>, vector<16xi32>], vector<16xf32>,
        tpu.vector_store_idx %arg9[%add3A_1023, %add3A_616, %iota3A], %gather3A_1044 : memref<50x32x16xf32, #tpu.memory_space<vmem>>[vector<16xi32>, vector<16xi32>, vector<16xi32>], vector<16xf32>,
        %gather3A_1045 = tpu.vector_load_idx %arg7[%add3A_1020, %add3A_644] : memref<800x32xf32, #tpu.memory_space<vmem>>[vector<16xi32>, vector<16xi32>], vector<16xf32>,
        tpu.vector_store_idx %arg9[%add3A_1023, %add3A_644, %iota3A], %gather3A_1045 : memref<50x32x16xf32, #tpu.memory_space<vmem>>[vector<16xi32>, vector<16xi32>, vector<16xi32>], vector<16xf32>,
        %gather3A_1046 = tpu.vector_load_idx %arg7[%add3A_1020, %add3A_672] : memref<800x32xf32, #tpu.memory_space<vmem>>[vector<16xi32>, vector<16xi32>], vector<16xf32>,
        tpu.vector_store_idx %arg9[%add3A_1023, %add3A_672, %iota3A], %gather3A_1046 : memref<50x32x16xf32, #tpu.memory_space<vmem>>[vector<16xi32>, vector<16xi32>, vector<16xi32>], vector<16xf32>,
        %gather3A_1047 = tpu.vector_load_idx %arg7[%add3A_1020, %add3A_700] : memref<800x32xf32, #tpu.memory_space<vmem>>[vector<16xi32>, vector<16xi32>], vector<16xf32>,
        tpu.vector_store_idx %arg9[%add3A_1023, %add3A_700, %iota3A], %gather3A_1047 : memref<50x32x16xf32, #tpu.memory_space<vmem>>[vector<16xi32>, vector<16xi32>, vector<16xi32>], vector<16xf32>,
        %gather3A_1048 = tpu.vector_load_idx %arg7[%add3A_1020, %add3A_728] : memref<800x32xf32, #tpu.memory_space<vmem>>[vector<16xi32>, vector<16xi32>], vector<16xf32>,
        tpu.vector_store_idx %arg9[%add3A_1023, %add3A_728, %iota3A], %gather3A_1048 : memref<50x32x16xf32, #tpu.memory_space<vmem>>[vector<16xi32>, vector<16xi32>, vector<16xi32>], vector<16xf32>,
        %gather3A_1049 = tpu.vector_load_idx %arg7[%add3A_1020, %add3A_756] : memref<800x32xf32, #tpu.memory_space<vmem>>[vector<16xi32>, vector<16xi32>], vector<16xf32>,
        tpu.vector_store_idx %arg9[%add3A_1023, %add3A_756, %iota3A], %gather3A_1049 : memref<50x32x16xf32, #tpu.memory_space<vmem>>[vector<16xi32>, vector<16xi32>, vector<16xi32>], vector<16xf32>,
        %gather3A_1050 = tpu.vector_load_idx %arg7[%add3A_1020, %add3A_784] : memref<800x32xf32, #tpu.memory_space<vmem>>[vector<16xi32>, vector<16xi32>], vector<16xf32>,
        tpu.vector_store_idx %arg9[%add3A_1023, %add3A_784, %iota3A], %gather3A_1050 : memref<50x32x16xf32, #tpu.memory_space<vmem>>[vector<16xi32>, vector<16xi32>, vector<16xi32>], vector<16xf32>,
        %gather3A_1051 = tpu.vector_load_idx %arg7[%add3A_1020, %add3A_812] : memref<800x32xf32, #tpu.memory_space<vmem>>[vector<16xi32>, vector<16xi32>], vector<16xf32>,
        tpu.vector_store_idx %arg9[%add3A_1023, %add3A_812, %iota3A], %gather3A_1051 : memref<50x32x16xf32, #tpu.memory_space<vmem>>[vector<16xi32>, vector<16xi32>, vector<16xi32>], vector<16xf32>,
        %gather3A_1052 = tpu.vector_load_idx %arg7[%add3A_1020, %add3A_840] : memref<800x32xf32, #tpu.memory_space<vmem>>[vector<16xi32>, vector<16xi32>], vector<16xf32>,
        tpu.vector_store_idx %arg9[%add3A_1023, %add3A_840, %iota3A], %gather3A_1052 : memref<50x32x16xf32, #tpu.memory_space<vmem>>[vector<16xi32>, vector<16xi32>, vector<16xi32>], vector<16xf32>,
        %gather3A_1053 = tpu.vector_load_idx %arg7[%add3A_1020, %add3A_868] : memref<800x32xf32, #tpu.memory_space<vmem>>[vector<16xi32>, vector<16xi32>], vector<16xf32>,
        tpu.vector_store_idx %arg9[%add3A_1023, %add3A_868, %iota3A], %gather3A_1053 : memref<50x32x16xf32, #tpu.memory_space<vmem>>[vector<16xi32>, vector<16xi32>, vector<16xi32>], vector<16xf32>,
        %gather3A_1054 = tpu.vector_load_idx %arg7[%add3A_1020, %add3A_896] : memref<800x32xf32, #tpu.memory_space<vmem>>[vector<16xi32>, vector<16xi32>], vector<16xf32>,
        tpu.vector_store_idx %arg9[%add3A_1023, %add3A_896, %iota3A], %gather3A_1054 : memref<50x32x16xf32, #tpu.memory_space<vmem>>[vector<16xi32>, vector<16xi32>, vector<16xi32>], vector<16xf32>,
        %add3A_1055 = arith.constant 1 : i32
        %add3A_1056 = arith.addi %mul3A_1016, %add3A_1055 : i32
        %add3A_1057 = vector.broadcast %add3A_1056 : i32 to vector<16xi32>
        %add3A_1058 = arith.addi %mul3A_7, %add3A_1057 : vector<16xi32>
        %broadcast_in_dim3A_1059 = arith.constant 0 : i32
        %broadcast_in_dim3A_1060 = vector.broadcast %broadcast_in_dim3A_1059 : i32 to vector<16xi32>
        %add3A_1061 = vector.broadcast %add3A_1056 : i32 to vector<16xi32>
        %add3A_1062 = arith.addi %broadcast_in_dim3A_1060, %add3A_1061 : vector<16xi32>
        %gather3A_1063 = tpu.vector_load_idx %arg7[%add3A_1058, %add3A_28] : memref<800x32xf32, #tpu.memory_space<vmem>>[vector<16xi32>, vector<16xi32>], vector<16xf32>,
        tpu.vector_store_idx %arg9[%add3A_1062, %add3A_28, %iota3A], %gather3A_1063 : memref<50x32x16xf32, #tpu.memory_space<vmem>>[vector<16xi32>, vector<16xi32>, vector<16xi32>], vector<16xf32>,
        %gather3A_1064 = tpu.vector_load_idx %arg7[%add3A_1058, %add3A_56] : memref<800x32xf32, #tpu.memory_space<vmem>>[vector<16xi32>, vector<16xi32>], vector<16xf32>,
        tpu.vector_store_idx %arg9[%add3A_1062, %add3A_56, %iota3A], %gather3A_1064 : memref<50x32x16xf32, #tpu.memory_space<vmem>>[vector<16xi32>, vector<16xi32>, vector<16xi32>], vector<16xf32>,
        %gather3A_1065 = tpu.vector_load_idx %arg7[%add3A_1058, %add3A_84] : memref<800x32xf32, #tpu.memory_space<vmem>>[vector<16xi32>, vector<16xi32>], vector<16xf32>,
        tpu.vector_store_idx %arg9[%add3A_1062, %add3A_84, %iota3A], %gather3A_1065 : memref<50x32x16xf32, #tpu.memory_space<vmem>>[vector<16xi32>, vector<16xi32>, vector<16xi32>], vector<16xf32>,
        %gather3A_1066 = tpu.vector_load_idx %arg7[%add3A_1058, %add3A_112] : memref<800x32xf32, #tpu.memory_space<vmem>>[vector<16xi32>, vector<16xi32>], vector<16xf32>,
        tpu.vector_store_idx %arg9[%add3A_1062, %add3A_112, %iota3A], %gather3A_1066 : memref<50x32x16xf32, #tpu.memory_space<vmem>>[vector<16xi32>, vector<16xi32>, vector<16xi32>], vector<16xf32>,
        %gather3A_1067 = tpu.vector_load_idx %arg7[%add3A_1058, %add3A_140] : memref<800x32xf32, #tpu.memory_space<vmem>>[vector<16xi32>, vector<16xi32>], vector<16xf32>,
        tpu.vector_store_idx %arg9[%add3A_1062, %add3A_140, %iota3A], %gather3A_1067 : memref<50x32x16xf32, #tpu.memory_space<vmem>>[vector<16xi32>, vector<16xi32>, vector<16xi32>], vector<16xf32>,
        %gather3A_1068 = tpu.vector_load_idx %arg7[%add3A_1058, %add3A_168] : memref<800x32xf32, #tpu.memory_space<vmem>>[vector<16xi32>, vector<16xi32>], vector<16xf32>,
        tpu.vector_store_idx %arg9[%add3A_1062, %add3A_168, %iota3A], %gather3A_1068 : memref<50x32x16xf32, #tpu.memory_space<vmem>>[vector<16xi32>, vector<16xi32>, vector<16xi32>], vector<16xf32>,
        %gather3A_1069 = tpu.vector_load_idx %arg7[%add3A_1058, %add3A_196] : memref<800x32xf32, #tpu.memory_space<vmem>>[vector<16xi32>, vector<16xi32>], vector<16xf32>,
        tpu.vector_store_idx %arg9[%add3A_1062, %add3A_196, %iota3A], %gather3A_1069 : memref<50x32x16xf32, #tpu.memory_space<vmem>>[vector<16xi32>, vector<16xi32>, vector<16xi32>], vector<16xf32>,
        %gather3A_1070 = tpu.vector_load_idx %arg7[%add3A_1058, %add3A_224] : memref<800x32xf32, #tpu.memory_space<vmem>>[vector<16xi32>, vector<16xi32>], vector<16xf32>,
        tpu.vector_store_idx %arg9[%add3A_1062, %add3A_224, %iota3A], %gather3A_1070 : memref<50x32x16xf32, #tpu.memory_space<vmem>>[vector<16xi32>, vector<16xi32>, vector<16xi32>], vector<16xf32>,
        %gather3A_1071 = tpu.vector_load_idx %arg7[%add3A_1058, %add3A_252] : memref<800x32xf32, #tpu.memory_space<vmem>>[vector<16xi32>, vector<16xi32>], vector<16xf32>,
        tpu.vector_store_idx %arg9[%add3A_1062, %add3A_252, %iota3A], %gather3A_1071 : memref<50x32x16xf32, #tpu.memory_space<vmem>>[vector<16xi32>, vector<16xi32>, vector<16xi32>], vector<16xf32>,
        %gather3A_1072 = tpu.vector_load_idx %arg7[%add3A_1058, %add3A_280] : memref<800x32xf32, #tpu.memory_space<vmem>>[vector<16xi32>, vector<16xi32>], vector<16xf32>,
        tpu.vector_store_idx %arg9[%add3A_1062, %add3A_280, %iota3A], %gather3A_1072 : memref<50x32x16xf32, #tpu.memory_space<vmem>>[vector<16xi32>, vector<16xi32>, vector<16xi32>], vector<16xf32>,
        %gather3A_1073 = tpu.vector_load_idx %arg7[%add3A_1058, %add3A_308] : memref<800x32xf32, #tpu.memory_space<vmem>>[vector<16xi32>, vector<16xi32>], vector<16xf32>,
        tpu.vector_store_idx %arg9[%add3A_1062, %add3A_308, %iota3A], %gather3A_1073 : memref<50x32x16xf32, #tpu.memory_space<vmem>>[vector<16xi32>, vector<16xi32>, vector<16xi32>], vector<16xf32>,
        %gather3A_1074 = tpu.vector_load_idx %arg7[%add3A_1058, %add3A_336] : memref<800x32xf32, #tpu.memory_space<vmem>>[vector<16xi32>, vector<16xi32>], vector<16xf32>,
        tpu.vector_store_idx %arg9[%add3A_1062, %add3A_336, %iota3A], %gather3A_1074 : memref<50x32x16xf32, #tpu.memory_space<vmem>>[vector<16xi32>, vector<16xi32>, vector<16xi32>], vector<16xf32>,
        %gather3A_1075 = tpu.vector_load_idx %arg7[%add3A_1058, %add3A_364] : memref<800x32xf32, #tpu.memory_space<vmem>>[vector<16xi32>, vector<16xi32>], vector<16xf32>,
        tpu.vector_store_idx %arg9[%add3A_1062, %add3A_364, %iota3A], %gather3A_1075 : memref<50x32x16xf32, #tpu.memory_space<vmem>>[vector<16xi32>, vector<16xi32>, vector<16xi32>], vector<16xf32>,
        %gather3A_1076 = tpu.vector_load_idx %arg7[%add3A_1058, %add3A_392] : memref<800x32xf32, #tpu.memory_space<vmem>>[vector<16xi32>, vector<16xi32>], vector<16xf32>,
        tpu.vector_store_idx %arg9[%add3A_1062, %add3A_392, %iota3A], %gather3A_1076 : memref<50x32x16xf32, #tpu.memory_space<vmem>>[vector<16xi32>, vector<16xi32>, vector<16xi32>], vector<16xf32>,
        %gather3A_1077 = tpu.vector_load_idx %arg7[%add3A_1058, %add3A_420] : memref<800x32xf32, #tpu.memory_space<vmem>>[vector<16xi32>, vector<16xi32>], vector<16xf32>,
        tpu.vector_store_idx %arg9[%add3A_1062, %add3A_420, %iota3A], %gather3A_1077 : memref<50x32x16xf32, #tpu.memory_space<vmem>>[vector<16xi32>, vector<16xi32>, vector<16xi32>], vector<16xf32>,
        %gather3A_1078 = tpu.vector_load_idx %arg7[%add3A_1058, %add3A_448] : memref<800x32xf32, #tpu.memory_space<vmem>>[vector<16xi32>, vector<16xi32>], vector<16xf32>,
        tpu.vector_store_idx %arg9[%add3A_1062, %add3A_448, %iota3A], %gather3A_1078 : memref<50x32x16xf32, #tpu.memory_space<vmem>>[vector<16xi32>, vector<16xi32>, vector<16xi32>], vector<16xf32>,
        %gather3A_1079 = tpu.vector_load_idx %arg7[%add3A_1058, %add3A_476] : memref<800x32xf32, #tpu.memory_space<vmem>>[vector<16xi32>, vector<16xi32>], vector<16xf32>,
        tpu.vector_store_idx %arg9[%add3A_1062, %add3A_476, %iota3A], %gather3A_1079 : memref<50x32x16xf32, #tpu.memory_space<vmem>>[vector<16xi32>, vector<16xi32>, vector<16xi32>], vector<16xf32>,
        %gather3A_1080 = tpu.vector_load_idx %arg7[%add3A_1058, %add3A_504] : memref<800x32xf32, #tpu.memory_space<vmem>>[vector<16xi32>, vector<16xi32>], vector<16xf32>,
        tpu.vector_store_idx %arg9[%add3A_1062, %add3A_504, %iota3A], %gather3A_1080 : memref<50x32x16xf32, #tpu.memory_space<vmem>>[vector<16xi32>, vector<16xi32>, vector<16xi32>], vector<16xf32>,
        %gather3A_1081 = tpu.vector_load_idx %arg7[%add3A_1058, %add3A_532] : memref<800x32xf32, #tpu.memory_space<vmem>>[vector<16xi32>, vector<16xi32>], vector<16xf32>,
        tpu.vector_store_idx %arg9[%add3A_1062, %add3A_532, %iota3A], %gather3A_1081 : memref<50x32x16xf32, #tpu.memory_space<vmem>>[vector<16xi32>, vector<16xi32>, vector<16xi32>], vector<16xf32>,
        %gather3A_1082 = tpu.vector_load_idx %arg7[%add3A_1058, %add3A_560] : memref<800x32xf32, #tpu.memory_space<vmem>>[vector<16xi32>, vector<16xi32>], vector<16xf32>,
        tpu.vector_store_idx %arg9[%add3A_1062, %add3A_560, %iota3A], %gather3A_1082 : memref<50x32x16xf32, #tpu.memory_space<vmem>>[vector<16xi32>, vector<16xi32>, vector<16xi32>], vector<16xf32>,
        %gather3A_1083 = tpu.vector_load_idx %arg7[%add3A_1058, %add3A_588] : memref<800x32xf32, #tpu.memory_space<vmem>>[vector<16xi32>, vector<16xi32>], vector<16xf32>,
        tpu.vector_store_idx %arg9[%add3A_1062, %add3A_588, %iota3A], %gather3A_1083 : memref<50x32x16xf32, #tpu.memory_space<vmem>>[vector<16xi32>, vector<16xi32>, vector<16xi32>], vector<16xf32>,
        %gather3A_1084 = tpu.vector_load_idx %arg7[%add3A_1058, %add3A_616] : memref<800x32xf32, #tpu.memory_space<vmem>>[vector<16xi32>, vector<16xi32>], vector<16xf32>,
        tpu.vector_store_idx %arg9[%add3A_1062, %add3A_616, %iota3A], %gather3A_1084 : memref<50x32x16xf32, #tpu.memory_space<vmem>>[vector<16xi32>, vector<16xi32>, vector<16xi32>], vector<16xf32>,
        %gather3A_1085 = tpu.vector_load_idx %arg7[%add3A_1058, %add3A_644] : memref<800x32xf32, #tpu.memory_space<vmem>>[vector<16xi32>, vector<16xi32>], vector<16xf32>,
        tpu.vector_store_idx %arg9[%add3A_1062, %add3A_644, %iota3A], %gather3A_1085 : memref<50x32x16xf32, #tpu.memory_space<vmem>>[vector<16xi32>, vector<16xi32>, vector<16xi32>], vector<16xf32>,
        %gather3A_1086 = tpu.vector_load_idx %arg7[%add3A_1058, %add3A_672] : memref<800x32xf32, #tpu.memory_space<vmem>>[vector<16xi32>, vector<16xi32>], vector<16xf32>,
        tpu.vector_store_idx %arg9[%add3A_1062, %add3A_672, %iota3A], %gather3A_1086 : memref<50x32x16xf32, #tpu.memory_space<vmem>>[vector<16xi32>, vector<16xi32>, vector<16xi32>], vector<16xf32>,
        %gather3A_1087 = tpu.vector_load_idx %arg7[%add3A_1058, %add3A_700] : memref<800x32xf32, #tpu.memory_space<vmem>>[vector<16xi32>, vector<16xi32>], vector<16xf32>,
        tpu.vector_store_idx %arg9[%add3A_1062, %add3A_700, %iota3A], %gather3A_1087 : memref<50x32x16xf32, #tpu.memory_space<vmem>>[vector<16xi32>, vector<16xi32>, vector<16xi32>], vector<16xf32>,
        %gather3A_1088 = tpu.vector_load_idx %arg7[%add3A_1058, %add3A_728] : memref<800x32xf32, #tpu.memory_space<vmem>>[vector<16xi32>, vector<16xi32>], vector<16xf32>,
        tpu.vector_store_idx %arg9[%add3A_1062, %add3A_728, %iota3A], %gather3A_1088 : memref<50x32x16xf32, #tpu.memory_space<vmem>>[vector<16xi32>, vector<16xi32>, vector<16xi32>], vector<16xf32>,
        %gather3A_1089 = tpu.vector_load_idx %arg7[%add3A_1058, %add3A_756] : memref<800x32xf32, #tpu.memory_space<vmem>>[vector<16xi32>, vector<16xi32>], vector<16xf32>,
        tpu.vector_store_idx %arg9[%add3A_1062, %add3A_756, %iota3A], %gather3A_1089 : memref<50x32x16xf32, #tpu.memory_space<vmem>>[vector<16xi32>, vector<16xi32>, vector<16xi32>], vector<16xf32>,
        %gather3A_1090 = tpu.vector_load_idx %arg7[%add3A_1058, %add3A_784] : memref<800x32xf32, #tpu.memory_space<vmem>>[vector<16xi32>, vector<16xi32>], vector<16xf32>,
        tpu.vector_store_idx %arg9[%add3A_1062, %add3A_784, %iota3A], %gather3A_1090 : memref<50x32x16xf32, #tpu.memory_space<vmem>>[vector<16xi32>, vector<16xi32>, vector<16xi32>], vector<16xf32>,
        %gather3A_1091 = tpu.vector_load_idx %arg7[%add3A_1058, %add3A_812] : memref<800x32xf32, #tpu.memory_space<vmem>>[vector<16xi32>, vector<16xi32>], vector<16xf32>,
        tpu.vector_store_idx %arg9[%add3A_1062, %add3A_812, %iota3A], %gather3A_1091 : memref<50x32x16xf32, #tpu.memory_space<vmem>>[vector<16xi32>, vector<16xi32>, vector<16xi32>], vector<16xf32>,
        %gather3A_1092 = tpu.vector_load_idx %arg7[%add3A_1058, %add3A_840] : memref<800x32xf32, #tpu.memory_space<vmem>>[vector<16xi32>, vector<16xi32>], vector<16xf32>,
        tpu.vector_store_idx %arg9[%add3A_1062, %add3A_840, %iota3A], %gather3A_1092 : memref<50x32x16xf32, #tpu.memory_space<vmem>>[vector<16xi32>, vector<16xi32>, vector<16xi32>], vector<16xf32>,
        %gather3A_1093 = tpu.vector_load_idx %arg7[%add3A_1058, %add3A_868] : memref<800x32xf32, #tpu.memory_space<vmem>>[vector<16xi32>, vector<16xi32>], vector<16xf32>,
        tpu.vector_store_idx %arg9[%add3A_1062, %add3A_868, %iota3A], %gather3A_1093 : memref<50x32x16xf32, #tpu.memory_space<vmem>>[vector<16xi32>, vector<16xi32>, vector<16xi32>], vector<16xf32>,
        %gather3A_1094 = tpu.vector_load_idx %arg7[%add3A_1058, %add3A_896] : memref<800x32xf32, #tpu.memory_space<vmem>>[vector<16xi32>, vector<16xi32>], vector<16xf32>,
        tpu.vector_store_idx %arg9[%add3A_1062, %add3A_896, %iota3A], %gather3A_1094 : memref<50x32x16xf32, #tpu.memory_space<vmem>>[vector<16xi32>, vector<16xi32>, vector<16xi32>], vector<16xf32>,
      }
      %scan3A_954 = arith.constant 25 : i32
      %mul3A_955 = arith.constant 16 : i32
      %mul3A_956 = arith.muli %add3A_935, %mul3A_955 : i32
      %add3A_957 = arith.addi %mul3A_2, %mul3A_956 : i32
      %dma_start3A_958 = arith.constant 0 : i32
      %dma_start3A_959 = arith.constant 0 : i32
      %dma_start3A_960 = tpu.memref_slice %arg4[%dma_start3A_958, %dma_start3A_959, %add3A_957] : memref<50x32x16384xf32, #tpu.memory_space<hbm>> -> memref<50x32x16xf32, #tpu.memory_space<hbm>>
      %dma_start3A_961 = arith.constant 0 : i32
      %dma_start3A_962 = arith.constant 0 : i32
      %dma_start3A_963 = tpu.memref_slice %arg4[%dma_start3A_961, %dma_start3A_962, %add3A_957] : memref<50x32x16384xf32, #tpu.memory_space<hbm>> -> memref<50x32x16xf32, #tpu.memory_space<hbm>>
      tpu.enqueue_dma source(%arg9 : memref<50x32x16xf32, #tpu.memory_space<vmem>>) target(%dma_start3A_963 : memref<50x32x16xf32, #tpu.memory_space<hbm>>) target_semaphore(%arg15 : memref<!tpu.dma_semaphore, #tpu.memory_space<semaphore_mem>>)
      %add3A_964 = arith.constant 2 : i32
      %add3A_965 = arith.addi %add3A_935, %add3A_964 : i32
      %lt3A_966 = arith.constant 32 : i32
      %lt3A_967 = arith.cmpi slt, %add3A_965, %lt3A_966 : i32
      %convert_element_type3A_968 = arith.extui %lt3A_967 : i1 to i32
      %cond3A_969 = arith.constant 0 : i32
      %cond3A_970 = arith.cmpi ne, %convert_element_type3A_968, %cond3A_969 : i32
      scf.if %cond3A_970 {
        %mul3A_1014 = arith.constant 800 : i32
        %mul3A_1015 = arith.muli %add3A_965, %mul3A_1014 : i32
        %add3A_1016 = arith.addi %mul3A_4, %mul3A_1015 : i32
        %dma_start3A_1017 = tpu.memref_slice %arg2[%add3A_1016] : memref<819200xi32, #tpu.memory_space<hbm>> -> memref<800xi32, #tpu.memory_space<hbm>>
        %dma_start3A_1018 = tpu.memref_slice %arg2[%add3A_1016] : memref<819200xi32, #tpu.memory_space<hbm>> -> memref<800xi32, #tpu.memory_space<hbm>>
        tpu.enqueue_dma source(%dma_start3A_1018 : memref<800xi32, #tpu.memory_space<hbm>>) target(%arg5 : memref<800xi32, #tpu.memory_space<vmem>>) target_semaphore(%arg11 : memref<!tpu.dma_semaphore, #tpu.memory_space<semaphore_mem>>)
      } else {
      }
      %mul3A_971 = arith.constant 2 : i32
      %mul3A_972 = arith.muli %scan3A_931, %mul3A_971 : i32
      %add3A_973 = arith.constant 1 : i32
      %add3A_974 = arith.addi %mul3A_972, %add3A_973 : i32
      %dma_wait3A_975 = arith.constant 0 : i32
      %dma_wait3A_976 = arith.constant 0 : i32
      %dma_wait3A_977 = tpu.memref_slice %arg3[%dma_wait3A_975, %dma_wait3A_976] : memref<1000000x32xf32, #tpu.memory_space<hbm>> -> memref<1000000x32xf32, #tpu.memory_space<hbm>>
      tpu.wait_indirect_dma semaphore(%arg14 : memref<!tpu.dma_semaphore, #tpu.memory_space<semaphore_mem>>) src(%dma_wait3A_977 : memref<1000000x32xf32, #tpu.memory_space<hbm>>) dst(%arg8 : memref<800x32xf32, #tpu.memory_space<vmem>>)
      %add3A_978 = arith.constant 2 : i32
      %add3A_979 = arith.addi %add3A_974, %add3A_978 : i32
      %sub3A_980 = arith.constant 1 : i32
      %sub3A_981 = arith.subi %add3A_979, %sub3A_980 : i32
      %lt3A_982 = arith.constant 32 : i32
      %lt3A_983 = arith.cmpi slt, %sub3A_981, %lt3A_982 : i32
      %convert_element_type3A_984 = arith.extui %lt3A_983 : i1 to i32
      %cond3A_985 = arith.constant 0 : i32
      %cond3A_986 = arith.cmpi ne, %convert_element_type3A_984, %cond3A_985 : i32
      scf.if %cond3A_986 {
        %mul3A_1014 = arith.constant 800 : i32
        %mul3A_1015 = arith.muli %sub3A_981, %mul3A_1014 : i32
        %add3A_1016 = arith.addi %mul3A_4, %mul3A_1015 : i32
        %dma_wait3A_1017 = tpu.memref_slice %arg2[%add3A_1016] : memref<819200xi32, #tpu.memory_space<hbm>> -> memref<800xi32, #tpu.memory_space<hbm>>
        %dma_wait3A_1018 = tpu.memref_slice %arg2[%add3A_1016] : memref<819200xi32, #tpu.memory_space<hbm>> -> memref<800xi32, #tpu.memory_space<hbm>>
        tpu.wait_dma2 semaphore(%arg11 : memref<!tpu.dma_semaphore, #tpu.memory_space<semaphore_mem>>) src(%dma_wait3A_1018 : memref<800xi32, #tpu.memory_space<hbm>>) dst(%arg5 : memref<800xi32, #tpu.memory_space<vmem>>)
        %dma_start3A_1019 = arith.constant 0 : i32
        %dma_start3A_1020 = arith.constant 0 : i32
        %dma_start3A_1021 = tpu.memref_slice %arg3[%dma_start3A_1019, %dma_start3A_1020] : memref<1000000x32xf32, #tpu.memory_space<hbm>> -> memref<1000000x32xf32, #tpu.memory_space<hbm>>
        tpu.enqueue_indirect_dma source(%dma_start3A_1021 : memref<1000000x32xf32, #tpu.memory_space<hbm>>) target(%arg7 : memref<800x32xf32, #tpu.memory_space<vmem>>) offsets(%arg5 : memref<800xi32, #tpu.memory_space<vmem>>) semaphore(%arg13 : memref<!tpu.dma_semaphore, #tpu.memory_space<semaphore_mem>>)
      } else {
      }
      %ge3A_987 = arith.constant 2 : i32
      %ge3A_988 = arith.cmpi sge, %add3A_974, %ge3A_987 : i32
      %convert_element_type3A_989 = arith.extui %ge3A_988 : i1 to i32
      %cond3A_990 = arith.constant 0 : i32
      %cond3A_991 = arith.cmpi ne, %convert_element_type3A_989, %cond3A_990 : i32
      scf.if %cond3A_991 {
        %sub3A_1014 = arith.constant 2 : i32
        %sub3A_1015 = arith.subi %add3A_974, %sub3A_1014 : i32
        %mul3A_1016 = arith.constant 16 : i32
        %mul3A_1017 = arith.muli %sub3A_1015, %mul3A_1016 : i32
        %add3A_1018 = arith.addi %mul3A_2, %mul3A_1017 : i32
        %dma_wait3A_1019 = arith.constant 0 : i32
        %dma_wait3A_1020 = arith.constant 0 : i32
        %dma_wait3A_1021 = tpu.memref_slice %arg4[%dma_wait3A_1019, %dma_wait3A_1020, %add3A_1018] : memref<50x32x16384xf32, #tpu.memory_space<hbm>> -> memref<50x32x16xf32, #tpu.memory_space<hbm>>
        %dma_wait3A_1022 = arith.constant 0 : i32
        %dma_wait3A_1023 = arith.constant 0 : i32
        %dma_wait3A_1024 = tpu.memref_slice %arg4[%dma_wait3A_1022, %dma_wait3A_1023, %add3A_1018] : memref<50x32x16384xf32, #tpu.memory_space<hbm>> -> memref<50x32x16xf32, #tpu.memory_space<hbm>>
        tpu.wait_dma2 semaphore(%arg16 : memref<!tpu.dma_semaphore, #tpu.memory_space<semaphore_mem>>) src(%arg10 : memref<50x32x16xf32, #tpu.memory_space<vmem>>) dst(%dma_wait3A_1024 : memref<50x32x16xf32, #tpu.memory_space<hbm>>)
      } else {
      }
      %scan3A_992 = arith.constant 0 : i32
      %scan3A_993 = arith.constant 0 : i32
      %scan3A_994 = arith.constant 25 : i32
      %scan3A_995 = arith.addi %scan3A_993, %scan3A_994 : i32
      %scan3A_996 = arith.constant 1 : i32
      scf.for %scan3A_1014 = %scan3A_993 to %scan3A_995 step %scan3A_996  : i32 {
        %mul3A_1015 = arith.constant 2 : i32
        %mul3A_1016 = arith.muli %scan3A_1014, %mul3A_1015 : i32
        %add3A_1017 = arith.constant 0 : i32
        %add3A_1018 = arith.addi %mul3A_1016, %add3A_1017 : i32
        %add3A_1019 = vector.broadcast %add3A_1018 : i32 to vector<16xi32>
        %add3A_1020 = arith.addi %mul3A_7, %add3A_1019 : vector<16xi32>
        %broadcast_in_dim3A = arith.constant 0 : i32
        %broadcast_in_dim3A_1021 = vector.broadcast %broadcast_in_dim3A : i32 to vector<16xi32>
        %add3A_1022 = vector.broadcast %add3A_1018 : i32 to vector<16xi32>
        %add3A_1023 = arith.addi %broadcast_in_dim3A_1021, %add3A_1022 : vector<16xi32>
        %gather3A = tpu.vector_load_idx %arg8[%add3A_1020, %add3A_28] : memref<800x32xf32, #tpu.memory_space<vmem>>[vector<16xi32>, vector<16xi32>], vector<16xf32>,
        tpu.vector_store_idx %arg10[%add3A_1023, %add3A_28, %iota3A], %gather3A : memref<50x32x16xf32, #tpu.memory_space<vmem>>[vector<16xi32>, vector<16xi32>, vector<16xi32>], vector<16xf32>,
        %gather3A_1024 = tpu.vector_load_idx %arg8[%add3A_1020, %add3A_56] : memref<800x32xf32, #tpu.memory_space<vmem>>[vector<16xi32>, vector<16xi32>], vector<16xf32>,
        tpu.vector_store_idx %arg10[%add3A_1023, %add3A_56, %iota3A], %gather3A_1024 : memref<50x32x16xf32, #tpu.memory_space<vmem>>[vector<16xi32>, vector<16xi32>, vector<16xi32>], vector<16xf32>,
        %gather3A_1025 = tpu.vector_load_idx %arg8[%add3A_1020, %add3A_84] : memref<800x32xf32, #tpu.memory_space<vmem>>[vector<16xi32>, vector<16xi32>], vector<16xf32>,
        tpu.vector_store_idx %arg10[%add3A_1023, %add3A_84, %iota3A], %gather3A_1025 : memref<50x32x16xf32, #tpu.memory_space<vmem>>[vector<16xi32>, vector<16xi32>, vector<16xi32>], vector<16xf32>,
        %gather3A_1026 = tpu.vector_load_idx %arg8[%add3A_1020, %add3A_112] : memref<800x32xf32, #tpu.memory_space<vmem>>[vector<16xi32>, vector<16xi32>], vector<16xf32>,
        tpu.vector_store_idx %arg10[%add3A_1023, %add3A_112, %iota3A], %gather3A_1026 : memref<50x32x16xf32, #tpu.memory_space<vmem>>[vector<16xi32>, vector<16xi32>, vector<16xi32>], vector<16xf32>,
        %gather3A_1027 = tpu.vector_load_idx %arg8[%add3A_1020, %add3A_140] : memref<800x32xf32, #tpu.memory_space<vmem>>[vector<16xi32>, vector<16xi32>], vector<16xf32>,
        tpu.vector_store_idx %arg10[%add3A_1023, %add3A_140, %iota3A], %gather3A_1027 : memref<50x32x16xf32, #tpu.memory_space<vmem>>[vector<16xi32>, vector<16xi32>, vector<16xi32>], vector<16xf32>,
        %gather3A_1028 = tpu.vector_load_idx %arg8[%add3A_1020, %add3A_168] : memref<800x32xf32, #tpu.memory_space<vmem>>[vector<16xi32>, vector<16xi32>], vector<16xf32>,
        tpu.vector_store_idx %arg10[%add3A_1023, %add3A_168, %iota3A], %gather3A_1028 : memref<50x32x16xf32, #tpu.memory_space<vmem>>[vector<16xi32>, vector<16xi32>, vector<16xi32>], vector<16xf32>,
        %gather3A_1029 = tpu.vector_load_idx %arg8[%add3A_1020, %add3A_196] : memref<800x32xf32, #tpu.memory_space<vmem>>[vector<16xi32>, vector<16xi32>], vector<16xf32>,
        tpu.vector_store_idx %arg10[%add3A_1023, %add3A_196, %iota3A], %gather3A_1029 : memref<50x32x16xf32, #tpu.memory_space<vmem>>[vector<16xi32>, vector<16xi32>, vector<16xi32>], vector<16xf32>,
        %gather3A_1030 = tpu.vector_load_idx %arg8[%add3A_1020, %add3A_224] : memref<800x32xf32, #tpu.memory_space<vmem>>[vector<16xi32>, vector<16xi32>], vector<16xf32>,
        tpu.vector_store_idx %arg10[%add3A_1023, %add3A_224, %iota3A], %gather3A_1030 : memref<50x32x16xf32, #tpu.memory_space<vmem>>[vector<16xi32>, vector<16xi32>, vector<16xi32>], vector<16xf32>,
        %gather3A_1031 = tpu.vector_load_idx %arg8[%add3A_1020, %add3A_252] : memref<800x32xf32, #tpu.memory_space<vmem>>[vector<16xi32>, vector<16xi32>], vector<16xf32>,
        tpu.vector_store_idx %arg10[%add3A_1023, %add3A_252, %iota3A], %gather3A_1031 : memref<50x32x16xf32, #tpu.memory_space<vmem>>[vector<16xi32>, vector<16xi32>, vector<16xi32>], vector<16xf32>,
        %gather3A_1032 = tpu.vector_load_idx %arg8[%add3A_1020, %add3A_280] : memref<800x32xf32, #tpu.memory_space<vmem>>[vector<16xi32>, vector<16xi32>], vector<16xf32>,
        tpu.vector_store_idx %arg10[%add3A_1023, %add3A_280, %iota3A], %gather3A_1032 : memref<50x32x16xf32, #tpu.memory_space<vmem>>[vector<16xi32>, vector<16xi32>, vector<16xi32>], vector<16xf32>,
        %gather3A_1033 = tpu.vector_load_idx %arg8[%add3A_1020, %add3A_308] : memref<800x32xf32, #tpu.memory_space<vmem>>[vector<16xi32>, vector<16xi32>], vector<16xf32>,
        tpu.vector_store_idx %arg10[%add3A_1023, %add3A_308, %iota3A], %gather3A_1033 : memref<50x32x16xf32, #tpu.memory_space<vmem>>[vector<16xi32>, vector<16xi32>, vector<16xi32>], vector<16xf32>,
        %gather3A_1034 = tpu.vector_load_idx %arg8[%add3A_1020, %add3A_336] : memref<800x32xf32, #tpu.memory_space<vmem>>[vector<16xi32>, vector<16xi32>], vector<16xf32>,
        tpu.vector_store_idx %arg10[%add3A_1023, %add3A_336, %iota3A], %gather3A_1034 : memref<50x32x16xf32, #tpu.memory_space<vmem>>[vector<16xi32>, vector<16xi32>, vector<16xi32>], vector<16xf32>,
        %gather3A_1035 = tpu.vector_load_idx %arg8[%add3A_1020, %add3A_364] : memref<800x32xf32, #tpu.memory_space<vmem>>[vector<16xi32>, vector<16xi32>], vector<16xf32>,
        tpu.vector_store_idx %arg10[%add3A_1023, %add3A_364, %iota3A], %gather3A_1035 : memref<50x32x16xf32, #tpu.memory_space<vmem>>[vector<16xi32>, vector<16xi32>, vector<16xi32>], vector<16xf32>,
        %gather3A_1036 = tpu.vector_load_idx %arg8[%add3A_1020, %add3A_392] : memref<800x32xf32, #tpu.memory_space<vmem>>[vector<16xi32>, vector<16xi32>], vector<16xf32>,
        tpu.vector_store_idx %arg10[%add3A_1023, %add3A_392, %iota3A], %gather3A_1036 : memref<50x32x16xf32, #tpu.memory_space<vmem>>[vector<16xi32>, vector<16xi32>, vector<16xi32>], vector<16xf32>,
        %gather3A_1037 = tpu.vector_load_idx %arg8[%add3A_1020, %add3A_420] : memref<800x32xf32, #tpu.memory_space<vmem>>[vector<16xi32>, vector<16xi32>], vector<16xf32>,
        tpu.vector_store_idx %arg10[%add3A_1023, %add3A_420, %iota3A], %gather3A_1037 : memref<50x32x16xf32, #tpu.memory_space<vmem>>[vector<16xi32>, vector<16xi32>, vector<16xi32>], vector<16xf32>,
        %gather3A_1038 = tpu.vector_load_idx %arg8[%add3A_1020, %add3A_448] : memref<800x32xf32, #tpu.memory_space<vmem>>[vector<16xi32>, vector<16xi32>], vector<16xf32>,
        tpu.vector_store_idx %arg10[%add3A_1023, %add3A_448, %iota3A], %gather3A_1038 : memref<50x32x16xf32, #tpu.memory_space<vmem>>[vector<16xi32>, vector<16xi32>, vector<16xi32>], vector<16xf32>,
        %gather3A_1039 = tpu.vector_load_idx %arg8[%add3A_1020, %add3A_476] : memref<800x32xf32, #tpu.memory_space<vmem>>[vector<16xi32>, vector<16xi32>], vector<16xf32>,
        tpu.vector_store_idx %arg10[%add3A_1023, %add3A_476, %iota3A], %gather3A_1039 : memref<50x32x16xf32, #tpu.memory_space<vmem>>[vector<16xi32>, vector<16xi32>, vector<16xi32>], vector<16xf32>,
        %gather3A_1040 = tpu.vector_load_idx %arg8[%add3A_1020, %add3A_504] : memref<800x32xf32, #tpu.memory_space<vmem>>[vector<16xi32>, vector<16xi32>], vector<16xf32>,
        tpu.vector_store_idx %arg10[%add3A_1023, %add3A_504, %iota3A], %gather3A_1040 : memref<50x32x16xf32, #tpu.memory_space<vmem>>[vector<16xi32>, vector<16xi32>, vector<16xi32>], vector<16xf32>,
        %gather3A_1041 = tpu.vector_load_idx %arg8[%add3A_1020, %add3A_532] : memref<800x32xf32, #tpu.memory_space<vmem>>[vector<16xi32>, vector<16xi32>], vector<16xf32>,
        tpu.vector_store_idx %arg10[%add3A_1023, %add3A_532, %iota3A], %gather3A_1041 : memref<50x32x16xf32, #tpu.memory_space<vmem>>[vector<16xi32>, vector<16xi32>, vector<16xi32>], vector<16xf32>,
        %gather3A_1042 = tpu.vector_load_idx %arg8[%add3A_1020, %add3A_560] : memref<800x32xf32, #tpu.memory_space<vmem>>[vector<16xi32>, vector<16xi32>], vector<16xf32>,
        tpu.vector_store_idx %arg10[%add3A_1023, %add3A_560, %iota3A], %gather3A_1042 : memref<50x32x16xf32, #tpu.memory_space<vmem>>[vector<16xi32>, vector<16xi32>, vector<16xi32>], vector<16xf32>,
        %gather3A_1043 = tpu.vector_load_idx %arg8[%add3A_1020, %add3A_588] : memref<800x32xf32, #tpu.memory_space<vmem>>[vector<16xi32>, vector<16xi32>], vector<16xf32>,
        tpu.vector_store_idx %arg10[%add3A_1023, %add3A_588, %iota3A], %gather3A_1043 : memref<50x32x16xf32, #tpu.memory_space<vmem>>[vector<16xi32>, vector<16xi32>, vector<16xi32>], vector<16xf32>,
        %gather3A_1044 = tpu.vector_load_idx %arg8[%add3A_1020, %add3A_616] : memref<800x32xf32, #tpu.memory_space<vmem>>[vector<16xi32>, vector<16xi32>], vector<16xf32>,
        tpu.vector_store_idx %arg10[%add3A_1023, %add3A_616, %iota3A], %gather3A_1044 : memref<50x32x16xf32, #tpu.memory_space<vmem>>[vector<16xi32>, vector<16xi32>, vector<16xi32>], vector<16xf32>,
        %gather3A_1045 = tpu.vector_load_idx %arg8[%add3A_1020, %add3A_644] : memref<800x32xf32, #tpu.memory_space<vmem>>[vector<16xi32>, vector<16xi32>], vector<16xf32>,
        tpu.vector_store_idx %arg10[%add3A_1023, %add3A_644, %iota3A], %gather3A_1045 : memref<50x32x16xf32, #tpu.memory_space<vmem>>[vector<16xi32>, vector<16xi32>, vector<16xi32>], vector<16xf32>,
        %gather3A_1046 = tpu.vector_load_idx %arg8[%add3A_1020, %add3A_672] : memref<800x32xf32, #tpu.memory_space<vmem>>[vector<16xi32>, vector<16xi32>], vector<16xf32>,
        tpu.vector_store_idx %arg10[%add3A_1023, %add3A_672, %iota3A], %gather3A_1046 : memref<50x32x16xf32, #tpu.memory_space<vmem>>[vector<16xi32>, vector<16xi32>, vector<16xi32>], vector<16xf32>,
        %gather3A_1047 = tpu.vector_load_idx %arg8[%add3A_1020, %add3A_700] : memref<800x32xf32, #tpu.memory_space<vmem>>[vector<16xi32>, vector<16xi32>], vector<16xf32>,
        tpu.vector_store_idx %arg10[%add3A_1023, %add3A_700, %iota3A], %gather3A_1047 : memref<50x32x16xf32, #tpu.memory_space<vmem>>[vector<16xi32>, vector<16xi32>, vector<16xi32>], vector<16xf32>,
        %gather3A_1048 = tpu.vector_load_idx %arg8[%add3A_1020, %add3A_728] : memref<800x32xf32, #tpu.memory_space<vmem>>[vector<16xi32>, vector<16xi32>], vector<16xf32>,
        tpu.vector_store_idx %arg10[%add3A_1023, %add3A_728, %iota3A], %gather3A_1048 : memref<50x32x16xf32, #tpu.memory_space<vmem>>[vector<16xi32>, vector<16xi32>, vector<16xi32>], vector<16xf32>,
        %gather3A_1049 = tpu.vector_load_idx %arg8[%add3A_1020, %add3A_756] : memref<800x32xf32, #tpu.memory_space<vmem>>[vector<16xi32>, vector<16xi32>], vector<16xf32>,
        tpu.vector_store_idx %arg10[%add3A_1023, %add3A_756, %iota3A], %gather3A_1049 : memref<50x32x16xf32, #tpu.memory_space<vmem>>[vector<16xi32>, vector<16xi32>, vector<16xi32>], vector<16xf32>,
        %gather3A_1050 = tpu.vector_load_idx %arg8[%add3A_1020, %add3A_784] : memref<800x32xf32, #tpu.memory_space<vmem>>[vector<16xi32>, vector<16xi32>], vector<16xf32>,
        tpu.vector_store_idx %arg10[%add3A_1023, %add3A_784, %iota3A], %gather3A_1050 : memref<50x32x16xf32, #tpu.memory_space<vmem>>[vector<16xi32>, vector<16xi32>, vector<16xi32>], vector<16xf32>,
        %gather3A_1051 = tpu.vector_load_idx %arg8[%add3A_1020, %add3A_812] : memref<800x32xf32, #tpu.memory_space<vmem>>[vector<16xi32>, vector<16xi32>], vector<16xf32>,
        tpu.vector_store_idx %arg10[%add3A_1023, %add3A_812, %iota3A], %gather3A_1051 : memref<50x32x16xf32, #tpu.memory_space<vmem>>[vector<16xi32>, vector<16xi32>, vector<16xi32>], vector<16xf32>,
        %gather3A_1052 = tpu.vector_load_idx %arg8[%add3A_1020, %add3A_840] : memref<800x32xf32, #tpu.memory_space<vmem>>[vector<16xi32>, vector<16xi32>], vector<16xf32>,
        tpu.vector_store_idx %arg10[%add3A_1023, %add3A_840, %iota3A], %gather3A_1052 : memref<50x32x16xf32, #tpu.memory_space<vmem>>[vector<16xi32>, vector<16xi32>, vector<16xi32>], vector<16xf32>,
        %gather3A_1053 = tpu.vector_load_idx %arg8[%add3A_1020, %add3A_868] : memref<800x32xf32, #tpu.memory_space<vmem>>[vector<16xi32>, vector<16xi32>], vector<16xf32>,
        tpu.vector_store_idx %arg10[%add3A_1023, %add3A_868, %iota3A], %gather3A_1053 : memref<50x32x16xf32, #tpu.memory_space<vmem>>[vector<16xi32>, vector<16xi32>, vector<16xi32>], vector<16xf32>,
        %gather3A_1054 = tpu.vector_load_idx %arg8[%add3A_1020, %add3A_896] : memref<800x32xf32, #tpu.memory_space<vmem>>[vector<16xi32>, vector<16xi32>], vector<16xf32>,
        tpu.vector_store_idx %arg10[%add3A_1023, %add3A_896, %iota3A], %gather3A_1054 : memref<50x32x16xf32, #tpu.memory_space<vmem>>[vector<16xi32>, vector<16xi32>, vector<16xi32>], vector<16xf32>,
        %add3A_1055 = arith.constant 1 : i32
        %add3A_1056 = arith.addi %mul3A_1016, %add3A_1055 : i32
        %add3A_1057 = vector.broadcast %add3A_1056 : i32 to vector<16xi32>
        %add3A_1058 = arith.addi %mul3A_7, %add3A_1057 : vector<16xi32>
        %broadcast_in_dim3A_1059 = arith.constant 0 : i32
        %broadcast_in_dim3A_1060 = vector.broadcast %broadcast_in_dim3A_1059 : i32 to vector<16xi32>
        %add3A_1061 = vector.broadcast %add3A_1056 : i32 to vector<16xi32>
        %add3A_1062 = arith.addi %broadcast_in_dim3A_1060, %add3A_1061 : vector<16xi32>
        %gather3A_1063 = tpu.vector_load_idx %arg8[%add3A_1058, %add3A_28] : memref<800x32xf32, #tpu.memory_space<vmem>>[vector<16xi32>, vector<16xi32>], vector<16xf32>,
        tpu.vector_store_idx %arg10[%add3A_1062, %add3A_28, %iota3A], %gather3A_1063 : memref<50x32x16xf32, #tpu.memory_space<vmem>>[vector<16xi32>, vector<16xi32>, vector<16xi32>], vector<16xf32>,
        %gather3A_1064 = tpu.vector_load_idx %arg8[%add3A_1058, %add3A_56] : memref<800x32xf32, #tpu.memory_space<vmem>>[vector<16xi32>, vector<16xi32>], vector<16xf32>,
        tpu.vector_store_idx %arg10[%add3A_1062, %add3A_56, %iota3A], %gather3A_1064 : memref<50x32x16xf32, #tpu.memory_space<vmem>>[vector<16xi32>, vector<16xi32>, vector<16xi32>], vector<16xf32>,
        %gather3A_1065 = tpu.vector_load_idx %arg8[%add3A_1058, %add3A_84] : memref<800x32xf32, #tpu.memory_space<vmem>>[vector<16xi32>, vector<16xi32>], vector<16xf32>,
        tpu.vector_store_idx %arg10[%add3A_1062, %add3A_84, %iota3A], %gather3A_1065 : memref<50x32x16xf32, #tpu.memory_space<vmem>>[vector<16xi32>, vector<16xi32>, vector<16xi32>], vector<16xf32>,
        %gather3A_1066 = tpu.vector_load_idx %arg8[%add3A_1058, %add3A_112] : memref<800x32xf32, #tpu.memory_space<vmem>>[vector<16xi32>, vector<16xi32>], vector<16xf32>,
        tpu.vector_store_idx %arg10[%add3A_1062, %add3A_112, %iota3A], %gather3A_1066 : memref<50x32x16xf32, #tpu.memory_space<vmem>>[vector<16xi32>, vector<16xi32>, vector<16xi32>], vector<16xf32>,
        %gather3A_1067 = tpu.vector_load_idx %arg8[%add3A_1058, %add3A_140] : memref<800x32xf32, #tpu.memory_space<vmem>>[vector<16xi32>, vector<16xi32>], vector<16xf32>,
        tpu.vector_store_idx %arg10[%add3A_1062, %add3A_140, %iota3A], %gather3A_1067 : memref<50x32x16xf32, #tpu.memory_space<vmem>>[vector<16xi32>, vector<16xi32>, vector<16xi32>], vector<16xf32>,
        %gather3A_1068 = tpu.vector_load_idx %arg8[%add3A_1058, %add3A_168] : memref<800x32xf32, #tpu.memory_space<vmem>>[vector<16xi32>, vector<16xi32>], vector<16xf32>,
        tpu.vector_store_idx %arg10[%add3A_1062, %add3A_168, %iota3A], %gather3A_1068 : memref<50x32x16xf32, #tpu.memory_space<vmem>>[vector<16xi32>, vector<16xi32>, vector<16xi32>], vector<16xf32>,
        %gather3A_1069 = tpu.vector_load_idx %arg8[%add3A_1058, %add3A_196] : memref<800x32xf32, #tpu.memory_space<vmem>>[vector<16xi32>, vector<16xi32>], vector<16xf32>,
        tpu.vector_store_idx %arg10[%add3A_1062, %add3A_196, %iota3A], %gather3A_1069 : memref<50x32x16xf32, #tpu.memory_space<vmem>>[vector<16xi32>, vector<16xi32>, vector<16xi32>], vector<16xf32>,
        %gather3A_1070 = tpu.vector_load_idx %arg8[%add3A_1058, %add3A_224] : memref<800x32xf32, #tpu.memory_space<vmem>>[vector<16xi32>, vector<16xi32>], vector<16xf32>,
        tpu.vector_store_idx %arg10[%add3A_1062, %add3A_224, %iota3A], %gather3A_1070 : memref<50x32x16xf32, #tpu.memory_space<vmem>>[vector<16xi32>, vector<16xi32>, vector<16xi32>], vector<16xf32>,
        %gather3A_1071 = tpu.vector_load_idx %arg8[%add3A_1058, %add3A_252] : memref<800x32xf32, #tpu.memory_space<vmem>>[vector<16xi32>, vector<16xi32>], vector<16xf32>,
        tpu.vector_store_idx %arg10[%add3A_1062, %add3A_252, %iota3A], %gather3A_1071 : memref<50x32x16xf32, #tpu.memory_space<vmem>>[vector<16xi32>, vector<16xi32>, vector<16xi32>], vector<16xf32>,
        %gather3A_1072 = tpu.vector_load_idx %arg8[%add3A_1058, %add3A_280] : memref<800x32xf32, #tpu.memory_space<vmem>>[vector<16xi32>, vector<16xi32>], vector<16xf32>,
        tpu.vector_store_idx %arg10[%add3A_1062, %add3A_280, %iota3A], %gather3A_1072 : memref<50x32x16xf32, #tpu.memory_space<vmem>>[vector<16xi32>, vector<16xi32>, vector<16xi32>], vector<16xf32>,
        %gather3A_1073 = tpu.vector_load_idx %arg8[%add3A_1058, %add3A_308] : memref<800x32xf32, #tpu.memory_space<vmem>>[vector<16xi32>, vector<16xi32>], vector<16xf32>,
        tpu.vector_store_idx %arg10[%add3A_1062, %add3A_308, %iota3A], %gather3A_1073 : memref<50x32x16xf32, #tpu.memory_space<vmem>>[vector<16xi32>, vector<16xi32>, vector<16xi32>], vector<16xf32>,
        %gather3A_1074 = tpu.vector_load_idx %arg8[%add3A_1058, %add3A_336] : memref<800x32xf32, #tpu.memory_space<vmem>>[vector<16xi32>, vector<16xi32>], vector<16xf32>,
        tpu.vector_store_idx %arg10[%add3A_1062, %add3A_336, %iota3A], %gather3A_1074 : memref<50x32x16xf32, #tpu.memory_space<vmem>>[vector<16xi32>, vector<16xi32>, vector<16xi32>], vector<16xf32>,
        %gather3A_1075 = tpu.vector_load_idx %arg8[%add3A_1058, %add3A_364] : memref<800x32xf32, #tpu.memory_space<vmem>>[vector<16xi32>, vector<16xi32>], vector<16xf32>,
        tpu.vector_store_idx %arg10[%add3A_1062, %add3A_364, %iota3A], %gather3A_1075 : memref<50x32x16xf32, #tpu.memory_space<vmem>>[vector<16xi32>, vector<16xi32>, vector<16xi32>], vector<16xf32>,
        %gather3A_1076 = tpu.vector_load_idx %arg8[%add3A_1058, %add3A_392] : memref<800x32xf32, #tpu.memory_space<vmem>>[vector<16xi32>, vector<16xi32>], vector<16xf32>,
        tpu.vector_store_idx %arg10[%add3A_1062, %add3A_392, %iota3A], %gather3A_1076 : memref<50x32x16xf32, #tpu.memory_space<vmem>>[vector<16xi32>, vector<16xi32>, vector<16xi32>], vector<16xf32>,
        %gather3A_1077 = tpu.vector_load_idx %arg8[%add3A_1058, %add3A_420] : memref<800x32xf32, #tpu.memory_space<vmem>>[vector<16xi32>, vector<16xi32>], vector<16xf32>,
        tpu.vector_store_idx %arg10[%add3A_1062, %add3A_420, %iota3A], %gather3A_1077 : memref<50x32x16xf32, #tpu.memory_space<vmem>>[vector<16xi32>, vector<16xi32>, vector<16xi32>], vector<16xf32>,
        %gather3A_1078 = tpu.vector_load_idx %arg8[%add3A_1058, %add3A_448] : memref<800x32xf32, #tpu.memory_space<vmem>>[vector<16xi32>, vector<16xi32>], vector<16xf32>,
        tpu.vector_store_idx %arg10[%add3A_1062, %add3A_448, %iota3A], %gather3A_1078 : memref<50x32x16xf32, #tpu.memory_space<vmem>>[vector<16xi32>, vector<16xi32>, vector<16xi32>], vector<16xf32>,
        %gather3A_1079 = tpu.vector_load_idx %arg8[%add3A_1058, %add3A_476] : memref<800x32xf32, #tpu.memory_space<vmem>>[vector<16xi32>, vector<16xi32>], vector<16xf32>,
        tpu.vector_store_idx %arg10[%add3A_1062, %add3A_476, %iota3A], %gather3A_1079 : memref<50x32x16xf32, #tpu.memory_space<vmem>>[vector<16xi32>, vector<16xi32>, vector<16xi32>], vector<16xf32>,
        %gather3A_1080 = tpu.vector_load_idx %arg8[%add3A_1058, %add3A_504] : memref<800x32xf32, #tpu.memory_space<vmem>>[vector<16xi32>, vector<16xi32>], vector<16xf32>,
        tpu.vector_store_idx %arg10[%add3A_1062, %add3A_504, %iota3A], %gather3A_1080 : memref<50x32x16xf32, #tpu.memory_space<vmem>>[vector<16xi32>, vector<16xi32>, vector<16xi32>], vector<16xf32>,
        %gather3A_1081 = tpu.vector_load_idx %arg8[%add3A_1058, %add3A_532] : memref<800x32xf32, #tpu.memory_space<vmem>>[vector<16xi32>, vector<16xi32>], vector<16xf32>,
        tpu.vector_store_idx %arg10[%add3A_1062, %add3A_532, %iota3A], %gather3A_1081 : memref<50x32x16xf32, #tpu.memory_space<vmem>>[vector<16xi32>, vector<16xi32>, vector<16xi32>], vector<16xf32>,
        %gather3A_1082 = tpu.vector_load_idx %arg8[%add3A_1058, %add3A_560] : memref<800x32xf32, #tpu.memory_space<vmem>>[vector<16xi32>, vector<16xi32>], vector<16xf32>,
        tpu.vector_store_idx %arg10[%add3A_1062, %add3A_560, %iota3A], %gather3A_1082 : memref<50x32x16xf32, #tpu.memory_space<vmem>>[vector<16xi32>, vector<16xi32>, vector<16xi32>], vector<16xf32>,
        %gather3A_1083 = tpu.vector_load_idx %arg8[%add3A_1058, %add3A_588] : memref<800x32xf32, #tpu.memory_space<vmem>>[vector<16xi32>, vector<16xi32>], vector<16xf32>,
        tpu.vector_store_idx %arg10[%add3A_1062, %add3A_588, %iota3A], %gather3A_1083 : memref<50x32x16xf32, #tpu.memory_space<vmem>>[vector<16xi32>, vector<16xi32>, vector<16xi32>], vector<16xf32>,
        %gather3A_1084 = tpu.vector_load_idx %arg8[%add3A_1058, %add3A_616] : memref<800x32xf32, #tpu.memory_space<vmem>>[vector<16xi32>, vector<16xi32>], vector<16xf32>,
        tpu.vector_store_idx %arg10[%add3A_1062, %add3A_616, %iota3A], %gather3A_1084 : memref<50x32x16xf32, #tpu.memory_space<vmem>>[vector<16xi32>, vector<16xi32>, vector<16xi32>], vector<16xf32>,
        %gather3A_1085 = tpu.vector_load_idx %arg8[%add3A_1058, %add3A_644] : memref<800x32xf32, #tpu.memory_space<vmem>>[vector<16xi32>, vector<16xi32>], vector<16xf32>,
        tpu.vector_store_idx %arg10[%add3A_1062, %add3A_644, %iota3A], %gather3A_1085 : memref<50x32x16xf32, #tpu.memory_space<vmem>>[vector<16xi32>, vector<16xi32>, vector<16xi32>], vector<16xf32>,
        %gather3A_1086 = tpu.vector_load_idx %arg8[%add3A_1058, %add3A_672] : memref<800x32xf32, #tpu.memory_space<vmem>>[vector<16xi32>, vector<16xi32>], vector<16xf32>,
        tpu.vector_store_idx %arg10[%add3A_1062, %add3A_672, %iota3A], %gather3A_1086 : memref<50x32x16xf32, #tpu.memory_space<vmem>>[vector<16xi32>, vector<16xi32>, vector<16xi32>], vector<16xf32>,
        %gather3A_1087 = tpu.vector_load_idx %arg8[%add3A_1058, %add3A_700] : memref<800x32xf32, #tpu.memory_space<vmem>>[vector<16xi32>, vector<16xi32>], vector<16xf32>,
        tpu.vector_store_idx %arg10[%add3A_1062, %add3A_700, %iota3A], %gather3A_1087 : memref<50x32x16xf32, #tpu.memory_space<vmem>>[vector<16xi32>, vector<16xi32>, vector<16xi32>], vector<16xf32>,
        %gather3A_1088 = tpu.vector_load_idx %arg8[%add3A_1058, %add3A_728] : memref<800x32xf32, #tpu.memory_space<vmem>>[vector<16xi32>, vector<16xi32>], vector<16xf32>,
        tpu.vector_store_idx %arg10[%add3A_1062, %add3A_728, %iota3A], %gather3A_1088 : memref<50x32x16xf32, #tpu.memory_space<vmem>>[vector<16xi32>, vector<16xi32>, vector<16xi32>], vector<16xf32>,
        %gather3A_1089 = tpu.vector_load_idx %arg8[%add3A_1058, %add3A_756] : memref<800x32xf32, #tpu.memory_space<vmem>>[vector<16xi32>, vector<16xi32>], vector<16xf32>,
        tpu.vector_store_idx %arg10[%add3A_1062, %add3A_756, %iota3A], %gather3A_1089 : memref<50x32x16xf32, #tpu.memory_space<vmem>>[vector<16xi32>, vector<16xi32>, vector<16xi32>], vector<16xf32>,
        %gather3A_1090 = tpu.vector_load_idx %arg8[%add3A_1058, %add3A_784] : memref<800x32xf32, #tpu.memory_space<vmem>>[vector<16xi32>, vector<16xi32>], vector<16xf32>,
        tpu.vector_store_idx %arg10[%add3A_1062, %add3A_784, %iota3A], %gather3A_1090 : memref<50x32x16xf32, #tpu.memory_space<vmem>>[vector<16xi32>, vector<16xi32>, vector<16xi32>], vector<16xf32>,
        %gather3A_1091 = tpu.vector_load_idx %arg8[%add3A_1058, %add3A_812] : memref<800x32xf32, #tpu.memory_space<vmem>>[vector<16xi32>, vector<16xi32>], vector<16xf32>,
        tpu.vector_store_idx %arg10[%add3A_1062, %add3A_812, %iota3A], %gather3A_1091 : memref<50x32x16xf32, #tpu.memory_space<vmem>>[vector<16xi32>, vector<16xi32>, vector<16xi32>], vector<16xf32>,
        %gather3A_1092 = tpu.vector_load_idx %arg8[%add3A_1058, %add3A_840] : memref<800x32xf32, #tpu.memory_space<vmem>>[vector<16xi32>, vector<16xi32>], vector<16xf32>,
        tpu.vector_store_idx %arg10[%add3A_1062, %add3A_840, %iota3A], %gather3A_1092 : memref<50x32x16xf32, #tpu.memory_space<vmem>>[vector<16xi32>, vector<16xi32>, vector<16xi32>], vector<16xf32>,
        %gather3A_1093 = tpu.vector_load_idx %arg8[%add3A_1058, %add3A_868] : memref<800x32xf32, #tpu.memory_space<vmem>>[vector<16xi32>, vector<16xi32>], vector<16xf32>,
        tpu.vector_store_idx %arg10[%add3A_1062, %add3A_868, %iota3A], %gather3A_1093 : memref<50x32x16xf32, #tpu.memory_space<vmem>>[vector<16xi32>, vector<16xi32>, vector<16xi32>], vector<16xf32>,
        %gather3A_1094 = tpu.vector_load_idx %arg8[%add3A_1058, %add3A_896] : memref<800x32xf32, #tpu.memory_space<vmem>>[vector<16xi32>, vector<16xi32>], vector<16xf32>,
        tpu.vector_store_idx %arg10[%add3A_1062, %add3A_896, %iota3A], %gather3A_1094 : memref<50x32x16xf32, #tpu.memory_space<vmem>>[vector<16xi32>, vector<16xi32>, vector<16xi32>], vector<16xf32>,
      }
      %scan3A_997 = arith.constant 25 : i32
      %mul3A_998 = arith.constant 16 : i32
      %mul3A_999 = arith.muli %add3A_974, %mul3A_998 : i32
      %add3A_1000 = arith.addi %mul3A_2, %mul3A_999 : i32
      %dma_start3A_1001 = arith.constant 0 : i32
      %dma_start3A_1002 = arith.constant 0 : i32
      %dma_start3A_1003 = tpu.memref_slice %arg4[%dma_start3A_1001, %dma_start3A_1002, %add3A_1000] : memref<50x32x16384xf32, #tpu.memory_space<hbm>> -> memref<50x32x16xf32, #tpu.memory_space<hbm>>
      %dma_start3A_1004 = arith.constant 0 : i32
      %dma_start3A_1005 = arith.constant 0 : i32
      %dma_start3A_1006 = tpu.memref_slice %arg4[%dma_start3A_1004, %dma_start3A_1005, %add3A_1000] : memref<50x32x16384xf32, #tpu.memory_space<hbm>> -> memref<50x32x16xf32, #tpu.memory_space<hbm>>
      tpu.enqueue_dma source(%arg10 : memref<50x32x16xf32, #tpu.memory_space<vmem>>) target(%dma_start3A_1006 : memref<50x32x16xf32, #tpu.memory_space<hbm>>) target_semaphore(%arg16 : memref<!tpu.dma_semaphore, #tpu.memory_space<semaphore_mem>>)
      %add3A_1007 = arith.constant 2 : i32
      %add3A_1008 = arith.addi %add3A_974, %add3A_1007 : i32
      %lt3A_1009 = arith.constant 32 : i32
      %lt3A_1010 = arith.cmpi slt, %add3A_1008, %lt3A_1009 : i32
      %convert_element_type3A_1011 = arith.extui %lt3A_1010 : i1 to i32
      %cond3A_1012 = arith.constant 0 : i32
      %cond3A_1013 = arith.cmpi ne, %convert_element_type3A_1011, %cond3A_1012 : i32
      scf.if %cond3A_1013 {
        %mul3A_1014 = arith.constant 800 : i32
        %mul3A_1015 = arith.muli %add3A_1008, %mul3A_1014 : i32
        %add3A_1016 = arith.addi %mul3A_4, %mul3A_1015 : i32
        %dma_start3A_1017 = tpu.memref_slice %arg2[%add3A_1016] : memref<819200xi32, #tpu.memory_space<hbm>> -> memref<800xi32, #tpu.memory_space<hbm>>
        %dma_start3A_1018 = tpu.memref_slice %arg2[%add3A_1016] : memref<819200xi32, #tpu.memory_space<hbm>> -> memref<800xi32, #tpu.memory_space<hbm>>
        tpu.enqueue_dma source(%dma_start3A_1018 : memref<800xi32, #tpu.memory_space<hbm>>) target(%arg6 : memref<800xi32, #tpu.memory_space<vmem>>) target_semaphore(%arg12 : memref<!tpu.dma_semaphore, #tpu.memory_space<semaphore_mem>>)
      } else {
      }
    }
    %scan3A_914 = arith.constant 16 : i32
    %add3A_915 = arith.constant 480 : i32
    %add3A_916 = arith.addi %mul3A_2, %add3A_915 : i32
    %dma_wait3A_917 = arith.constant 0 : i32
    %dma_wait3A_918 = arith.constant 0 : i32
    %dma_wait3A_919 = tpu.memref_slice %arg4[%dma_wait3A_917, %dma_wait3A_918, %add3A_916] : memref<50x32x16384xf32, #tpu.memory_space<hbm>> -> memref<50x32x16xf32, #tpu.memory_space<hbm>>
    %dma_wait3A_920 = arith.constant 0 : i32
    %dma_wait3A_921 = arith.constant 0 : i32
    %dma_wait3A_922 = tpu.memref_slice %arg4[%dma_wait3A_920, %dma_wait3A_921, %add3A_916] : memref<50x32x16384xf32, #tpu.memory_space<hbm>> -> memref<50x32x16xf32, #tpu.memory_space<hbm>>
    tpu.wait_dma2 semaphore(%arg15 : memref<!tpu.dma_semaphore, #tpu.memory_space<semaphore_mem>>) src(%arg9 : memref<50x32x16xf32, #tpu.memory_space<vmem>>) dst(%dma_wait3A_922 : memref<50x32x16xf32, #tpu.memory_space<hbm>>)
    %add3A_923 = arith.constant 496 : i32
    %add3A_924 = arith.addi %mul3A_2, %add3A_923 : i32
    %dma_wait3A_925 = arith.constant 0 : i32
    %dma_wait3A_926 = arith.constant 0 : i32
    %dma_wait3A_927 = tpu.memref_slice %arg4[%dma_wait3A_925, %dma_wait3A_926, %add3A_924] : memref<50x32x16384xf32, #tpu.memory_space<hbm>> -> memref<50x32x16xf32, #tpu.memory_space<hbm>>
    %dma_wait3A_928 = arith.constant 0 : i32
    %dma_wait3A_929 = arith.constant 0 : i32
    %dma_wait3A_930 = tpu.memref_slice %arg4[%dma_wait3A_928, %dma_wait3A_929, %add3A_924] : memref<50x32x16384xf32, #tpu.memory_space<hbm>> -> memref<50x32x16xf32, #tpu.memory_space<hbm>>
    tpu.wait_dma2 semaphore(%arg16 : memref<!tpu.dma_semaphore, #tpu.memory_space<semaphore_mem>>) src(%arg10 : memref<50x32x16xf32, #tpu.memory_space<vmem>>) dst(%dma_wait3A_930 : memref<50x32x16xf32, #tpu.memory_space<hbm>>)
    return
  }
}

</mosaic_0001>

<sc_bundles>
// kernel: _run.3.cloned.1.call-start
scs
__scs_entry_jumppad:
0x0: {  	(pc) =	sbr.rel $0x88, $3  }
0x1: {  	(tag) =	ssettag $0x0;
	lr =	simm.s32 $0x1  }
0x2: {  	[smem:$0x3F9F] =	sst lr;
	_ =	strace $0xD0000000  }
0x3: {  	_ = 	snop  }
0x4: {  	_ = 	snop  }
0x5: {  	_ = 	snop  }
0x6: {  	_ = 	snop  }
0x7: {  	_ = 	snop  }
__scs_overlays_trampoline_lowered:
0x8: {  	[smem:$0x3FAE] =	sst s0  }
0x9: {  	[smem:$0x3FAF] =	sst s1  }
0xa: {  	[smem:$0x3FB0] =	sst s2  }
0xb: {  	[smem:$0x3FB1] =	sst s3  }
0xc: {  	[smem:$0x3FB2] =	sst s4  }
0xd: {  	[smem:$0x3FB3] =	sst s5  }
0xe: {  	[smem:$0x3FB4] =	sst s6  }
0xf: {  	[smem:$0x3FB5] =	sst s7  }
0x10: {  	[smem:$0x3FB6] =	sst s8  }
0x11: {  	[smem:$0x3FB7] =	sst s9;
	s0 =	simm.s32 @!p0 $0x0  }
0x12: {  	s1 =	sld [smem:$0x3F9D];
	s0 =	simm.s32 @p0 $0x1  }
0x13: {  	[smem:$0x3FB8] =	sst s0;
	s0 =	simm.s32 @!p1 $0x0  }
0x14: {  	s2 =	sld [smem:$0x3F9C];
	s0 =	simm.s32 @p1 $0x1  }
0x15: {  	[smem:$0x3FB9] =	sst s0;
	s0 =	simm.s32 @!p2 $0x0  }
0x16: {  	s3 =	sld [smem:$0x3FDB];
	s0 =	simm.s32 @p2 $0x1  }
0x17: {  	s4 =	simm.s32 $0x1BF5;
	[smem:$0x3FBB] =	sst s0  }
0x18: {  	s0 =	sld [smem:$0x3F9E];
	_ =	swait.ge [sflag:s4], $0x0  }
0x19: {  	s7 =	sld [smem:$0x3F9F]  }
0x1a: {  	s8 =	sadd.s32 $0xFFFFE003, lr  }
0x1b: {  	s9 =	sadd.s32 $0xFFFFFEF7, lr;
	s5 =	simm.s32 $0xFFFFFFFF;
	p2 =	slt.u32 s8, $0xFFFFF086  }
0x1c: {  	p1 =	slt.u32 s9, $0xF7A;
	s5 =	simm.s32 @!p2 $0x0  }
0x1d: {  	s5 =	simm.s32 @p1 $0x1;
	p0 =	seq.s32 s7, s2  }
0x1e: {  	s7 =	smul.u32 @!p0 $0xF7A, s2;
	p2 =	seq.s32 @!p0 s5, $0x0  }
0x1f: {  	s9 =	smul.u32 $0xF7A, s1;
	s8 =	simm.s32 @!p0 $0x1BF5;
	p2 =	por !p2, p0  }
0x20: {  	[sflag:s8] =	ssyncset.s32 @!p0 $0xFFFFF086;
	s6 =	sadd.s32 @!p0 s3, s7;
	s7 =	simm.s32 @!p0 $0x108  }
0x21: {  	s3 =	sadd.s32 s3, s9;
	s6 =	sadd.s32 @!p0 $0x88, s6;
	s7 =	simm.s32 @p2 $0x1082  }
0x22: {  	[simem:s7], [sflag:s8] =	dma.local @!p0 [hbm:s6], $0xF7A  }
0x23: {  	s9 =	sor.u32 $0xD0000000, s2;
	s6 =	simm.s32 $0x108;
	_ =	swait.ge @!p0 [sflag:s8], $0x0  }
0x24: {  	s3 =	sadd.s32 $0x88, s3;
	s6 =	simm.s32 @!p1 $0x1082;
	[sflag:s4] =	ssyncset.s32 $0xFFFFF086  }
0x25: {  	[simem:s6], [sflag:s4] =	dma.local [hbm:s3], $0xF7A  }
0x26: {  	[smem:$0x3F9F] =	sst s1;
	(tag) =	ssettag s2;
	_ =	strace s9  }
0x27: {  	s1 =	sld [smem:$0x3FAF]  }
0x28: {  	s2 =	sld [smem:$0x3FB0]  }
0x29: {  	s4 =	sld [smem:$0x3FB2]  }
0x2a: {  	p0 =	seq.s32 s5, $0x0;
	s5 =	sld [smem:$0x3FB3]  }
0x2b: {  	s6 =	sld [smem:$0x3FB4]  }
0x2c: {  	s7 =	sld [smem:$0x3FB5]  }
0x2d: {  	s3 =	simm.s32 $0x108;
	s8 =	sld [smem:$0x3FB6]  }
0x2e: {  	s3 =	simm.s32 @!p0 $0x1082;
	s9 =	sld [smem:$0x3FB7]  }
0x2f: {  	lr =	sadd.s32 s0, s3;
	s0 =	sld [smem:$0x3FAE]  }
0x30: {  	s3 =	sld [smem:$0x3FB1]  }
0x31: {  	[smem:$0x3FBA] =	sst s10  }
0x32: {  	s10 =	sld [smem:$0x3FB8];
	_ =	sdelay $0x3  }
0x33: {  	p0 =	seq.s32 s10, $0x1;
	s10 =	sld [smem:$0x3FBA];
	_ =	sdelay $0x3  }
0x34: {  	[smem:$0x3FBA] =	sst s10  }
0x35: {  	s10 =	sld [smem:$0x3FB9];
	_ =	sdelay $0x3  }
0x36: {  	p1 =	seq.s32 s10, $0x1;
	s10 =	sld [smem:$0x3FBA];
	_ =	sdelay $0x3  }
0x37: {  	[smem:$0x3FBA] =	sst s10  }
0x38: {  	s10 =	sld [smem:$0x3FBB]  }
0x39: {  	_ = 	snop;
	(pc) =	sbr.ind lr, $3  }
0x3a: {  	_ = 	snop  }
0x3b: {  	_ = 	snop  }
0x3c: {  	p2 =	seq.s32 s10, $0x1;
	s10 =	sld [smem:$0x3FBA]  }
0x3d: {  	_ =	shalt  }
0x3e: {  	_ =	shalt  }
0x3f: {  	_ =	shalt  }
0x40: {  	_ =	shalt  }
0x41: {  	_ =	shalt  }
0x42: {  	_ =	shalt  }
0x43: {  	_ =	shalt  }
0x44: {  	_ =	shalt  }
0x45: {  	_ =	shalt  }
0x46: {  	_ =	shalt  }
0x47: {  	_ =	shalt  }
0x48: {  	_ =	shalt  }
0x49: {  	_ =	shalt  }
0x4a: {  	_ =	shalt  }
0x4b: {  	_ =	shalt  }
0x4c: {  	_ =	shalt  }
0x4d: {  	_ =	shalt  }
0x4e: {  	_ =	shalt  }
0x4f: {  	_ =	shalt  }
0x50: {  	_ =	shalt  }
0x51: {  	_ =	shalt  }
0x52: {  	_ =	shalt  }
0x53: {  	_ =	shalt  }
0x54: {  	_ =	shalt  }
0x55: {  	_ =	shalt  }
0x56: {  	_ =	shalt  }
0x57: {  	_ =	shalt  }
0x58: {  	_ =	shalt  }
0x59: {  	_ =	shalt  }
0x5a: {  	_ =	shalt  }
0x5b: {  	_ =	shalt  }
0x5c: {  	_ =	shalt  }
0x5d: {  	_ =	shalt  }
0x5e: {  	_ =	shalt  }
0x5f: {  	_ =	shalt  }
0x60: {  	_ =	shalt  }
0x61: {  	_ =	shalt  }
0x62: {  	_ =	shalt  }
0x63: {  	_ =	shalt  }
0x64: {  	_ =	shalt  }
0x65: {  	_ =	shalt  }
0x66: {  	_ =	shalt  }
0x67: {  	_ =	shalt  }
0x68: {  	_ =	shalt  }
0x69: {  	_ =	shalt  }
0x6a: {  	_ =	shalt  }
0x6b: {  	_ =	shalt  }
0x6c: {  	_ =	shalt  }
0x6d: {  	_ =	shalt  }
0x6e: {  	_ =	shalt  }
0x6f: {  	_ =	shalt  }
0x70: {  	_ =	shalt  }
0x71: {  	_ =	shalt  }
0x72: {  	_ =	shalt  }
0x73: {  	_ =	shalt  }
0x74: {  	_ =	shalt  }
0x75: {  	_ =	shalt  }
0x76: {  	_ =	shalt  }
0x77: {  	_ =	shalt  }
0x78: {  	_ =	shalt  }
0x79: {  	_ =	shalt  }
0x7a: {  	_ =	shalt  }
0x7b: {  	_ =	shalt  }
0x7c: {  	_ =	shalt  }
0x7d: {  	_ =	shalt  }
0x7e: {  	_ =	shalt  }
0x7f: {  	_ =	shalt  }
0x80: {  	_ =	shalt  }
0x81: {  	_ =	shalt  }
0x82: {  	_ =	shalt  }
0x83: {  	_ =	shalt  }
0x84: {  	_ =	shalt  }
0x85: {  	_ =	shalt  }
0x86: {  	_ =	shalt  }
0x87: {  	_ =	shalt  }
.Lfunc_end0:
.L_simem_size_0:
called_computation_lowered:
.L_overlay_start_0:
0x88: {  	s2 =	sld [smem:$0x3FD9]  }
0x89: {  	s3 =	sld [smem:$0x3FFE];
	_ =	sdelay $0x1  }
0x8a: {  	s1 =	srdreg.scid  }
0x8b: {  	s0 =	sand.u32 $0x1, s1  }
0x8c: {  	s17 =	sshll.u32 s0, $0xA;
	s2 =	sadd.s32 s3, s2  }
0x8d: {  	s2 =	sadd.s32 s2, s17  }
0x8e: {  	[smem:$0x3FC6] =	sst s2  }
0x8f: {  	_ = 	snop  }
0x90: {  	s2 =	sld [smem:$0x3FC9];
	(tm) =	ssettm $0x1  }
0x91: {  	s18 =	sld [smem:$0x3FFB];
	_ =	sdelay $0x3  }
0x92: {  	_ =	strace s18  }
0x93: {  	s3 =	sld [smem:$0x3FFC];
	_ =	sdelay $0x3  }
0x94: {  	_ =	strace s3  }
0x95: {  	s3 =	sld [smem:$0x3FFD];
	_ =	sdelay $0x3  }
0x96: {  	_ =	strace s3  }
0x97: {  	_ =	strace $0x8FFFFFFF  }
0x98: {  	s19 =	sld [smem:$0x3FDB];
	_ =	sdelay $0x1  }
0x99: {  	s4 =	simm.s32 $_scs_section_size  }
0x9a: {  	s5 =	simm.s32 $_size__tile_overlayer_lowered;
	s6 =	simm.s32 $_tile_overlayer_lowered  }
0x9b: {  	s22 =	simm.s32 $0x1BFF;
	s21 =	sshll.u32 s6, $0x1;
	s3 =	sadd.s32 s4, s19  }
0x9c: {  	s7 =	simm.s32 $0x0;
	s20 =	sshll.u32 s5, $0x1;
	s5 =	sadd.s32 s21, s3  }
0x9d: {  	[timem:s7], [sflag:s22] =	dma.local [hbm:s5], s20  }
0x9e: {  	_ =	swait.ge [sflag:s22], s20  }
0x9f: {  	s4 =	ssub.s32 $0x0, s20;
	[sflag:s22] =	ssyncset.done $0x0  }
0xa0: {  	[sflag:s22] =	ssyncadd.s32 s4;
	_ =	sdelay $0x1  }
0xa1: {  	s23 =	simm.s32 $0x1B8B  }
0xa2: {  	_ =	swait.ge [sflag:s23], $0x1  }
0xa3: {  	[sflag:s23] =	ssyncset.done $0x0  }
0xa4: {  	s25 =	simm.s32 $0x1B8E;
	s24 =	sld [smem:$0x3FFE];
	[sflag:s23] =	ssyncadd.s32 $0xFFFFFFFF  }
0xa5: {  	s26 =	simm.s32 $execute0_lowered;
	[smem:$0x3FD2] =	sst s25  }
0xa6: {  	s5 =	sshll.u32 s26, $0x1;
	_ =	strace $0x80000046;
	[dreg:$0x1] =	wrdreg $0xFFFFFFFF  }
0xa7: {  	s28 =	simm.s32 $_size_execute0_lowered;
	s3 =	sadd.s32 s3, s5;
	[dreg:$0x0] =	wrdreg $0x0  }
0xa8: {  	s5 =	sshll.u32 s28, $0x1;
	[dreg:$0x2] =	wrdreg s3  }
0xa9: {  	[dreg:$0x3] =	wrdreg s5  }
0xaa: {  	[dreg:$0x4] =	wrdreg $0xC0  }
0xab: {  	_ =	task [dreg:s7], $0x5FFFF  }
0xac: {  	[dreg:$0x1] =	wrdreg $0xFFFFFFFF  }
0xad: {  	[dreg:$0x0] =	wrdreg $0x60  }
0xae: {  	[dreg:$0x2] =	wrdreg s2  }
0xaf: {  	[dreg:$0x3] =	wrdreg s24  }
0xb0: {  	[dreg:$0x4] =	wrdreg $0x9  }
0xb1: {  	_ =	task.clear_ibuf [dreg:s7], $0x5FFFF;
	_ =	strace $0x90000046  }
0xb2: {  	s29 =	simm.s32 $0x9;
	_ =	strace $0x80000048  }
0xb3: {  	_ =	swait.ge [sflag:s29], $0x1  }
0xb4: {  	[sflag:s29] =	ssyncadd.s32 $0xFFFFFFFF  }
0xb5: {  	_ =	strace $0x90000048  }
0xb6: {  	_ =	sfence  }
0xb7: {  	s30 =	sld [smem:$0x0];
	_ =	sdelay $0x2  }
0xb8: {  	s31 =	sshll.u32 s1, $0xD;
	s1 =	sshrl.u32 s1, $0x2  }
0xb9: {  	s3 =	sand.u32 $0x4000, s31;
	s1 =	sadd.s32 s1, s30  }
0xba: {  	s0 =	sor.u32 s3, s0;
	s1 =	sshll.u32 s1, $0x11  }
0xbb: {  	s0 =	sor.u32 s1, s0  }
0xbc: {  	s0 =	sadd.s32 $0x8F2B, s0  }
0xbd: {  	[sflag:s0] =	ssyncadd.remote.s32 $0x1  }
0xbe: {  	_ =	sfence.sel $0xFFFF  }
0xbf: {  	[dreg:$0x0] =	wrdreg $0xFFFFFFFF;
	(pc) =	sbr.abs _section_cstart, $3  }
0xc0: {  	[dreg:$0x1] =	wrdreg $0xFFFFFFFF  }
0xc1: {  	_ =	task.clear_ibuf [dreg:s7], $0x2FFFF;
	_ =	strace $0x9FFFFFFF  }
0xc2: {  	(tm) =	ssettm $0x7FFFFFFF  }
0xc3: {  	_ =	shalt  }
tec
execute0_lowered:
.L_overlay_start_1:
0x0: {  	(tag) =	ssettag $0x1  }
0x1: {  	v0 =	vimm.s32 $0xFEDCBA9  }
0x2: {  	v1 =	vimm.s32 $0x87654321;
	v34 =	vlaneseq.u32;
	v3 =	vimm.s32 $0xCBBAA998  }
0x3: {  	v55 =	vimm.s32 $0xFFEEDDC;
	v4 =	vimm.s32 $0x43322110;
	v5 =	vimm.s32 $0x87766554  }
0x4: {  	v6 =	vimm.s32 $0x10FEDCBA;
	vm0 =	vcmask $0x1F10;
	v7 =	vimm.s32 $0x98765432  }
0x5: {  	v8 =	vimm.s32 $0xA9876543;
	v9 =	vimm.s32 $0x97867564;
	v11 =	vimm.s32 $0xBA987654  }
0x6: {  	v15 =	vimm.s32 $0x1B0AF9E8;
	v16 =	vimm.s32 $0x5F4E3D2C;
	v17 =	vimm.s32 $0x93827160  }
0x7: {  	v18 =	vimm.s32 $0xD7C6B5A4;
	v19 =	vimm.s32 $0xFEDCBA98;
	v22 =	vimm.s32 $0xB3A29180  }
0x8: {  	v31 =	vimm.s32 $0xF7E6D5C4;
	v63 =	vimm.s32 $0x7F6E5D4;
	v37 =	vimm.s32 $0x5B4A3928  }
0x9: {  	v39 =	vimm.s32 $0x1706F5E4;
	v35 =	vimm.s32 $0xCFBEAD9C;
	vm15 =	vcmask $0x300  }
0xa: {  	vm14 =	vcmask $0x704;
	vm13 =	vcmask $0xB08;
	vm12 =	vcmask $0xF0C  }
0xb: {  	vm11 =	vcmask $0x1310;
	vm10 =	vcmask $0x1714;
	vm9 =	vcmask $0x1B18  }
0xc: {  	vm8 =	vcmask $0x1F1C;
	vm7 =	vcmask $0x2320;
	vm6 =	vcmask $0x2724  }
0xd: {  	vm5 =	vcmask $0x2B28;
	vm4 =	vcmask $0x2F2C;
	vm3 =	vcmask $0x3330  }
0xe: {  	vm1 =	vcmask $0x3734;
	vm2 =	vcmask $0x3B38;
	v0 =	vunpack.c.l.s4.s8 v0  }
0xf: {  	v1 =	vunpack.c.l.s4.s8 v1;
	v49 =	vmul.u32 $0x640, v34;
	v42 =	vmul.u32 $0x11, v34  }
0x10: {  	v54 =	vunpack.c.0.s8.s32 v3;
	v3 =	vunpack.c.0.s8.s32 v55;
	v4 =	vunpack.c.0.s8.s32 v4  }
0x11: {  	v5 =	vunpack.c.0.s8.s32 v5;
	v6 =	vunpack.c.l.s4.s8 v6;
	v8 =	vunpack.c.l.s4.s8 v8  }
0x12: {  	v9 =	vunpack.c.0.s8.s32 v9;
	v11 =	vunpack.c.l.s4.s8 v11;
	v15 =	vunpack.c.0.s8.s32 v15  }
0x13: {  	v16 =	vunpack.c.0.s8.s32 v16;
	v17 =	vunpack.c.0.s8.s32 v17;
	v18 =	vunpack.c.0.s8.s32 v18  }
0x14: {  	v19 =	vunpack.c.l.s4.s8 v19;
	v22 =	vunpack.c.0.s8.s32 v22;
	v31 =	vunpack.c.0.s8.s32 v31  }
0x15: {  	v0 =	vunpack.c.0.s8.s32 v0;
	v1 =	vunpack.c.0.s8.s32 v1;
	v56 =	vsel vm0, v5, v4  }
0x16: {  	v4 =	vunpack.c.l.s4.s8 v7;
	v57 =	vunpack.c.0.s8.s32 v6;
	v5 =	vimm.s32 $0xDBCAB9A8  }
0x17: {  	v6 =	vimm.s32 $0x53423120;
	v7 =	vimm.s32 $0x210FEDCB;
	v24 =	vunpack.c.0.s8.s32 v8  }
0x18: {  	v8 =	vimm.s32 $0x63524130;
	v26 =	vunpack.c.0.s8.s32 v11;
	v11 =	vimm.s32 $0xB7A69584  }
0x19: {  	v19 =	vunpack.c.0.s8.s32 v19;
	v7 =	vunpack.c.l.s4.s8 v7;
	v6 =	vunpack.c.0.s8.s32 v6  }
0x1a: {  	v8 =	vunpack.c.0.s8.s32 v8;
	v11 =	vunpack.c.0.s8.s32 v11;
	v2 =	vcombine.low v1, v0  }
0x1b: {  	v20 =	vunpack.c.0.s8.s32 v4;
	v4 =	vunpack.c.0.s8.s32 v5;
	v5 =	vimm.s32 $0x1F0EFDEC  }
0x1c: {  	v19 =	vand.u32 $0xF, v19;
	v0 =	vcombine.low v0, v1;
	v1 =	vunpack.c.0.s8.s32 v37  }
0x1d: {  	v5 =	vunpack.c.0.s8.s32 v5;
	v23 =	vunpack.c.0.s8.s32 v7;
	v7 =	vimm.s32 $0x2F1E0DFC  }
0x1e: {  	v44 =	vand.u32 $0xF, v2;
	v2 =	vsel vm0, v3, v54;
	v10 =	vcombine.low v20, v57  }
0x1f: {  	v51 =	vand.u32 $0xF, v0;
	v3 =	vcombine.low v56, v2;
	v58 =	vsel vm0, v5, v4  }
0x20: {  	v4 =	vsel vm0, v9, v6;
	v6 =	vimm.s32 $0xEBDAC9B8;
	v2 =	vcombine.low v57, v20  }
0x21: {  	v20 =	vimm.s32 $0xAF9E8D7C;
	v56 =	vimm.s32 $0x7B6A5948;
	v45 =	vand.u32 $0xF, v10  }
0x22: {  	v9 =	vunpack.c.0.s8.s32 v6;
	v10 =	vunpack.c.0.s8.s32 v7;
	v6 =	vimm.s32 $0xA7968574  }
0x23: {  	v7 =	vimm.s32 $0x3210FEDC;
	v41 =	vunpack.c.0.s8.s32 v20;
	v57 =	vunpack.c.0.s8.s32 v56  }
0x24: {  	v38 =	vand.u32 $0xFF, v3;
	v3 =	vcombine.low v4, v58;
	v4 =	vcombine.low v24, v23  }
0x25: {  	v12 =	vunpack.c.0.s8.s32 v6;
	v13 =	vunpack.c.l.s4.s8 v7;
	v23 =	vcombine.low v23, v24  }
0x26: {  	v58 =	vimm.s32 $0xBFAE9D8C;
	v24 =	vimm.s32 $0xF3E2D1C0;
	v59 =	vsel vm0, v10, v9  }
0x27: {  	v9 =	vimm.s32 $0x3F2E1D0C;
	v10 =	vimm.s32 $0x73625140;
	v7 =	vand.u32 $0xFF, v3  }
0x28: {  	v50 =	vand.u32 $0xF, v4;
	v4 =	vsel vm0, v12, v8;
	v25 =	vunpack.c.0.s8.s32 v13  }
0x29: {  	v8 =	vimm.s32 $0xFBEAD9C8;
	v9 =	vunpack.c.0.s8.s32 v9;
	v10 =	vunpack.c.0.s8.s32 v10  }
0x2a: {  	v12 =	vimm.s32 $0x43210FED;
	v13 =	vimm.s32 $0xCBA98765;
	v8 =	vunpack.c.0.s8.s32 v8  }
0x2b: {  	v12 =	vunpack.c.l.s4.s8 v12;
	v13 =	vunpack.c.l.s4.s8 v13;
	v3 =	vcombine.low v4, v59  }
0x2c: {  	v4 =	vcombine.low v26, v25;
	v10 =	vsel vm0, v11, v10;
	v11 =	vimm.s32 $0xBFAE9D8  }
0x2d: {  	v14 =	vsel vm0, v9, v8;
	v27 =	vunpack.c.0.s8.s32 v12;
	v28 =	vunpack.c.0.s8.s32 v13  }
0x2e: {  	v43 =	vand.u32 $0xFF, v3;
	v12 =	vimm.s32 $0x4F3E2D1C;
	v61 =	vunpack.c.0.s8.s32 v11  }
0x2f: {  	v13 =	vimm.s32 $0xC7B6A594;
	v48 =	vand.u32 $0xF, v4;
	v12 =	vunpack.c.0.s8.s32 v12  }
0x30: {  	v60 =	vcombine.low v10, v14;
	v14 =	vimm.s32 $0xDCBA9876;
	v4 =	vcombine.low v28, v27  }
0x31: {  	v14 =	vunpack.c.l.s4.s8 v14;
	v3 =	vsel vm0, v12, v61;
	v12 =	vunpack.c.0.s8.s32 v13  }
0x32: {  	v13 =	vimm.s32 $0x543210FE;
	v10 =	vand.u32 $0xF, v4;
	v4 =	vimm.s32 $0x83726150  }
0x33: {  	v59 =	vunpack.c.0.s8.s32 v24;
	v13 =	vunpack.c.l.s4.s8 v13;
	v4 =	vunpack.c.0.s8.s32 v4  }
0x34: {  	v6 =	vand.u32 $0xFF, v60;
	v30 =	vunpack.c.0.s8.s32 v14;
	v14 =	vimm.s32 $0x6543210F  }
0x35: {  	v62 =	vunpack.c.l.s4.s8 v14;
	v9 =	vunpack.c.0.s8.s32 v13;
	v4 =	vsel vm0, v12, v4  }
0x36: {  	v12 =	vsel vm0, v18, v17;
	v3 =	vcombine.low v4, v3;
	v4 =	vsel vm0, v16, v15  }
0x37: {  	v17 =	vimm.s32 $0xA3928170;
	v18 =	vimm.s32 $0xE7D6C5B4;
	v4 =	vcombine.low v12, v4  }
0x38: {  	v15 =	vimm.s32 $0xEDCBA987;
	v16 =	vimm.s32 $0x6F5E4D3C;
	v17 =	vunpack.c.0.s8.s32 v17  }
0x39: {  	v18 =	vunpack.c.0.s8.s32 v18;
	v47 =	vand.u32 $0xFF, v4;
	v4 =	vunpack.c.l.s4.s8 v15  }
0x3a: {  	v16 =	vunpack.c.0.s8.s32 v16;
	v46 =	vand.u32 $0xFF, v3;
	v15 =	vimm.s32 $0x2B1A09F8  }
0x3b: {  	v3 =	vunpack.c.0.s8.s32 v62;
	v15 =	vunpack.c.0.s8.s32 v15;
	v4 =	vunpack.c.0.s8.s32 v4  }
0x3c: {  	v60 =	vcombine.low v25, v26;
	v13 =	vcombine.low v30, v9;
	v17 =	vsel vm0, v18, v17  }
0x3d: {  	v16 =	vsel vm0, v16, v15;
	v15 =	vimm.s32 $0x76543210;
	v21 =	vcombine.low v4, v3  }
0x3e: {  	v18 =	vunpack.c.l.s4.s8 v15;
	v16 =	vcombine.low v17, v16;
	v17 =	vimm.s32 $0x3B2A1908  }
0x3f: {  	v36 =	vand.u32 $0xF, v21;
	v21 =	vunpack.c.0.s8.s32 v17;
	v17 =	vimm.s32 $0x7F6E5D4C  }
0x40: {  	v26 =	vimm.s32 $0x8B7A6958;
	v18 =	vunpack.c.0.s8.s32 v18;
	v32 =	vunpack.c.0.s8.s32 v17  }
0x41: {  	v24 =	vand.u32 $0xF, v60;
	v13 =	vand.u32 $0xF, v13;
	v3 =	vcombine.low v3, v4  }
0x42: {  	v12 =	vcombine.low v19, v18;
	v18 =	vimm.s32 $0x4B3A2918;
	v19 =	vsel vm0, v32, v21  }
0x43: {  	v21 =	vsel vm0, v31, v22;
	v18 =	vunpack.c.0.s8.s32 v18;
	v22 =	vimm.s32 $0x8F7E6D5C  }
0x44: {  	v31 =	vimm.s32 $0xC3B2A190;
	v32 =	vunpack.c.0.s8.s32 v63;
	v63 =	vunpack.c.0.s8.s32 v26  }
0x45: {  	v26 =	vimm.s32 $0x3F2E1D0;
	v22 =	vunpack.c.0.s8.s32 v22;
	v31 =	vunpack.c.0.s8.s32 v31  }
0x46: {  	v14 =	vand.u32 $0xFF, v16;
	v19 =	vcombine.low v21, v19;
	v37 =	vunpack.c.0.s8.s32 v26  }
0x47: {  	v21 =	vsel vm0, v22, v18;
	v22 =	vsel vm0, v32, v31;
	v18 =	vimm.s32 $0x9F8E7D6C  }
0x48: {  	v31 =	vimm.s32 $0xD3C2B1A0;
	v32 =	vunpack.c.0.s8.s32 v39;
	v53 =	vand.u32 $0xFF, v19  }
0x49: {  	v19 =	vand.u32 $0xF, v2;
	v2 =	vunpack.c.0.s8.s32 v58;
	v39 =	vcombine.low v27, v28  }
0x4a: {  	v27 =	vimm.s32 $0x9B8A7968;
	v58 =	vimm.s32 $0x67564534;
	v33 =	vunpack.c.0.s8.s32 v18  }
0x4b: {  	v31 =	vunpack.c.0.s8.s32 v31;
	v40 =	vcombine.low v22, v21;
	v22 =	vimm.s32 $0x6B5A4938  }
0x4c: {  	v28 =	vunpack.c.0.s8.s32 v27;
	v27 =	vimm.s32 $0xDFCEBDAC;
	v18 =	vor.u32 $0x10, v34  }
0x4d: {  	v1 =	vsel vm0, v33, v1;
	v21 =	vsel vm0, v32, v31;
	v31 =	vunpack.c.0.s8.s32 v22  }
0x4e: {  	v22 =	vimm.s32 $0x271605F4;
	v8 =	vand.u32 $0xFF, v40;
	v33 =	vunpack.c.0.s8.s32 v58  }
0x4f: {  	v58 =	vimm.s32 $0x11101F1E;
	v1 =	vcombine.low v21, v1;
	v21 =	vimm.s32 $0xE3D2C1B0  }
0x50: {  	v5 =	vunpack.c.0.s8.s32 v22;
	v52 =	vunpack.c.0.s8.s32 v21;
	v54 =	vsel vm0, v41, v31  }
0x51: {  	v31 =	vimm.s32 $0x37261504;
	v21 =	vand.u32 $0xF, v23;
	v41 =	vimm.s32 $0x57463524  }
0x52: {  	v23 =	vmovc v8;
	v8 =	vand.u32 $0xF, v39;
	v39 =	vimm.s32 $0x11F;
	v29 =	vand.u32 $0xFF, v1  }
0x53: {  	v31 =	vunpack.c.0.s8.s32 v31;
	v1 =	vsel vm0, v2, v57;
	v2 =	vunpack.c.0.s8.s32 v35  }
0x54: {  	v32 =	vunpack.c.0.s8.s32 v41;
	v57 =	vimm.s32 $0x231201F0;
	v35 =	vimm.s32 $0x18171615  }
0x55: {  	v55 =	vsel vm0, v5, v52;
	v52 =	vunpack.c.0.s8.s32 v27;
	v27 =	vunpack.c.0.s8.s32 v35  }
0x56: {  	v35 =	vimm.s32 $0x13121110;
	v0 =	vcombine.low v55, v54;
	v61 =	vsel vm0, v31, v59  }
0x57: {  	v31 =	vimm.s32 $0x47362514;
	v55 =	vimm.s32 $0xAB9A8978;
	v59 =	vcombine.low v9, v30  }
0x58: {  	v62 =	vcombine.low v61, v1;
	v31 =	vunpack.c.0.s8.s32 v31;
	v1 =	vsel vm0, v2, v63  }
0x59: {  	v56 =	vsel vm0, v52, v28;
	v28 =	vimm.s32 $0xEFDECDBC;
	v52 =	vand.u32 $0xF, v3  }
0x5a: {  	v15 =	vmovc v13;
	v61 =	vimm.s32 $0x10F;
	v63 =	vimm.s32 $0x1C1B1A19;
	v13 =	vand.u32 $0xFF, v0  }
0x5b: {  	v5 =	vunpack.c.0.s8.s32 v28;
	v17 =	vand.u32 $0xF, v59;
	v3 =	vunpack.c.0.s8.s32 v63  }
0x5c: {  	v59 =	vimm.s32 $0x15141312;
	v63 =	vimm.s32 $0x16151413;
	v22 =	vand.u32 $0xFF, v62  }
0x5d: {  	v40 =	vsel vm0, v31, v37;
	v31 =	vimm.s32 $0x1302F1E0;
	v62 =	vsel vm15, $0x110, v61  }
0x5e: {  	v30 =	vunpack.c.0.s8.s32 v59;
	v61 =	vimm.s32 $0x1E1D1C1B;
	v0 =	vsel vm14, $0x121, v62  }
0x5f: {  	v59 =	vimm.s32 $0x15F;
	v31 =	vunpack.c.0.s8.s32 v31;
	v0 =	vsel vm13, $0x132, v0  }
0x60: {  	v54 =	vcombine.low v40, v1;
	v1 =	vunpack.c.0.s8.s32 v55;
	v0 =	vsel vm12, $0x143, v0  }
0x61: {  	v40 =	vimm.s32 $0x12F;
	v62 =	vimm.s32 $0x1211101F;
	v0 =	vsel vm11, $0x154, v0  }
0x62: {  	v31 =	vsel vm0, v32, v31;
	v32 =	vunpack.c.0.s8.s32 v57;
	v0 =	vsel vm10, $0x165, v0  }
0x63: {  	v37 =	vand.u32 $0xFF, v54;
	v1 =	vsel vm0, v5, v1;
	v0 =	vsel vm9, $0x176, v0  }
0x64: {  	v57 =	vimm.s32 $0x1D1C1B1A;
	v4 =	vsel vm0, v33, v32;
	v0 =	vsel vm8, $0x187, v0  }
0x65: {  	v60 =	vcombine.low v4, v1;
	v1 =	vsel vm15, $0x120, v39;
	v0 =	vsel vm7, $0x198, v0  }
0x66: {  	v5 =	vunpack.c.0.s8.s32 v58;
	v1 =	vsel vm14, $0x131, v1;
	v0 =	vsel vm6, $0x1A9, v0  }
0x67: {  	v58 =	vimm.s32 $0x14F;
	v1 =	vsel vm13, $0x142, v1;
	v0 =	vsel vm5, $0x1BA, v0  }
0x68: {  	v2 =	vcombine.low v31, v56;
	v1 =	vsel vm12, $0x153, v1;
	v0 =	vsel vm4, $0x1CB, v0  }
0x69: {  	v28 =	vunpack.c.0.s8.s32 v57;
	v1 =	vsel vm11, $0x164, v1;
	v0 =	vsel vm3, $0x1DC, v0  }
0x6a: {  	v57 =	vimm.s32 $0x13F;
	v41 =	vsel vm10, $0x175, v1;
	v0 =	vsel vm1, $0x1ED, v0  }
0x6b: {  	v32 =	vimm.s32 $0x101F1E1D;
	v54 =	vsel vm2, $0x1FE, v0;
	v0 =	vsel vm9, $0x186, v41  }
0x6c: {  	v33 =	vimm.s32 $0x14131211;
	v9 =	vand.u32 $0xFF, v2;
	v0 =	vsel vm8, $0x197, v0  }
0x6d: {  	v4 =	vunpack.c.0.s8.s32 v32;
	v26 =	vunpack.c.0.s8.s32 v33;
	v0 =	vsel vm7, $0x1A8, v0  }
0x6e: {  	v2 =	vsel vm15, $0x130, v40;
	v32 =	vimm.s32 $0x1A191817;
	v0 =	vsel vm6, $0x1B9, v0  }
0x6f: {  	v55 =	vsel vm14, $0x141, v2;
	v2 =	vsel vm15, $0x160, v59;
	v0 =	vsel vm5, $0x1CA, v0  }
0x70: {  	v33 =	vimm.s32 $0x1F1E1D1C;
	v2 =	vsel vm14, $0x171, v2;
	v0 =	vsel vm4, $0x1DB, v0  }
0x71: {  	v39 =	vimm.s32 $0x17161514;
	v2 =	vsel vm13, $0x182, v2;
	v0 =	vsel vm3, $0x1EC, v0  }
0x72: {  	v2 =	vsel vm12, $0x193, v2;
	v1 =	vsel vm13, $0x152, v55;
	v0 =	vsel vm1, $0x1FD, v0  }
0x73: {  	v1 =	vsel vm12, $0x163, v1;
	v55 =	vsel vm2, $0x10E, v0;
	v0 =	vunpack.c.0.s8.s32 v61  }
0x74: {  	v40 =	vunpack.c.0.s8.s32 v39;
	v2 =	vsel vm11, $0x1A4, v2;
	v1 =	vsel vm11, $0x174, v1  }
0x75: {  	v2 =	vsel vm10, $0x1B5, v2;
	v1 =	vsel vm10, $0x185, v1;
	[tilespmem:$0x1FB90] =	vst v0;
	v0 =	vunpack.c.0.s8.s32 v62  }
0x76: {  	v56 =	vand.u32 $0xFF, v60;
	v2 =	vsel vm9, $0x1C6, v2;
	v1 =	vsel vm9, $0x196, v1  }
0x77: {  	v2 =	vsel vm8, $0x1D7, v2;
	v1 =	vsel vm8, $0x1A7, v1;
	[tilespmem:$0x1FBA0] =	vst v0;
	v0 =	vunpack.c.0.s8.s32 v63  }
0x78: {  	v60 =	vimm.s32 $0x19181716;
	v2 =	vsel vm7, $0x1E8, v2;
	v1 =	vsel vm7, $0x1B8, v1  }
0x79: {  	v2 =	vsel vm6, $0x1F9, v2;
	v1 =	vsel vm6, $0x1C9, v1;
	[tilespmem:$0x1FBB0] =	vst v0;
	v0 =	vunpack.c.0.s8.s32 v32  }
0x7a: {  	v31 =	vunpack.c.0.s8.s32 v60;
	v2 =	vsel vm5, $0x10A, v2;
	v1 =	vsel vm5, $0x1DA, v1  }
0x7b: {  	v2 =	vsel vm4, $0x11B, v2;
	v1 =	vsel vm4, $0x1EB, v1;
	[tilespmem:$0x1FBC0] =	vst v0;
	v0 =	vunpack.c.0.s8.s32 v33  }
0x7c: {  	v41 =	vimm.s32 $0x1B1A1918;
	v2 =	vsel vm3, $0x12C, v2;
	v1 =	vsel vm3, $0x1FC, v1  }
0x7d: {  	v60 =	vsel vm1, $0x13D, v2;
	v1 =	vsel vm1, $0x10D, v1;
	[tilespmem:$0x1FBD0] =	vst v0;
	v0 =	vunpack.c.0.s8.s32 v35  }
0x7e: {  	v63 =	vimm.s32 $0x18F;
	v32 =	vsel vm2, $0x11E, v1;
	v1 =	vsel vm15, $0x150, v58  }
0x7f: {  	s0 =	rddreg [dreg:$0x0];
	v2 =	vsel vm15, $0x190, v63;
	v1 =	vsel vm14, $0x161, v1;
	[tilespmem:$0x1FBE0] =	vst v0;
	v0 =	vunpack.c.0.s8.s32 v41  }
0x80: {  	s5 =	rddreg [dreg:$0x1];
	s3 =	simm.s32 $0x0;
	v39 =	vimm.s32 $0x1AF;
	[tilespmem:$0x1FBF0] =	vst v40;
	v2 =	vsel vm14, $0x1A1, v2;
	v1 =	vsel vm13, $0x172, v1  }
0x81: {  	[smem:$0x7FF] =	sst s3;
	v40 =	vimm.s32 $0x1BF;
	v2 =	vsel vm13, $0x1B2, v2;
	v1 =	vsel vm12, $0x183, v1;
	[tilespmem:$0x1FC00] =	vst v0  }
0x82: {  	s1 =	rddreg [dreg:$0x2];
	v59 =	vsel vm2, $0x14E, v60;
	v2 =	vsel vm12, $0x1C3, v2;
	v1 =	vsel vm11, $0x194, v1;
	_ =	strace $0x80000047;
	[tilespmem:$0x1FC10] =	vst v3  }
0x83: {  	v61 =	vimm.s32 $0x16F;
	v2 =	vsel vm11, $0x1D4, v2;
	v1 =	vsel vm10, $0x1A5, v1;
	[tilespmem:$0x1FC20] =	vst v4  }
0x84: {  	v62 =	vimm.s32 $0x17F;
	v2 =	vsel vm10, $0x1E5, v2;
	v1 =	vsel vm9, $0x1B6, v1;
	[tilespmem:$0x1FC30] =	vst v26  }
0x85: {  	v35 =	vimm.s32 $0x19F;
	v2 =	vsel vm9, $0x1F6, v2;
	v1 =	vsel vm8, $0x1C7, v1;
	[tilespmem:$0x1FC40] =	vst v27  }
0x86: {  	v2 =	vsel vm8, $0x107, v2;
	v0 =	vsel vm15, $0x140, v57;
	v1 =	vsel vm7, $0x1D8, v1;
	[tilespmem:$0x1FC50] =	vst v28  }
0x87: {  	v2 =	vsel vm7, $0x118, v2;
	v0 =	vsel vm14, $0x151, v0;
	v1 =	vsel vm6, $0x1E9, v1;
	[tilespmem:$0x1FC60] =	vst v5  }
0x88: {  	v2 =	vsel vm6, $0x129, v2;
	[tilespmem:$0x1FC70] =	vst v30;
	v0 =	vsel vm13, $0x162, v0;
	v1 =	vsel vm5, $0x1FA, v1  }
0x89: {  	v2 =	vsel vm5, $0x13A, v2;
	[tilespmem:$0x1FC80] =	vst v31;
	v0 =	vsel vm12, $0x173, v0;
	v1 =	vsel vm4, $0x10B, v1  }
0x8a: {  	[tilespmem:$0x1FCE0] =	vst v7;
	v2 =	vsel vm4, $0x14B, v2;
	v0 =	vsel vm11, $0x184, v0;
	v1 =	vsel vm3, $0x11C, v1  }
0x8b: {  	[tilespmem:$0x1FCF0] =	vst v50;
	v2 =	vsel vm3, $0x15C, v2;
	v0 =	vsel vm10, $0x195, v0;
	v1 =	vsel vm1, $0x12D, v1  }
0x8c: {  	[tilespmem:$0x1FD00] =	vst v43;
	v0 =	vsel vm9, $0x1A6, v0;
	v58 =	vsel vm2, $0x13E, v1;
	v1 =	vsel vm15, $0x180, v62  }
0x8d: {  	[tilespmem:$0x1FD10] =	vst v48;
	v33 =	vsel vm1, $0x16D, v2;
	v0 =	vsel vm8, $0x1B7, v0;
	v1 =	vsel vm14, $0x191, v1  }
0x8e: {  	[tilespmem:$0x1FD20] =	vst v6;
	v2 =	vsel vm15, $0x1C0, v40;
	v0 =	vsel vm7, $0x1C8, v0;
	v1 =	vsel vm13, $0x1A2, v1  }
0x8f: {  	[tilespmem:$0x1FD30] =	vst v10;
	v40 =	vimm.s32 $0x1DF;
	v0 =	vsel vm6, $0x1D9, v0;
	v1 =	vsel vm12, $0x1B3, v1  }
0x90: {  	[tilespmem:$0x1FD40] =	vst v46;
	v2 =	vsel vm14, $0x1D1, v2;
	v0 =	vsel vm5, $0x1EA, v0;
	v1 =	vsel vm11, $0x1C4, v1  }
0x91: {  	[tilespmem:$0x1FD50] =	vst v15;
	v62 =	vsel vm2, $0x17E, v33;
	v0 =	vsel vm4, $0x1FB, v0;
	v1 =	vsel vm10, $0x1D5, v1  }
0x92: {  	[tilespmem:$0x1FD60] =	vst v53;
	v2 =	vsel vm13, $0x1E2, v2;
	v0 =	vsel vm3, $0x10C, v0;
	v1 =	vsel vm9, $0x1E6, v1  }
0x93: {  	[tilespmem:$0x1FD70] =	vst v51;
	v2 =	vsel vm12, $0x1F3, v2;
	v0 =	vsel vm1, $0x11D, v0;
	v1 =	vsel vm8, $0x1F7, v1  }
0x94: {  	[tilespmem:$0x1FD80] =	vst v23;
	v57 =	vsel vm2, $0x12E, v0;
	v0 =	vsel vm15, $0x170, v61;
	v1 =	vsel vm7, $0x108, v1  }
0x95: {  	[tilespmem:$0x1FD90] =	vst v19;
	v2 =	vsel vm11, $0x104, v2;
	v0 =	vsel vm14, $0x181, v0;
	v1 =	vsel vm6, $0x119, v1  }
0x96: {  	[tilespmem:$0x1FDA0] =	vst v29;
	v2 =	vsel vm10, $0x115, v2;
	v0 =	vsel vm13, $0x192, v0;
	v1 =	vsel vm5, $0x12A, v1  }
0x97: {  	[tilespmem:$0x1FDB0] =	vst v21;
	v2 =	vsel vm9, $0x126, v2;
	v0 =	vsel vm12, $0x1A3, v0;
	v1 =	vsel vm4, $0x13B, v1  }
0x98: {  	[tilespmem:$0x1FDC0] =	vst v13;
	v2 =	vsel vm8, $0x137, v2;
	v0 =	vsel vm11, $0x1B4, v0;
	v1 =	vsel vm3, $0x14C, v1  }
0x99: {  	[tilespmem:$0x1FDD0] =	vst v24;
	v2 =	vsel vm7, $0x148, v2;
	v0 =	vsel vm10, $0x1C5, v0;
	v1 =	vsel vm1, $0x15D, v1  }
0x9a: {  	[tilespmem:$0x1FDE0] =	vst v22;
	v0 =	vsel vm9, $0x1D6, v0;
	v61 =	vsel vm2, $0x16E, v1;
	v1 =	vsel vm15, $0x1B0, v39  }
0x9b: {  	[tilespmem:$0x1FDF0] =	vst v8;
	v2 =	vsel vm6, $0x159, v2;
	v0 =	vsel vm8, $0x1E7, v0;
	v1 =	vsel vm14, $0x1C1, v1  }
0x9c: {  	[tilespmem:$0x1FE00] =	vst v37;
	v2 =	vsel vm5, $0x16A, v2;
	v0 =	vsel vm7, $0x1F8, v0;
	v1 =	vsel vm13, $0x1D2, v1  }
0x9d: {  	[tilespmem:$0x1FE10] =	vst v17;
	v2 =	vsel vm4, $0x17B, v2;
	v0 =	vsel vm6, $0x109, v0;
	v1 =	vsel vm12, $0x1E3, v1  }
0x9e: {  	[tilespmem:$0x1FE20] =	vst v9;
	v2 =	vsel vm3, $0x18C, v2;
	v0 =	vsel vm5, $0x11A, v0;
	v1 =	vsel vm11, $0x1F4, v1  }
0x9f: {  	[tilespmem:$0x1FE30] =	vst v52;
	v41 =	vsel vm1, $0x19D, v2;
	v0 =	vsel vm4, $0x12B, v0;
	v1 =	vsel vm10, $0x105, v1  }
0xa0: {  	[tilespmem:$0x1FE40] =	vst v56;
	v39 =	vsel vm2, $0x1AE, v41;
	v0 =	vsel vm3, $0x13C, v0;
	v1 =	vsel vm9, $0x116, v1  }
0xa1: {  	[tilespmem:$0x1FE50] =	vst v54;
	v41 =	vimm.s32 $0x1EF;
	v0 =	vsel vm1, $0x14D, v0;
	v1 =	vsel vm8, $0x127, v1  }
0xa2: {  	[tilespmem:$0x1FE60] =	vst v55;
	v60 =	vsel vm2, $0x15E, v0;
	v0 =	vsel vm15, $0x1A0, v35;
	v1 =	vsel vm7, $0x138, v1  }
0xa3: {  	[tilespmem:$0x1FE70] =	vst v32;
	v2 =	vsel vm15, $0x1F0, v41;
	v0 =	vsel vm14, $0x1B1, v0;
	v1 =	vsel vm6, $0x149, v1  }
0xa4: {  	[tilespmem:$0x1FE90] =	vst v49;
	v2 =	vsel vm14, $0x101, v2;
	v0 =	vsel vm13, $0x1C2, v0;
	v1 =	vsel vm5, $0x15A, v1  }
0xa5: {  	[tilespmem:$0x1FEA0] =	vst v42;
	v2 =	vsel vm13, $0x112, v2;
	v0 =	vsel vm12, $0x1D3, v0;
	v1 =	vsel vm4, $0x16B, v1  }
0xa6: {  	[tilespmem:$0x1FEB0] =	vst v44;
	v2 =	vsel vm12, $0x123, v2;
	v0 =	vsel vm11, $0x1E4, v0;
	v1 =	vsel vm3, $0x17C, v1  }
0xa7: {  	[tilespmem:$0x1FED0] =	vst v45;
	v2 =	vsel vm11, $0x134, v2;
	v0 =	vsel vm10, $0x1F5, v0;
	v1 =	vsel vm1, $0x18D, v1  }
0xa8: {  	[tilespmem:$0x1FEE0] =	vst v47;
	v0 =	vsel vm9, $0x106, v0;
	v33 =	vsel vm2, $0x19E, v1;
	v1 =	vsel vm15, $0x1E0, v40  }
0xa9: {  	[tilespmem:$0x1FEF0] =	vst v36;
	v2 =	vsel vm10, $0x145, v2;
	v0 =	vsel vm8, $0x117, v0;
	v1 =	vsel vm14, $0x1F1, v1  }
0xaa: {  	[tilespmem:$0x1FF00] =	vst v14;
	v2 =	vsel vm9, $0x156, v2;
	v0 =	vsel vm7, $0x128, v0;
	v1 =	vsel vm13, $0x102, v1  }
0xab: {  	[tilespmem:$0x1FF10] =	vst v12;
	v35 =	vimm.s32 $0x1CF;
	v0 =	vsel vm6, $0x139, v0;
	v1 =	vsel vm12, $0x113, v1  }
0xac: {  	[tilespmem:$0x1FF40] =	vst v59;
	v2 =	vsel vm8, $0x167, v2;
	v0 =	vsel vm5, $0x14A, v0;
	v1 =	vsel vm11, $0x124, v1  }
0xad: {  	[tilespmem:$0x1FFF0] =	vst v18;
	v2 =	vsel vm7, $0x178, v2;
	v0 =	vsel vm4, $0x15B, v0;
	v1 =	vsel vm10, $0x135, v1  }
0xae: {  	[tilespmem:$0x1FF30] =	vst v58;
	v2 =	vsel vm6, $0x189, v2;
	v0 =	vsel vm3, $0x16C, v0;
	v1 =	vsel vm9, $0x146, v1  }
0xaf: {  	[tilespmem:$0x1FF70] =	vst v62;
	v2 =	vsel vm5, $0x19A, v2;
	v0 =	vsel vm1, $0x17D, v0;
	v1 =	vsel vm8, $0x157, v1  }
0xb0: {  	[tilespmem:$0x1FF20] =	vst v57;
	v63 =	vsel vm2, $0x18E, v0;
	v0 =	vsel vm15, $0x1D0, v35;
	v1 =	vsel vm7, $0x168, v1  }
0xb1: {  	[tilespmem:$0x1FF60] =	vst v61;
	v2 =	vsel vm4, $0x1AB, v2;
	v0 =	vsel vm14, $0x1E1, v0;
	v1 =	vsel vm6, $0x179, v1  }
0xb2: {  	[tilespmem:$0x1FFA0] =	vst v39;
	v2 =	vsel vm3, $0x1BC, v2;
	v0 =	vsel vm13, $0x1F2, v0;
	v1 =	vsel vm5, $0x18A, v1  }
0xb3: {  	[tilespmem:$0x1FF50] =	vst v60;
	v35 =	vsel vm1, $0x1CD, v2;
	v0 =	vsel vm12, $0x103, v0;
	v1 =	vsel vm4, $0x19B, v1  }
0xb4: {  	[tilespmem:$0x1FF90] =	vst v33;
	v11 =	vsel vm2, $0x1DE, v35;
	v0 =	vsel vm11, $0x114, v0;
	v1 =	vsel vm3, $0x1AC, v1  }
0xb5: {  	v35 =	vsel vm0, v27, v26;
	[tilespmem:$0x1FF80] =	vst v63;
	v0 =	vsel vm10, $0x125, v0;
	v1 =	vsel vm1, $0x1BD, v1  }
0xb6: {  	s4 =	srdreg.scid;
	s2 =	stileid.u32;
	s12 =	simm.s32 $0x1;
	[tilespmem:$0x1FCB0] =	vst v35;
	v0 =	vsel vm9, $0x136, v0;
	v41 =	vsel vm2, $0x1CE, v1  }
0xb7: {  	s13 =	simm.s32 $0x320;
	s14 =	simm.s32 $0x640;
	s15 =	simm.s32 $0x3;
	[tilespmem:$0x1FFD0] =	vst v11;
	v1 =	vsel vm0, v4, v3;
	v4 =	vsel vm0, v31, v30;
	v30 =	vmovc v38;
	v38 =	vor.u32 $0x100, v42  }
0xb8: {  	s16 =	simm.s32 $0x2;
	s17 =	simm.s32 $0x6A40;
	s18 =	simm.s32 $0xCE40;
	v0 =	vsel vm8, $0x147, v0;
	[tilespmem:$0x1FC90] =	vst v38  }
0xb9: {  	s19 =	simm.s32 $0x10;
	s6 =	sand.u32 $0x1, s4;
	s31 =	sshll.u32 s2, $0x1;
	v3 =	vsel vm0, v5, v28;
	[tilespmem:$0x1FCA0] =	vst v1;
	v0 =	vsel vm7, $0x158, v0  }
0xba: {  	s20 =	simm.s32 $0x4000;
	s21 =	simm.s32 $0x4;
	s7 =	sor.u32 s6, s31;
	[tilespmem:$0x1FCC0] =	vst v3;
	v0 =	vsel vm6, $0x169, v0  }
0xbb: {  	s22 =	simm.s32 $0x6;
	s23 =	simm.s32 $0x13240;
	s10 =	smul.u32 $0x6400, s7;
	[tilespmem:$0x1FCD0] =	vst v4;
	v0 =	vsel vm5, $0x17A, v0  }
.Ltmp0:
0xbc: {  	s24 =	simm.s32 $0x5;
	s6 =	ssub.s32 $0x2, s6;
	v38 =	vcombine.low v4, v3;
	[tilespmem:$0x1FEC0] =	vst v30;
	v0 =	vsel vm4, $0x18B, v0;
	(pc) =	sbr.rel .LBB2_1-.Ltmp0, $4  }
0xbd: {  	s25 =	simm.s32 $0x0;
	s4 =	sadd.s32 $0xF42800, s5;
	s8 =	sshrl.u32 s6, $0x1;
	v35 =	vcombine.low v35, v1;
	[tilespmem:$0x1FFC0] =	vst v41;
	v0 =	vsel vm3, $0x19C, v0  }
0xbe: {  	s5 =	sadd.s32 $0x400, s5;
	s11 =	ssub.s32 s6, s8;
	s9 =	sshrl.u32 s10, $0x3;
	[tilespmem:$0x1FE80] =	vst v38;
	v0 =	vsel vm1, $0x1AD, v0  }
0xbf: {  	s6 =	sshll.u32 s7, $0x9;
	s11 =	smax.u32 s11, $0x1;
	s7 =	sadd.s32 s0, s9;
	[tilespmem:$0x1FFE0] =	vst v35;
	v40 =	vsel vm2, $0x1BE, v0  }
0xc0: {  	s9 =	sadd.s32 $0x640, s10;
	s10 =	sadd.s32 $0x960, s10;
	s8 =	sadd.s32 $0x64, s7;
	v20 =	vmov v10;
	v31 =	vmov v47;
	[tilespmem:$0x1FFB0] =	vst v40  }
.LBB2_12:
0xc1: {  	_ =	swait.ge [sflag:s24], $0x6400  }
0xc2: {  	[sflag:s24] =	ssyncset.done $0x0  }
0xc3: {  	[sflag:s24] =	ssyncadd.s32 $0xFFFF9C00  }
0xc4: {  	_ =	swait.ge [sflag:s22], $0x6400  }
0xc5: {  	v49 =	vld [tilespmem:$0x1FE90]  }
0xc6: {  	v42 =	vld [tilespmem:$0x1FEA0]  }
0xc7: {  	v44 =	vld [tilespmem:$0x1FEB0]  }
0xc8: {  	v30 =	vld [tilespmem:$0x1FEC0]  }
0xc9: {  	v45 =	vld [tilespmem:$0x1FED0]  }
0xca: {  	s25 =	sadd.s32 $0x1, s25;
	v20 =	vld [tilespmem:$0x1FD30]  }
0xcb: {  	p0 =	sne.s32 s25, s11;
	v31 =	vld [tilespmem:$0x1FEE0]  }
.Ltmp1:
0xcc: {  	v36 =	vld [tilespmem:$0x1FEF0];
	(pc) =	sbr.rel @!p0 .LBB2_13-.Ltmp1, $4  }
0xcd: {  	v14 =	vld [tilespmem:$0x1FF00]  }
0xce: {  	v12 =	vld [tilespmem:$0x1FF10]  }
0xcf: {  	[sflag:s22] =	ssyncset.done $0x0;
	v53 =	vld [tilespmem:$0x1FD60]  }
0xd0: {  	v34 =	vlaneseq.u32;
	v8 =	vld [tilespmem:$0x1FDF0];
	[sflag:s22] =	ssyncadd.s32 $0xFFFF9C00  }
.LBB2_1:
0xd1: {  	[tilespmem:s3], [sflag:$0x1] =	stream.linear.gather [hbm4b:s7+s3], $0x320, $0x38;
	[tilespmem:$0x19640] =	vst v63  }
0xd2: {  	_ =	swait.ge [sflag:s12], $0x320  }
0xd3: {  	[sflag:s12] =	ssyncset.done $0x0  }
0xd4: {  	[sflag:s12] =	ssyncadd.s32 $0xFFFFFCE0  }
0xd5: {  	[tilespmem:s14], [sflag:$0x3] =	stream.indirect.gather [hbm4b:s4+s13], $0x20, s3, s13, $0xb8;
	[tilespmem:$0x19640] =	vst v63  }
0xd6: {  	s26 =	simm.s32 $0x0  }
0xd7: {  	[tilespmem:s13], [sflag:$0x2] =	stream.linear.gather [hbm4b:s8+s3], $0x320, $0x38;
	[tilespmem:$0x19640] =	vst v63  }
.LBB2_2:
0xd8: {  	_ =	swait.ge [sflag:s15], $0x6400  }
0xd9: {  	s28 =	simm.s32 $0x0;
	[sflag:s15] =	ssyncset.done $0x0  }
0xda: {  	v0 =	vmov s28;
	[sflag:s15] =	ssyncadd.s32 $0xFFFF9C00  }
0xdb: {  	v1 =	vshll.u32 v0, $0x5;
	_ =	swait.ge [sflag:s16], $0x320  }
0xdc: {  	p0 =	seq.s32 s26, $0x0;
	v1 =	vadd.s32 v49, v1;
	[sflag:s16] =	ssyncset.done $0x0  }
0xdd: {  	s28 =	simm.s32 @!p0 $0x5;
	v3 =	vor.u32 v34, v1;
	[sflag:s16] =	ssyncadd.s32 $0xFFFFFCE0  }
0xde: {  	[tilespmem:s17], [sflag:$0x4] =	stream.indirect.gather [hbm4b:s4+s13], $0x20, s13, s13, $0xb8;
	[tilespmem:$0x19640] =	vst v63  }
0xdf: {  	_ =	swait.ge @!p0 [sflag:s28], $0x6400  }
0xe0: {  	[sflag:s28] =	ssyncset.done @!p0 $0x0  }
0xe1: {  	v2 =	vshll.u32 v0, $0x9;
	[sflag:s28] =	ssyncadd.s32 @!p0 $0xFFFF9C00  }
0xe2: {  	v0 =	vld.idx.msk [tilespmem:v3+s14+$0x0], $0xffff;
	v3 =	vor.u32 v42, v2  }
0xe3: {  	v4 =	vor.u32 v44, v1;
	_ =	sdelay $0x3  }
0xe4: {  	[tilespmem:v3+s18+$0x0] =	vst.idx.msk $0xffff, v0  }
0xe5: {  	v3 =	vor.u32 v30, v2;
	v0 =	vld.idx.msk [tilespmem:v4+s14+$0x0], $0xffff  }
0xe6: {  	v4 =	vor.u32 v45, v1;
	_ =	sdelay $0x3  }
0xe7: {  	[tilespmem:v3+s18+$0x0] =	vst.idx.msk $0xffff, v0  }
0xe8: {  	v3 =	vor.u32 v7, v2;
	v0 =	vld.idx.msk [tilespmem:v4+s14+$0x0], $0xffff  }
0xe9: {  	v4 =	vor.u32 v50, v1;
	_ =	sdelay $0x3  }
0xea: {  	[tilespmem:v3+s18+$0x0] =	vst.idx.msk $0xffff, v0  }
0xeb: {  	v3 =	vor.u32 v43, v2;
	v0 =	vld.idx.msk [tilespmem:v4+s14+$0x0], $0xffff  }
0xec: {  	v4 =	vor.u32 v48, v1;
	_ =	sdelay $0x3  }
0xed: {  	[tilespmem:v3+s18+$0x0] =	vst.idx.msk $0xffff, v0  }
0xee: {  	v3 =	vor.u32 v6, v2;
	v0 =	vld.idx.msk [tilespmem:v4+s14+$0x0], $0xffff  }
0xef: {  	v4 =	vor.u32 v20, v1;
	_ =	sdelay $0x3  }
0xf0: {  	[tilespmem:v3+s18+$0x0] =	vst.idx.msk $0xffff, v0  }
0xf1: {  	v3 =	vor.u32 v46, v2;
	v0 =	vld.idx.msk [tilespmem:v4+s14+$0x0], $0xffff  }
0xf2: {  	v4 =	vor.u32 v15, v1;
	_ =	sdelay $0x3  }
0xf3: {  	[tilespmem:v3+s18+$0x0] =	vst.idx.msk $0xffff, v0  }
0xf4: {  	v3 =	vor.u32 v31, v2;
	v0 =	vld.idx.msk [tilespmem:v4+s14+$0x0], $0xffff  }
0xf5: {  	v4 =	vor.u32 v36, v1;
	_ =	sdelay $0x3  }
0xf6: {  	[tilespmem:v3+s18+$0x0] =	vst.idx.msk $0xffff, v0  }
0xf7: {  	v3 =	vor.u32 v14, v2;
	v0 =	vld.idx.msk [tilespmem:v4+s14+$0x0], $0xffff  }
0xf8: {  	v4 =	vor.u32 v12, v1;
	_ =	sdelay $0x3  }
0xf9: {  	[tilespmem:v3+s18+$0x0] =	vst.idx.msk $0xffff, v0  }
0xfa: {  	v3 =	vor.u32 v53, v2;
	v0 =	vld.idx.msk [tilespmem:v4+s14+$0x0], $0xffff  }
0xfb: {  	v4 =	vor.u32 v51, v1;
	_ =	sdelay $0x3  }
0xfc: {  	[tilespmem:v3+s18+$0x0] =	vst.idx.msk $0xffff, v0  }
0xfd: {  	v3 =	vor.u32 v23, v2;
	v0 =	vld.idx.msk [tilespmem:v4+s14+$0x0], $0xffff  }
0xfe: {  	v4 =	vor.u32 v19, v1;
	_ =	sdelay $0x3  }
0xff: {  	[tilespmem:v3+s18+$0x0] =	vst.idx.msk $0xffff, v0  }
0x100: {  	v3 =	vor.u32 v29, v2;
	v0 =	vld.idx.msk [tilespmem:v4+s14+$0x0], $0xffff  }
0x101: {  	v4 =	vor.u32 v21, v1;
	_ =	sdelay $0x3  }
0x102: {  	[tilespmem:v3+s18+$0x0] =	vst.idx.msk $0xffff, v0  }
0x103: {  	v3 =	vor.u32 v13, v2;
	v0 =	vld.idx.msk [tilespmem:v4+s14+$0x0], $0xffff  }
0x104: {  	v4 =	vor.u32 v24, v1;
	_ =	sdelay $0x3  }
0x105: {  	[tilespmem:v3+s18+$0x0] =	vst.idx.msk $0xffff, v0  }
0x106: {  	v3 =	vor.u32 v22, v2;
	v0 =	vld.idx.msk [tilespmem:v4+s14+$0x0], $0xffff  }
0x107: {  	v4 =	vor.u32 v8, v1;
	_ =	sdelay $0x3  }
0x108: {  	[tilespmem:v3+s18+$0x0] =	vst.idx.msk $0xffff, v0  }
0x109: {  	v3 =	vor.u32 v37, v2;
	v0 =	vld.idx.msk [tilespmem:v4+s14+$0x0], $0xffff  }
0x10a: {  	v4 =	vor.u32 v17, v1;
	_ =	sdelay $0x3  }
0x10b: {  	[tilespmem:v3+s18+$0x0] =	vst.idx.msk $0xffff, v0  }
0x10c: {  	v3 =	vor.u32 v9, v2;
	v0 =	vld.idx.msk [tilespmem:v4+s14+$0x0], $0xffff  }
0x10d: {  	v4 =	vor.u32 v52, v1;
	_ =	sdelay $0x3  }
0x10e: {  	[tilespmem:v3+s18+$0x0] =	vst.idx.msk $0xffff, v0  }
0x10f: {  	v3 =	vor.u32 v56, v2;
	v0 =	vld.idx.msk [tilespmem:v4+s14+$0x0], $0xffff  }
0x110: {  	v57 =	vld [tilespmem:$0x1FC90];
	v4 =	vor.u32 v18, v1  }
0x111: {  	v25 =	vmov v45;
	v45 =	vld [tilespmem:$0x1FFE0];
	_ =	sdelay $0x2  }
0x112: {  	[tilespmem:v3+s18+$0x0] =	vst.idx.msk $0xffff, v0  }
0x113: {  	v3 =	vor.u32 v57, v2;
	v0 =	vld.idx.msk [tilespmem:v4+s14+$0x0], $0xffff  }
0x114: {  	v4 =	vor.u32 v45, v1  }
0x115: {  	v26 =	vld [tilespmem:$0x1FB90]  }
0x116: {  	v27 =	vld [tilespmem:$0x1FBA0]  }
0x117: {  	v47 =	vmov v32;
	v32 =	vld [tilespmem:$0x1FBC0]  }
0x118: {  	v62 =	vmov v14;
	v14 =	vld [tilespmem:$0x1FBB0];
	[tilespmem:v3+s18+$0x0] =	vst.idx.msk $0xffff, v0  }
0x119: {  	v3 =	vor.u32 v54, v2;
	v0 =	vld.idx.msk [tilespmem:v4+s14+$0x0], $0xffff  }
0x11a: {  	v4 =	vor.u32 v38, v1  }
0x11b: {  	v33 =	vld [tilespmem:$0x1FBE0]  }
0x11c: {  	v11 =	vld [tilespmem:$0x1FBF0]  }
0x11d: {  	v39 =	vld [tilespmem:$0x1FC00];
	v5 =	vsel vm0, v27, v26;
	v40 =	vsel vm0, v32, v14  }
0x11e: {  	v61 =	vmovc v22;
	v22 =	vmov v5;
	v52 =	vmov v46;
	v46 =	vcombine.low v40, v5;
	v5 =	vld [tilespmem:$0x1FBD0];
	[tilespmem:v3+s18+$0x0] =	vst.idx.msk $0xffff, v0  }
0x11f: {  	v3 =	vor.u32 v55, v2;
	v0 =	vld.idx.msk [tilespmem:v4+s14+$0x0], $0xffff  }
0x120: {  	v59 =	vld [tilespmem:$0x1FC40];
	v4 =	vor.u32 v46, v1  }
0x121: {  	v56 =	vld [tilespmem:$0x1FC10]  }
0x122: {  	v35 =	vld [tilespmem:$0x1FC20]  }
0x123: {  	v58 =	vmov v38;
	v60 =	vld [tilespmem:$0x1FC60];
	v41 =	vsel vm0, v39, v11;
	v38 =	vsel vm0, v33, v5  }
0x124: {  	v8 =	vmov v48;
	v54 =	vld [tilespmem:$0x1FC30];
	v48 =	vcombine.low v41, v38;
	[tilespmem:v3+s18+$0x0] =	vst.idx.msk $0xffff, v0  }
0x125: {  	v3 =	vor.u32 v47, v2;
	v0 =	vld.idx.msk [tilespmem:v4+s14+$0x0], $0xffff  }
0x126: {  	v34 =	vsel vm0, v56, v59;
	v59 =	vld [tilespmem:$0x1FF20];
	v4 =	vor.u32 v48, v1  }
0x127: {  	v10 =	vld [tilespmem:$0x1FC70];
	_ =	sdelay $0x1  }
0x128: {  	v28 =	vmov v24;
	v16 =	vmov v6;
	v24 =	vld [tilespmem:$0x1FC50];
	v35 =	vsel vm0, v54, v35  }
0x129: {  	v6 =	vmovc v44;
	v9 =	vmov v49;
	v49 =	vcombine.low v34, v35;
	v44 =	vmov v35;
	v35 =	vld [tilespmem:$0x1FC80];
	[tilespmem:v3+s18+$0x0] =	vst.idx.msk $0xffff, v0  }
0x12a: {  	v3 =	vor.u32 v59, v2;
	v0 =	vld.idx.msk [tilespmem:v4+s14+$0x0], $0xffff  }
0x12b: {  	v54 =	vsel vm0, v10, v60;
	v60 =	vld [tilespmem:$0x1FF30];
	v4 =	vor.u32 v49, v1;
	_ =	sdelay $0x2  }
0x12c: {  	v35 =	vsel vm0, v24, v35  }
0x12d: {  	v17 =	vmov v13;
	v13 =	vmov v50;
	v50 =	vcombine.low v35, v54;
	[tilespmem:v3+s18+$0x0] =	vst.idx.msk $0xffff, v0  }
0x12e: {  	v3 =	vor.u32 v60, v2;
	v0 =	vld.idx.msk [tilespmem:v4+s14+$0x0], $0xffff  }
0x12f: {  	v24 =	vmov v42;
	v42 =	vmov v15;
	v15 =	vld [tilespmem:$0x1FF40];
	v4 =	vor.u32 v50, v1;
	_ =	sdelay $0x2  }
0x130: {  	v63 =	vmov v12;
	v12 =	vsel vm0, v14, v27;
	v14 =	vsel vm0, v26, v32  }
0x131: {  	v32 =	vcombine.low v14, v12;
	[tilespmem:v3+s18+$0x0] =	vst.idx.msk $0xffff, v0  }
0x132: {  	v3 =	vor.u32 v15, v2;
	v0 =	vld.idx.msk [tilespmem:v4+s14+$0x0], $0xffff  }
0x133: {  	v11 =	vsel vm0, v11, v33;
	v33 =	vld [tilespmem:$0x1FF50];
	v4 =	vor.u32 v32, v1;
	_ =	sdelay $0x3  }
0x134: {  	[tilespmem:v3+s18+$0x0] =	vst.idx.msk $0xffff, v0  }
0x135: {  	v3 =	vor.u32 v33, v2;
	v0 =	vld.idx.msk [tilespmem:v4+s14+$0x0], $0xffff;
	_ =	sdelay $0x2  }
0x136: {  	v5 =	vsel vm0, v5, v39  }
0x137: {  	v26 =	vmov v6;
	v6 =	vmov v31;
	v31 =	vld [tilespmem:$0x1FF60];
	v11 =	vcombine.low v5, v11  }
0x138: {  	[tilespmem:v3+s18+$0x0] =	vst.idx.msk $0xffff, v0;
	v0 =	vld [tilespmem:$0x1FCA0]  }
0x139: {  	v4 =	vor.u32 v11, v1;
	v3 =	vld [tilespmem:$0x1FCB0];
	_ =	sdelay $0x4  }
0x13a: {  	v56 =	vmovc v37;
	v37 =	vmov v51;
	v51 =	vcombine.low v0, v3;
	v0 =	vld.idx.msk [tilespmem:v4+s14+$0x0], $0xffff;
	v3 =	vor.u32 v31, v2;
	_ =	sdelay $0x4  }
0x13b: {  	[tilespmem:v3+s18+$0x0] =	vst.idx.msk $0xffff, v0;
	v0 =	vld [tilespmem:$0x1FCC0]  }
0x13c: {  	v3 =	vld [tilespmem:$0x1FCD0]  }
0x13d: {  	v39 =	vld [tilespmem:$0x1FF70];
	v4 =	vor.u32 v51, v1;
	_ =	sdelay $0x3  }
0x13e: {  	v10 =	vmov v7;
	v7 =	vmov v43;
	v43 =	vcombine.low v0, v3  }
0x13f: {  	v0 =	vld.idx.msk [tilespmem:v4+s14+$0x0], $0xffff;
	v3 =	vor.u32 v39, v2  }
0x140: {  	v27 =	vmovc v30;
	v30 =	vmov v36;
	v36 =	vcombine.low v22, v40;
	v40 =	vld [tilespmem:$0x1FF80];
	v4 =	vor.u32 v43, v1;
	_ =	sdelay $0x3  }
0x141: {  	[tilespmem:v3+s18+$0x0] =	vst.idx.msk $0xffff, v0  }
0x142: {  	v3 =	vor.u32 v40, v2;
	v0 =	vld.idx.msk [tilespmem:v4+s14+$0x0], $0xffff;
	_ =	sdelay $0x4  }
0x143: {  	v4 =	vor.u32 v36, v1;
	[tilespmem:v3+s18+$0x0] =	vst.idx.msk $0xffff, v0;
	v0 =	vcombine.low v38, v41;
	v41 =	vld [tilespmem:$0x1FF90];
	_ =	sdelay $0x4  }
0x144: {  	v5 =	vld.idx.msk [tilespmem:v4+s14+$0x0], $0xffff;
	v3 =	vor.u32 v41, v2  }
0x145: {  	v38 =	vcombine.low v44, v34;
	v34 =	vld [tilespmem:$0x1FFA0];
	v4 =	vor.u32 v0, v1;
	_ =	sdelay $0x3  }
0x146: {  	[tilespmem:v3+s18+$0x0] =	vst.idx.msk $0xffff, v5  }
0x147: {  	v3 =	vor.u32 v34, v2;
	v5 =	vld.idx.msk [tilespmem:v4+s14+$0x0], $0xffff  }
0x148: {  	v44 =	vcombine.low v54, v35;
	v35 =	vld [tilespmem:$0x1FFB0];
	v4 =	vor.u32 v38, v1;
	_ =	sdelay $0x3  }
0x149: {  	[tilespmem:v3+s18+$0x0] =	vst.idx.msk $0xffff, v5  }
0x14a: {  	v3 =	vor.u32 v35, v2;
	v5 =	vld.idx.msk [tilespmem:v4+s14+$0x0], $0xffff  }
0x14b: {  	v22 =	vld [tilespmem:$0x1FFC0];
	v4 =	vor.u32 v44, v1;
	_ =	sdelay $0x3  }
0x14c: {  	[tilespmem:v3+s18+$0x0] =	vst.idx.msk $0xffff, v5  }
0x14d: {  	v3 =	vld.idx.msk [tilespmem:v4+s14+$0x0], $0xffff;
	v4 =	vor.u32 v22, v2;
	_ =	sdelay $0x2  }
0x14e: {  	v5 =	vcombine.low v12, v14;
	_ =	sdelay $0x1  }
0x14f: {  	v12 =	vor.u32 v5, v1;
	[tilespmem:v4+s18+$0x0] =	vst.idx.msk $0xffff, v3;
	v4 =	vld [tilespmem:$0x1FFD0];
	_ =	sdelay $0x1  }
0x150: {  	s28 =	simm.s32 $0x1  }
0x151: {  	v1 =	vmov s28  }
0x152: {  	v3 =	vshll.u32 v1, $0x5  }
0x153: {  	v12 =	vld.idx.msk [tilespmem:v12+s14+$0x0], $0xffff;
	v4 =	vor.u32 v4, v2;
	v2 =	vadd.s32 v9, v3;
	v3 =	vlaneseq.u32  }
0x154: {  	v3 =	vor.u32 v3, v2;
	_ =	sdelay $0x3  }
0x155: {  	v1 =	vshll.u32 v1, $0x9;
	[tilespmem:v4+s18+$0x0] =	vst.idx.msk $0xffff, v12  }
0x156: {  	v4 =	vor.u32 v24, v1;
	v54 =	vld.idx.msk [tilespmem:v3+s14+$0x0], $0xffff  }
0x157: {  	v3 =	vor.u32 v26, v2;
	_ =	sdelay $0x3  }
0x158: {  	[tilespmem:v4+s18+$0x0] =	vst.idx.msk $0xffff, v54  }
0x159: {  	v4 =	vor.u32 v27, v1;
	v9 =	vld.idx.msk [tilespmem:v3+s14+$0x0], $0xffff  }
0x15a: {  	v3 =	vor.u32 v25, v2;
	_ =	sdelay $0x3  }
0x15b: {  	[tilespmem:v4+s18+$0x0] =	vst.idx.msk $0xffff, v9  }
0x15c: {  	v4 =	vor.u32 v10, v1;
	v9 =	vld.idx.msk [tilespmem:v3+s14+$0x0], $0xffff  }
0x15d: {  	v3 =	vor.u32 v13, v2;
	_ =	sdelay $0x3  }
0x15e: {  	[tilespmem:v4+s18+$0x0] =	vst.idx.msk $0xffff, v9  }
0x15f: {  	v4 =	vor.u32 v7, v1;
	v9 =	vld.idx.msk [tilespmem:v3+s14+$0x0], $0xffff  }
0x160: {  	v3 =	vor.u32 v8, v2;
	_ =	sdelay $0x3  }
0x161: {  	[tilespmem:v4+s18+$0x0] =	vst.idx.msk $0xffff, v9  }
0x162: {  	v4 =	vor.u32 v16, v1;
	v7 =	vld.idx.msk [tilespmem:v3+s14+$0x0], $0xffff  }
0x163: {  	v3 =	vor.u32 v20, v2;
	_ =	sdelay $0x3  }
0x164: {  	[tilespmem:v4+s18+$0x0] =	vst.idx.msk $0xffff, v7  }
0x165: {  	v4 =	vor.u32 v52, v1;
	v7 =	vld.idx.msk [tilespmem:v3+s14+$0x0], $0xffff  }
0x166: {  	v3 =	vor.u32 v42, v2;
	_ =	sdelay $0x3  }
0x167: {  	[tilespmem:v4+s18+$0x0] =	vst.idx.msk $0xffff, v7  }
0x168: {  	v4 =	vor.u32 v6, v1;
	v7 =	vld.idx.msk [tilespmem:v3+s14+$0x0], $0xffff  }
0x169: {  	v3 =	vor.u32 v30, v2;
	_ =	sdelay $0x3  }
0x16a: {  	[tilespmem:v4+s18+$0x0] =	vst.idx.msk $0xffff, v7  }
0x16b: {  	v4 =	vor.u32 v62, v1;
	v6 =	vld.idx.msk [tilespmem:v3+s14+$0x0], $0xffff  }
0x16c: {  	v3 =	vor.u32 v63, v2;
	_ =	sdelay $0x3  }
0x16d: {  	[tilespmem:v4+s18+$0x0] =	vst.idx.msk $0xffff, v6  }
0x16e: {  	v4 =	vor.u32 v53, v1;
	v6 =	vld.idx.msk [tilespmem:v3+s14+$0x0], $0xffff  }
0x16f: {  	v3 =	vor.u32 v37, v2;
	_ =	sdelay $0x3  }
0x170: {  	[tilespmem:v4+s18+$0x0] =	vst.idx.msk $0xffff, v6  }
0x171: {  	v4 =	vor.u32 v23, v1;
	v6 =	vld.idx.msk [tilespmem:v3+s14+$0x0], $0xffff  }
0x172: {  	v3 =	vor.u32 v19, v2;
	_ =	sdelay $0x3  }
0x173: {  	[tilespmem:v4+s18+$0x0] =	vst.idx.msk $0xffff, v6  }
0x174: {  	v4 =	vor.u32 v29, v1;
	v6 =	vld.idx.msk [tilespmem:v3+s14+$0x0], $0xffff  }
0x175: {  	v3 =	vor.u32 v21, v2;
	_ =	sdelay $0x3  }
0x176: {  	[tilespmem:v4+s18+$0x0] =	vst.idx.msk $0xffff, v6  }
0x177: {  	v4 =	vor.u32 v17, v1;
	v6 =	vld.idx.msk [tilespmem:v3+s14+$0x0], $0xffff  }
0x178: {  	v3 =	vor.u32 v28, v2;
	_ =	sdelay $0x3  }
0x179: {  	[tilespmem:v4+s18+$0x0] =	vst.idx.msk $0xffff, v6  }
0x17a: {  	v6 =	vld.idx.msk [tilespmem:v3+s14+$0x0], $0xffff  }
0x17b: {  	v3 =	vld [tilespmem:$0x1FDF0];
	_ =	sdelay $0x3  }
0x17c: {  	v4 =	vor.u32 v61, v1  }
0x17d: {  	v3 =	vor.u32 v3, v2;
	_ =	sdelay $0x3  }
0x17e: {  	[tilespmem:v4+s18+$0x0] =	vst.idx.msk $0xffff, v6  }
0x17f: {  	v6 =	vld.idx.msk [tilespmem:v3+s14+$0x0], $0xffff  }
0x180: {  	v3 =	vld [tilespmem:$0x1FE10];
	_ =	sdelay $0x3  }
0x181: {  	v4 =	vor.u32 v56, v1  }
0x182: {  	v3 =	vor.u32 v3, v2;
	_ =	sdelay $0x3  }
0x183: {  	[tilespmem:v4+s18+$0x0] =	vst.idx.msk $0xffff, v6  }
0x184: {  	v6 =	vld.idx.msk [tilespmem:v3+s14+$0x0], $0xffff  }
0x185: {  	v3 =	vld [tilespmem:$0x1FE20];
	_ =	sdelay $0x4  }
0x186: {  	v4 =	vor.u32 v3, v1;
	v3 =	vld [tilespmem:$0x1FE30];
	_ =	sdelay $0x4  }
0x187: {  	v3 =	vor.u32 v3, v2;
	_ =	sdelay $0x3  }
0x188: {  	[tilespmem:v4+s18+$0x0] =	vst.idx.msk $0xffff, v6  }
0x189: {  	v6 =	vld.idx.msk [tilespmem:v3+s14+$0x0], $0xffff  }
0x18a: {  	v3 =	vld [tilespmem:$0x1FE40];
	_ =	sdelay $0x4  }
0x18b: {  	v4 =	vor.u32 v3, v1  }
0x18c: {  	v3 =	vor.u32 v18, v2;
	_ =	sdelay $0x3  }
0x18d: {  	[tilespmem:v4+s18+$0x0] =	vst.idx.msk $0xffff, v6  }
0x18e: {  	v4 =	vor.u32 v57, v1;
	v6 =	vld.idx.msk [tilespmem:v3+s14+$0x0], $0xffff  }
0x18f: {  	v3 =	vor.u32 v45, v2;
	_ =	sdelay $0x3  }
0x190: {  	[tilespmem:v4+s18+$0x0] =	vst.idx.msk $0xffff, v6  }
0x191: {  	v6 =	vld.idx.msk [tilespmem:v3+s14+$0x0], $0xffff  }
0x192: {  	v3 =	vld [tilespmem:$0x1FE50];
	_ =	sdelay $0x4  }
0x193: {  	v4 =	vor.u32 v3, v1  }
0x194: {  	v3 =	vor.u32 v58, v2;
	_ =	sdelay $0x3  }
0x195: {  	[tilespmem:v4+s18+$0x0] =	vst.idx.msk $0xffff, v6  }
0x196: {  	v4 =	vor.u32 v55, v1;
	v6 =	vld.idx.msk [tilespmem:v3+s14+$0x0], $0xffff  }
0x197: {  	v3 =	vor.u32 v46, v2;
	_ =	sdelay $0x3  }
0x198: {  	[tilespmem:v4+s18+$0x0] =	vst.idx.msk $0xffff, v6  }
0x199: {  	v4 =	vor.u32 v47, v1;
	v6 =	vld.idx.msk [tilespmem:v3+s14+$0x0], $0xffff  }
0x19a: {  	v3 =	vor.u32 v48, v2;
	_ =	sdelay $0x3  }
0x19b: {  	[tilespmem:v4+s18+$0x0] =	vst.idx.msk $0xffff, v6  }
0x19c: {  	v4 =	vor.u32 v59, v1;
	v6 =	vld.idx.msk [tilespmem:v3+s14+$0x0], $0xffff  }
0x19d: {  	v3 =	vor.u32 v49, v2;
	_ =	sdelay $0x3  }
0x19e: {  	[tilespmem:v4+s18+$0x0] =	vst.idx.msk $0xffff, v6  }
0x19f: {  	v4 =	vor.u32 v60, v1;
	v6 =	vld.idx.msk [tilespmem:v3+s14+$0x0], $0xffff  }
0x1a0: {  	v3 =	vor.u32 v50, v2;
	_ =	sdelay $0x3  }
0x1a1: {  	[tilespmem:v4+s18+$0x0] =	vst.idx.msk $0xffff, v6  }
0x1a2: {  	v4 =	vor.u32 v15, v1;
	v6 =	vld.idx.msk [tilespmem:v3+s14+$0x0], $0xffff  }
0x1a3: {  	v3 =	vor.u32 v32, v2;
	_ =	sdelay $0x3  }
0x1a4: {  	[tilespmem:v4+s18+$0x0] =	vst.idx.msk $0xffff, v6  }
0x1a5: {  	v4 =	vor.u32 v33, v1;
	v6 =	vld.idx.msk [tilespmem:v3+s14+$0x0], $0xffff  }
0x1a6: {  	v3 =	vor.u32 v11, v2;
	_ =	sdelay $0x3  }
0x1a7: {  	[tilespmem:v4+s18+$0x0] =	vst.idx.msk $0xffff, v6  }
0x1a8: {  	v4 =	vor.u32 v31, v1;
	v6 =	vld.idx.msk [tilespmem:v3+s14+$0x0], $0xffff  }
0x1a9: {  	v3 =	vor.u32 v51, v2;
	_ =	sdelay $0x3  }
0x1aa: {  	[tilespmem:v4+s18+$0x0] =	vst.idx.msk $0xffff, v6  }
0x1ab: {  	v4 =	vor.u32 v39, v1;
	v6 =	vld.idx.msk [tilespmem:v3+s14+$0x0], $0xffff  }
0x1ac: {  	v3 =	vor.u32 v43, v2;
	_ =	sdelay $0x3  }
0x1ad: {  	[tilespmem:v4+s18+$0x0] =	vst.idx.msk $0xffff, v6  }
0x1ae: {  	v4 =	vor.u32 v40, v1;
	v6 =	vld.idx.msk [tilespmem:v3+s14+$0x0], $0xffff  }
0x1af: {  	v3 =	vor.u32 v36, v2;
	_ =	sdelay $0x3  }
0x1b0: {  	[tilespmem:v4+s18+$0x0] =	vst.idx.msk $0xffff, v6  }
0x1b1: {  	v4 =	vor.u32 v41, v1;
	v6 =	vld.idx.msk [tilespmem:v3+s14+$0x0], $0xffff  }
0x1b2: {  	v3 =	vor.u32 v0, v2;
	_ =	sdelay $0x1  }
0x1b3: {  	[tilespmem:$0x1FB00] =	vst v32  }
0x1b4: {  	[tilespmem:$0x1FB40] =	vst v36  }
0x1b5: {  	[tilespmem:v4+s18+$0x0] =	vst.idx.msk $0xffff, v6  }
0x1b6: {  	[tilespmem:$0x1FB50] =	vst v0;
	v4 =	vor.u32 v34, v1;
	v0 =	vld.idx.msk [tilespmem:v3+s14+$0x0], $0xffff  }
0x1b7: {  	[tilespmem:$0x1FAC0] =	vst v46;
	v3 =	vor.u32 v38, v2  }
0x1b8: {  	[tilespmem:$0x1FAD0] =	vst v48  }
0x1b9: {  	[tilespmem:$0x1FB10] =	vst v11  }
0x1ba: {  	[tilespmem:$0x1FAE0] =	vst v49  }
0x1bb: {  	[tilespmem:v4+s18+$0x0] =	vst.idx.msk $0xffff, v0  }
0x1bc: {  	[tilespmem:$0x1FAF0] =	vst v50;
	v4 =	vor.u32 v35, v1;
	v3 =	vld.idx.msk [tilespmem:v3+s14+$0x0], $0xffff  }
0x1bd: {  	[tilespmem:$0x1FB20] =	vst v51;
	v0 =	vor.u32 v44, v2  }
0x1be: {  	[tilespmem:$0x1FB30] =	vst v43  }
0x1bf: {  	[tilespmem:$0x1FB60] =	vst v38  }
0x1c0: {  	[tilespmem:$0x1FB70] =	vst v44  }
0x1c1: {  	[tilespmem:v4+s18+$0x0] =	vst.idx.msk $0xffff, v3  }
0x1c2: {  	s30 =	simm.s32 $0x2;
	s29 =	simm.s32 $0x5;
	s28 =	simm.s32 $0x3;
	[tilespmem:$0x1FB80] =	vst v5;
	v2 =	vor.u32 v5, v2;
	v4 =	vor.u32 v22, v1;
	v3 =	vld.idx.msk [tilespmem:v0+s14+$0x0], $0xffff  }
.LBB2_3:
0x1c3: {  	v56 =	vld [tilespmem:$0x1FE90]  }
0x1c4: {  	v15 =	vld [tilespmem:$0x1FFD0];
	_ =	sdelay $0x2  }
0x1c5: {  	v5 =	vmov s30  }
0x1c6: {  	[tilespmem:v4+s18+$0x0] =	vst.idx.msk $0xffff, v3;
	v3 =	vshll.u32 v5, $0x5  }
0x1c7: {  	v0 =	vlaneseq.u32;
	v4 =	vld.idx.msk [tilespmem:v2+s14+$0x0], $0xffff;
	v2 =	vadd.s32 v56, v3;
	v1 =	vor.u32 v15, v1  }
0x1c8: {  	v54 =	vld [tilespmem:$0x1FEA0];
	v3 =	vor.u32 v0, v2  }
0x1c9: {  	v53 =	vld [tilespmem:$0x1FEB0];
	_ =	sdelay $0x2  }
0x1ca: {  	[tilespmem:v1+s18+$0x0] =	vst.idx.msk $0xffff, v4;
	v1 =	vshll.u32 v5, $0x9  }
0x1cb: {  	v3 =	vld.idx.msk [tilespmem:v3+s14+$0x0], $0xffff;
	v4 =	vor.u32 v54, v1  }
0x1cc: {  	v52 =	vld [tilespmem:$0x1FEC0];
	v5 =	vor.u32 v53, v2  }
0x1cd: {  	v0 =	vld [tilespmem:$0x1FED0];
	_ =	sdelay $0x2  }
0x1ce: {  	[tilespmem:v4+s18+$0x0] =	vst.idx.msk $0xffff, v3  }
0x1cf: {  	v4 =	vor.u32 v52, v1;
	v3 =	vld.idx.msk [tilespmem:v5+s14+$0x0], $0xffff  }
0x1d0: {  	v5 =	vor.u32 v0, v2;
	v0 =	vld [tilespmem:$0x1FCE0]  }
0x1d1: {  	v7 =	vld [tilespmem:$0x1FCF0];
	_ =	sdelay $0x2  }
0x1d2: {  	[tilespmem:v4+s18+$0x0] =	vst.idx.msk $0xffff, v3  }
0x1d3: {  	v4 =	vor.u32 v0, v1;
	v3 =	vld.idx.msk [tilespmem:v5+s14+$0x0], $0xffff  }
0x1d4: {  	v8 =	vld [tilespmem:$0x1FD00];
	v5 =	vor.u32 v7, v2  }
0x1d5: {  	v32 =	vld [tilespmem:$0x1FD10];
	_ =	sdelay $0x2  }
0x1d6: {  	[tilespmem:v4+s18+$0x0] =	vst.idx.msk $0xffff, v3  }
0x1d7: {  	v4 =	vor.u32 v8, v1;
	v3 =	vld.idx.msk [tilespmem:v5+s14+$0x0], $0xffff  }
0x1d8: {  	v34 =	vld [tilespmem:$0x1FD20];
	v5 =	vor.u32 v32, v2  }
0x1d9: {  	v0 =	vld [tilespmem:$0x1FD30];
	_ =	sdelay $0x2  }
0x1da: {  	[tilespmem:v4+s18+$0x0] =	vst.idx.msk $0xffff, v3  }
0x1db: {  	v3 =	vld.idx.msk [tilespmem:v5+s14+$0x0], $0xffff  }
0x1dc: {  	v4 =	vor.u32 v34, v1;
	v5 =	vor.u32 v0, v2;
	v0 =	vld [tilespmem:$0x1FD40];
	_ =	sdelay $0x4  }
0x1dd: {  	[tilespmem:v4+s18+$0x0] =	vst.idx.msk $0xffff, v3;
	v4 =	vor.u32 v0, v1;
	v0 =	vld [tilespmem:$0x1FD50];
	_ =	sdelay $0x3  }
0x1de: {  	v3 =	vld.idx.msk [tilespmem:v5+s14+$0x0], $0xffff  }
0x1df: {  	v6 =	vld [tilespmem:$0x1FEE0];
	v5 =	vor.u32 v0, v2  }
0x1e0: {  	v55 =	vld [tilespmem:$0x1FEF0];
	_ =	sdelay $0x2  }
0x1e1: {  	[tilespmem:v4+s18+$0x0] =	vst.idx.msk $0xffff, v3  }
0x1e2: {  	v4 =	vor.u32 v6, v1;
	v3 =	vld.idx.msk [tilespmem:v5+s14+$0x0], $0xffff  }
0x1e3: {  	v19 =	vld [tilespmem:$0x1FF00];
	v5 =	vor.u32 v55, v2  }
0x1e4: {  	v12 =	vld [tilespmem:$0x1FF10];
	_ =	sdelay $0x2  }
0x1e5: {  	[tilespmem:v4+s18+$0x0] =	vst.idx.msk $0xffff, v3  }
0x1e6: {  	v4 =	vor.u32 v19, v1;
	v3 =	vld.idx.msk [tilespmem:v5+s14+$0x0], $0xffff  }
0x1e7: {  	v20 =	vld [tilespmem:$0x1FD60];
	v5 =	vor.u32 v12, v2  }
0x1e8: {  	v11 =	vld [tilespmem:$0x1FD70];
	_ =	sdelay $0x2  }
0x1e9: {  	[tilespmem:v4+s18+$0x0] =	vst.idx.msk $0xffff, v3  }
0x1ea: {  	v4 =	vor.u32 v20, v1;
	v3 =	vld.idx.msk [tilespmem:v5+s14+$0x0], $0xffff  }
0x1eb: {  	v10 =	vld [tilespmem:$0x1FD80];
	v5 =	vor.u32 v11, v2  }
0x1ec: {  	v13 =	vld [tilespmem:$0x1FD90];
	_ =	sdelay $0x2  }
0x1ed: {  	[tilespmem:v4+s18+$0x0] =	vst.idx.msk $0xffff, v3  }
0x1ee: {  	v4 =	vor.u32 v10, v1;
	v3 =	vld.idx.msk [tilespmem:v5+s14+$0x0], $0xffff  }
0x1ef: {  	v14 =	vld [tilespmem:$0x1FDA0];
	v5 =	vor.u32 v13, v2  }
0x1f0: {  	v27 =	vld [tilespmem:$0x1FDB0];
	_ =	sdelay $0x2  }
0x1f1: {  	[tilespmem:v4+s18+$0x0] =	vst.idx.msk $0xffff, v3  }
0x1f2: {  	v4 =	vor.u32 v14, v1;
	v3 =	vld.idx.msk [tilespmem:v5+s14+$0x0], $0xffff  }
0x1f3: {  	v26 =	vld [tilespmem:$0x1FDC0];
	v5 =	vor.u32 v27, v2  }
0x1f4: {  	v21 =	vld [tilespmem:$0x1FDD0];
	_ =	sdelay $0x2  }
0x1f5: {  	[tilespmem:v4+s18+$0x0] =	vst.idx.msk $0xffff, v3  }
0x1f6: {  	v4 =	vor.u32 v26, v1;
	v3 =	vld.idx.msk [tilespmem:v5+s14+$0x0], $0xffff  }
0x1f7: {  	v28 =	vld [tilespmem:$0x1FDE0];
	v5 =	vor.u32 v21, v2  }
0x1f8: {  	v16 =	vld [tilespmem:$0x1FDF0];
	_ =	sdelay $0x2  }
0x1f9: {  	[tilespmem:v4+s18+$0x0] =	vst.idx.msk $0xffff, v3  }
0x1fa: {  	v4 =	vor.u32 v28, v1;
	v3 =	vld.idx.msk [tilespmem:v5+s14+$0x0], $0xffff  }
0x1fb: {  	v17 =	vld [tilespmem:$0x1FE00];
	v5 =	vor.u32 v16, v2  }
0x1fc: {  	v18 =	vld [tilespmem:$0x1FE10];
	_ =	sdelay $0x2  }
0x1fd: {  	[tilespmem:v4+s18+$0x0] =	vst.idx.msk $0xffff, v3  }
0x1fe: {  	v4 =	vor.u32 v17, v1;
	v3 =	vld.idx.msk [tilespmem:v5+s14+$0x0], $0xffff  }
0x1ff: {  	v23 =	vld [tilespmem:$0x1FE20];
	v5 =	vor.u32 v18, v2  }
0x200: {  	v24 =	vld [tilespmem:$0x1FE30];
	_ =	sdelay $0x2  }
0x201: {  	[tilespmem:v4+s18+$0x0] =	vst.idx.msk $0xffff, v3  }
0x202: {  	v4 =	vor.u32 v23, v1;
	v3 =	vld.idx.msk [tilespmem:v5+s14+$0x0], $0xffff  }
0x203: {  	v25 =	vld [tilespmem:$0x1FE40];
	v5 =	vor.u32 v24, v2  }
0x204: {  	v9 =	vld [tilespmem:$0x1FFF0];
	_ =	sdelay $0x2  }
0x205: {  	[tilespmem:v4+s18+$0x0] =	vst.idx.msk $0xffff, v3  }
0x206: {  	v4 =	vor.u32 v25, v1;
	v3 =	vld.idx.msk [tilespmem:v5+s14+$0x0], $0xffff  }
0x207: {  	v60 =	vld [tilespmem:$0x1FC90];
	v5 =	vor.u32 v9, v2  }
0x208: {  	v45 =	vld [tilespmem:$0x1FFE0];
	_ =	sdelay $0x2  }
0x209: {  	[tilespmem:v4+s18+$0x0] =	vst.idx.msk $0xffff, v3  }
0x20a: {  	v4 =	vor.u32 v60, v1;
	v3 =	vld.idx.msk [tilespmem:v5+s14+$0x0], $0xffff  }
0x20b: {  	v37 =	vld [tilespmem:$0x1FE50];
	v5 =	vor.u32 v45, v2  }
0x20c: {  	v61 =	vld [tilespmem:$0x1FE80];
	_ =	sdelay $0x2  }
0x20d: {  	[tilespmem:v4+s18+$0x0] =	vst.idx.msk $0xffff, v3  }
0x20e: {  	v4 =	vor.u32 v37, v1;
	v3 =	vld.idx.msk [tilespmem:v5+s14+$0x0], $0xffff  }
0x20f: {  	v42 =	vld [tilespmem:$0x1FE60];
	v5 =	vor.u32 v61, v2  }
0x210: {  	v46 =	vld [tilespmem:$0x1FAC0];
	_ =	sdelay $0x2  }
0x211: {  	[tilespmem:v4+s18+$0x0] =	vst.idx.msk $0xffff, v3  }
0x212: {  	v4 =	vor.u32 v42, v1;
	v3 =	vld.idx.msk [tilespmem:v5+s14+$0x0], $0xffff  }
0x213: {  	v47 =	vld [tilespmem:$0x1FE70];
	v5 =	vor.u32 v46, v2  }
0x214: {  	v48 =	vld [tilespmem:$0x1FAD0];
	_ =	sdelay $0x2  }
0x215: {  	[tilespmem:v4+s18+$0x0] =	vst.idx.msk $0xffff, v3  }
0x216: {  	v4 =	vor.u32 v47, v1;
	v3 =	vld.idx.msk [tilespmem:v5+s14+$0x0], $0xffff  }
0x217: {  	v62 =	vld [tilespmem:$0x1FF20];
	v5 =	vor.u32 v48, v2  }
0x218: {  	v49 =	vld [tilespmem:$0x1FAE0];
	_ =	sdelay $0x2  }
0x219: {  	[tilespmem:v4+s18+$0x0] =	vst.idx.msk $0xffff, v3  }
0x21a: {  	v4 =	vor.u32 v62, v1;
	v3 =	vld.idx.msk [tilespmem:v5+s14+$0x0], $0xffff  }
0x21b: {  	v63 =	vld [tilespmem:$0x1FF30];
	v5 =	vor.u32 v49, v2  }
0x21c: {  	v50 =	vld [tilespmem:$0x1FAF0];
	_ =	sdelay $0x2  }
0x21d: {  	[tilespmem:v4+s18+$0x0] =	vst.idx.msk $0xffff, v3  }
0x21e: {  	v4 =	vor.u32 v63, v1;
	v3 =	vld.idx.msk [tilespmem:v5+s14+$0x0], $0xffff  }
0x21f: {  	v33 =	vld [tilespmem:$0x1FF40];
	v5 =	vor.u32 v50, v2  }
0x220: {  	v51 =	vld [tilespmem:$0x1FB00];
	_ =	sdelay $0x2  }
0x221: {  	[tilespmem:v4+s18+$0x0] =	vst.idx.msk $0xffff, v3  }
0x222: {  	v4 =	vor.u32 v33, v1;
	v3 =	vld.idx.msk [tilespmem:v5+s14+$0x0], $0xffff  }
0x223: {  	v39 =	vld [tilespmem:$0x1FF50];
	v5 =	vor.u32 v51, v2  }
0x224: {  	v0 =	vld [tilespmem:$0x1FB10];
	_ =	sdelay $0x2  }
0x225: {  	[tilespmem:v4+s18+$0x0] =	vst.idx.msk $0xffff, v3  }
0x226: {  	v4 =	vor.u32 v39, v1;
	v3 =	vld.idx.msk [tilespmem:v5+s14+$0x0], $0xffff  }
0x227: {  	v31 =	vld [tilespmem:$0x1FF60];
	v5 =	vor.u32 v0, v2  }
0x228: {  	v43 =	vld [tilespmem:$0x1FB20];
	_ =	sdelay $0x2  }
0x229: {  	[tilespmem:v4+s18+$0x0] =	vst.idx.msk $0xffff, v3  }
0x22a: {  	v4 =	vor.u32 v31, v1;
	v3 =	vld.idx.msk [tilespmem:v5+s14+$0x0], $0xffff  }
0x22b: {  	v40 =	vld [tilespmem:$0x1FF70];
	v5 =	vor.u32 v43, v2  }
0x22c: {  	v44 =	vld [tilespmem:$0x1FB30];
	_ =	sdelay $0x2  }
0x22d: {  	[tilespmem:v4+s18+$0x0] =	vst.idx.msk $0xffff, v3  }
0x22e: {  	v4 =	vor.u32 v40, v1;
	v3 =	vld.idx.msk [tilespmem:v5+s14+$0x0], $0xffff  }
0x22f: {  	v41 =	vld [tilespmem:$0x1FF80];
	v5 =	vor.u32 v44, v2  }
0x230: {  	v36 =	vld [tilespmem:$0x1FB40];
	_ =	sdelay $0x2  }
0x231: {  	[tilespmem:v4+s18+$0x0] =	vst.idx.msk $0xffff, v3  }
0x232: {  	v4 =	vor.u32 v41, v1;
	v3 =	vld.idx.msk [tilespmem:v5+s14+$0x0], $0xffff  }
0x233: {  	v30 =	vld [tilespmem:$0x1FF90];
	v5 =	vor.u32 v36, v2  }
0x234: {  	v57 =	vld [tilespmem:$0x1FB50];
	_ =	sdelay $0x2  }
0x235: {  	[tilespmem:v4+s18+$0x0] =	vst.idx.msk $0xffff, v3  }
0x236: {  	v4 =	vor.u32 v30, v1;
	v3 =	vld.idx.msk [tilespmem:v5+s14+$0x0], $0xffff  }
0x237: {  	v29 =	vld [tilespmem:$0x1FFA0];
	v5 =	vor.u32 v57, v2  }
0x238: {  	v38 =	vld [tilespmem:$0x1FB60];
	_ =	sdelay $0x2  }
0x239: {  	[tilespmem:v4+s18+$0x0] =	vst.idx.msk $0xffff, v3  }
0x23a: {  	v4 =	vor.u32 v29, v1;
	v3 =	vld.idx.msk [tilespmem:v5+s14+$0x0], $0xffff  }
0x23b: {  	v35 =	vld [tilespmem:$0x1FFB0];
	v5 =	vor.u32 v38, v2  }
0x23c: {  	v58 =	vld [tilespmem:$0x1FB70];
	_ =	sdelay $0x2  }
0x23d: {  	[tilespmem:v4+s18+$0x0] =	vst.idx.msk $0xffff, v3  }
0x23e: {  	v4 =	vor.u32 v35, v1;
	v3 =	vld.idx.msk [tilespmem:v5+s14+$0x0], $0xffff  }
0x23f: {  	v22 =	vld [tilespmem:$0x1FFC0];
	v5 =	vor.u32 v58, v2  }
0x240: {  	v59 =	vld [tilespmem:$0x1FB80];
	_ =	sdelay $0x2  }
0x241: {  	[tilespmem:v4+s18+$0x0] =	vst.idx.msk $0xffff, v3  }
0x242: {  	v4 =	vor.u32 v22, v1;
	v3 =	vld.idx.msk [tilespmem:v5+s14+$0x0], $0xffff  }
0x243: {  	v2 =	vor.u32 v59, v2;
	_ =	sdelay $0x3  }
0x244: {  	[tilespmem:v4+s18+$0x0] =	vst.idx.msk $0xffff, v3;
	v3 =	vmov s28  }
0x245: {  	v4 =	vld.idx.msk [tilespmem:v2+s14+$0x0], $0xffff;
	v2 =	vshll.u32 v3, $0x5  }
0x246: {  	v1 =	vor.u32 v15, v1;
	v5 =	vlaneseq.u32;
	v2 =	vadd.s32 v56, v2  }
0x247: {  	v5 =	vor.u32 v5, v2;
	_ =	sdelay $0x3  }
0x248: {  	[tilespmem:v1+s18+$0x0] =	vst.idx.msk $0xffff, v4;
	v1 =	vshll.u32 v3, $0x9  }
0x249: {  	v3 =	vor.u32 v54, v1;
	v4 =	vld.idx.msk [tilespmem:v5+s14+$0x0], $0xffff  }
0x24a: {  	v5 =	vor.u32 v53, v2;
	_ =	sdelay $0x3  }
0x24b: {  	[tilespmem:v3+s18+$0x0] =	vst.idx.msk $0xffff, v4  }
0x24c: {  	v3 =	vld.idx.msk [tilespmem:v5+s14+$0x0], $0xffff  }
0x24d: {  	v4 =	vor.u32 v52, v1;
	v5 =	vld [tilespmem:$0x1FED0];
	_ =	sdelay $0x4  }
0x24e: {  	v5 =	vor.u32 v5, v2;
	[tilespmem:v4+s18+$0x0] =	vst.idx.msk $0xffff, v3;
	v4 =	vld [tilespmem:$0x1FCE0];
	_ =	sdelay $0x4  }
0x24f: {  	v3 =	vld.idx.msk [tilespmem:v5+s14+$0x0], $0xffff;
	v4 =	vor.u32 v4, v1  }
0x250: {  	v5 =	vor.u32 v7, v2;
	_ =	sdelay $0x3  }
0x251: {  	[tilespmem:v4+s18+$0x0] =	vst.idx.msk $0xffff, v3  }
0x252: {  	v4 =	vor.u32 v8, v1;
	v3 =	vld.idx.msk [tilespmem:v5+s14+$0x0], $0xffff  }
0x253: {  	v5 =	vor.u32 v32, v2;
	_ =	sdelay $0x3  }
0x254: {  	[tilespmem:v4+s18+$0x0] =	vst.idx.msk $0xffff, v3  }
0x255: {  	v3 =	vld.idx.msk [tilespmem:v5+s14+$0x0], $0xffff  }
0x256: {  	v5 =	vld [tilespmem:$0x1FD30];
	_ =	sdelay $0x3  }
0x257: {  	v4 =	vor.u32 v34, v1  }
0x258: {  	v5 =	vor.u32 v5, v2;
	_ =	sdelay $0x3  }
0x259: {  	[tilespmem:v4+s18+$0x0] =	vst.idx.msk $0xffff, v3;
	v4 =	vld [tilespmem:$0x1FD40]  }
0x25a: {  	v3 =	vld.idx.msk [tilespmem:v5+s14+$0x0], $0xffff  }
0x25b: {  	v5 =	vld [tilespmem:$0x1FD50];
	_ =	sdelay $0x3  }
0x25c: {  	v4 =	vor.u32 v4, v1  }
0x25d: {  	v5 =	vor.u32 v5, v2;
	_ =	sdelay $0x3  }
0x25e: {  	[tilespmem:v4+s18+$0x0] =	vst.idx.msk $0xffff, v3  }
0x25f: {  	v4 =	vor.u32 v6, v1;
	v3 =	vld.idx.msk [tilespmem:v5+s14+$0x0], $0xffff  }
0x260: {  	v5 =	vor.u32 v55, v2;
	_ =	sdelay $0x3  }
0x261: {  	[tilespmem:v4+s18+$0x0] =	vst.idx.msk $0xffff, v3  }
0x262: {  	v4 =	vor.u32 v19, v1;
	v3 =	vld.idx.msk [tilespmem:v5+s14+$0x0], $0xffff  }
0x263: {  	v5 =	vor.u32 v12, v2;
	_ =	sdelay $0x3  }
0x264: {  	[tilespmem:v4+s18+$0x0] =	vst.idx.msk $0xffff, v3  }
0x265: {  	v4 =	vor.u32 v20, v1;
	v3 =	vld.idx.msk [tilespmem:v5+s14+$0x0], $0xffff  }
0x266: {  	v5 =	vor.u32 v11, v2;
	_ =	sdelay $0x3  }
0x267: {  	[tilespmem:v4+s18+$0x0] =	vst.idx.msk $0xffff, v3  }
0x268: {  	v4 =	vor.u32 v10, v1;
	v3 =	vld.idx.msk [tilespmem:v5+s14+$0x0], $0xffff  }
0x269: {  	v5 =	vor.u32 v13, v2;
	_ =	sdelay $0x3  }
0x26a: {  	[tilespmem:v4+s18+$0x0] =	vst.idx.msk $0xffff, v3  }
0x26b: {  	v4 =	vor.u32 v14, v1;
	v3 =	vld.idx.msk [tilespmem:v5+s14+$0x0], $0xffff  }
0x26c: {  	v5 =	vor.u32 v27, v2;
	_ =	sdelay $0x3  }
0x26d: {  	[tilespmem:v4+s18+$0x0] =	vst.idx.msk $0xffff, v3  }
0x26e: {  	v4 =	vor.u32 v26, v1;
	v3 =	vld.idx.msk [tilespmem:v5+s14+$0x0], $0xffff  }
0x26f: {  	v5 =	vor.u32 v21, v2;
	_ =	sdelay $0x3  }
0x270: {  	[tilespmem:v4+s18+$0x0] =	vst.idx.msk $0xffff, v3  }
0x271: {  	v4 =	vor.u32 v28, v1;
	v3 =	vld.idx.msk [tilespmem:v5+s14+$0x0], $0xffff  }
0x272: {  	v5 =	vor.u32 v16, v2;
	_ =	sdelay $0x3  }
0x273: {  	[tilespmem:v4+s18+$0x0] =	vst.idx.msk $0xffff, v3  }
0x274: {  	v4 =	vor.u32 v17, v1;
	v3 =	vld.idx.msk [tilespmem:v5+s14+$0x0], $0xffff  }
0x275: {  	v5 =	vor.u32 v18, v2;
	_ =	sdelay $0x3  }
0x276: {  	[tilespmem:v4+s18+$0x0] =	vst.idx.msk $0xffff, v3  }
0x277: {  	v4 =	vor.u32 v23, v1;
	v3 =	vld.idx.msk [tilespmem:v5+s14+$0x0], $0xffff  }
0x278: {  	v5 =	vor.u32 v24, v2;
	_ =	sdelay $0x3  }
0x279: {  	[tilespmem:v4+s18+$0x0] =	vst.idx.msk $0xffff, v3  }
0x27a: {  	v4 =	vor.u32 v25, v1;
	v3 =	vld.idx.msk [tilespmem:v5+s14+$0x0], $0xffff  }
0x27b: {  	v5 =	vor.u32 v9, v2;
	_ =	sdelay $0x3  }
0x27c: {  	[tilespmem:v4+s18+$0x0] =	vst.idx.msk $0xffff, v3  }
0x27d: {  	v4 =	vor.u32 v60, v1;
	v3 =	vld.idx.msk [tilespmem:v5+s14+$0x0], $0xffff  }
0x27e: {  	v5 =	vor.u32 v45, v2;
	_ =	sdelay $0x3  }
0x27f: {  	[tilespmem:v4+s18+$0x0] =	vst.idx.msk $0xffff, v3  }
0x280: {  	v4 =	vor.u32 v37, v1;
	v3 =	vld.idx.msk [tilespmem:v5+s14+$0x0], $0xffff  }
0x281: {  	v5 =	vor.u32 v61, v2;
	_ =	sdelay $0x3  }
0x282: {  	[tilespmem:v4+s18+$0x0] =	vst.idx.msk $0xffff, v3  }
0x283: {  	v4 =	vor.u32 v42, v1;
	v3 =	vld.idx.msk [tilespmem:v5+s14+$0x0], $0xffff  }
0x284: {  	v5 =	vor.u32 v46, v2;
	_ =	sdelay $0x3  }
0x285: {  	[tilespmem:v4+s18+$0x0] =	vst.idx.msk $0xffff, v3  }
0x286: {  	v4 =	vor.u32 v47, v1;
	v3 =	vld.idx.msk [tilespmem:v5+s14+$0x0], $0xffff  }
0x287: {  	v5 =	vor.u32 v48, v2;
	_ =	sdelay $0x3  }
0x288: {  	[tilespmem:v4+s18+$0x0] =	vst.idx.msk $0xffff, v3  }
0x289: {  	v4 =	vor.u32 v62, v1;
	v3 =	vld.idx.msk [tilespmem:v5+s14+$0x0], $0xffff  }
0x28a: {  	v5 =	vor.u32 v49, v2;
	_ =	sdelay $0x3  }
0x28b: {  	[tilespmem:v4+s18+$0x0] =	vst.idx.msk $0xffff, v3  }
0x28c: {  	v4 =	vor.u32 v63, v1;
	v3 =	vld.idx.msk [tilespmem:v5+s14+$0x0], $0xffff  }
0x28d: {  	v5 =	vor.u32 v50, v2;
	_ =	sdelay $0x3  }
0x28e: {  	[tilespmem:v4+s18+$0x0] =	vst.idx.msk $0xffff, v3  }
0x28f: {  	v4 =	vor.u32 v33, v1;
	v3 =	vld.idx.msk [tilespmem:v5+s14+$0x0], $0xffff  }
0x290: {  	v5 =	vor.u32 v51, v2;
	_ =	sdelay $0x3  }
0x291: {  	[tilespmem:v4+s18+$0x0] =	vst.idx.msk $0xffff, v3  }
0x292: {  	v4 =	vor.u32 v39, v1;
	v3 =	vld.idx.msk [tilespmem:v5+s14+$0x0], $0xffff  }
0x293: {  	v5 =	vor.u32 v0, v2;
	_ =	sdelay $0x3  }
0x294: {  	[tilespmem:v4+s18+$0x0] =	vst.idx.msk $0xffff, v3  }
0x295: {  	v4 =	vor.u32 v31, v1;
	v3 =	vld.idx.msk [tilespmem:v5+s14+$0x0], $0xffff  }
0x296: {  	v5 =	vor.u32 v43, v2;
	_ =	sdelay $0x3  }
0x297: {  	[tilespmem:v4+s18+$0x0] =	vst.idx.msk $0xffff, v3  }
0x298: {  	v4 =	vor.u32 v40, v1;
	v3 =	vld.idx.msk [tilespmem:v5+s14+$0x0], $0xffff  }
0x299: {  	v5 =	vor.u32 v44, v2;
	_ =	sdelay $0x3  }
0x29a: {  	[tilespmem:v4+s18+$0x0] =	vst.idx.msk $0xffff, v3  }
0x29b: {  	v4 =	vor.u32 v41, v1;
	v3 =	vld.idx.msk [tilespmem:v5+s14+$0x0], $0xffff  }
0x29c: {  	v5 =	vor.u32 v36, v2;
	_ =	sdelay $0x3  }
0x29d: {  	[tilespmem:v4+s18+$0x0] =	vst.idx.msk $0xffff, v3  }
0x29e: {  	v4 =	vor.u32 v30, v1;
	v3 =	vld.idx.msk [tilespmem:v5+s14+$0x0], $0xffff  }
0x29f: {  	v5 =	vor.u32 v57, v2;
	_ =	sdelay $0x3  }
0x2a0: {  	[tilespmem:v4+s18+$0x0] =	vst.idx.msk $0xffff, v3  }
0x2a1: {  	v4 =	vor.u32 v29, v1;
	v3 =	vld.idx.msk [tilespmem:v5+s14+$0x0], $0xffff  }
0x2a2: {  	v5 =	vor.u32 v38, v2;
	_ =	sdelay $0x3  }
0x2a3: {  	[tilespmem:v4+s18+$0x0] =	vst.idx.msk $0xffff, v3  }
0x2a4: {  	v4 =	vor.u32 v35, v1;
	v3 =	vld.idx.msk [tilespmem:v5+s14+$0x0], $0xffff  }
0x2a5: {  	p1 =	sne.s32 s29, $0x31;
	v5 =	vor.u32 v58, v2  }
.Ltmp2:
0x2a6: {  	_ = 	snop;
	(pc) =	sbr.rel @p1 .LBB2_3-.Ltmp2, $3  }
0x2a7: {  	_ =	sdelay $0x1  }
0x2a8: {  	s28 =	smov.u32 s29;
	[tilespmem:v4+s18+$0x0] =	vst.idx.msk $0xffff, v3  }
0x2a9: {  	s29 =	sadd.s32 $0x2, s29;
	s30 =	sadd.s32 $0xFFFFFFFF, s28;
	v2 =	vor.u32 v59, v2;
	v4 =	vor.u32 v22, v1;
	v3 =	vld.idx.msk [tilespmem:v5+s14+$0x0], $0xffff  }
0x2aa: {  	v32 =	vld [tilespmem:$0x1FE90]  }
0x2ab: {  	v8 =	vld [tilespmem:$0x1FFD0];
	_ =	sdelay $0x2  }
0x2ac: {  	v5 =	vmov s30  }
0x2ad: {  	v23 =	vshll.u32 v5, $0x5;
	[tilespmem:v4+s18+$0x0] =	vst.idx.msk $0xffff, v3  }
0x2ae: {  	v0 =	vlaneseq.u32;
	v2 =	vld.idx.msk [tilespmem:v2+s14+$0x0], $0xffff;
	v3 =	vadd.s32 v32, v23;
	v1 =	vor.u32 v8, v1  }
0x2af: {  	v54 =	vld [tilespmem:$0x1FEA0];
	v28 =	vor.u32 v0, v3  }
0x2b0: {  	v53 =	vld [tilespmem:$0x1FEB0];
	_ =	sdelay $0x2  }
0x2b1: {  	[tilespmem:v1+s18+$0x0] =	vst.idx.msk $0xffff, v2;
	v1 =	vshll.u32 v5, $0x9  }
0x2b2: {  	v2 =	vld.idx.msk [tilespmem:v28+s14+$0x0], $0xffff;
	v29 =	vor.u32 v54, v1  }
0x2b3: {  	v52 =	vld [tilespmem:$0x1FEC0];
	v30 =	vor.u32 v53, v3  }
0x2b4: {  	v0 =	vld [tilespmem:$0x1FED0];
	_ =	sdelay $0x2  }
0x2b5: {  	[tilespmem:v29+s18+$0x0] =	vst.idx.msk $0xffff, v2  }
0x2b6: {  	v31 =	vor.u32 v52, v1;
	v2 =	vld.idx.msk [tilespmem:v30+s14+$0x0], $0xffff  }
0x2b7: {  	v46 =	vld [tilespmem:$0x1FCE0];
	v33 =	vor.u32 v0, v3  }
0x2b8: {  	v48 =	vld [tilespmem:$0x1FCF0];
	_ =	sdelay $0x2  }
0x2b9: {  	[tilespmem:v31+s18+$0x0] =	vst.idx.msk $0xffff, v2  }
0x2ba: {  	v34 =	vor.u32 v46, v1;
	v2 =	vld.idx.msk [tilespmem:v33+s14+$0x0], $0xffff  }
0x2bb: {  	v49 =	vld [tilespmem:$0x1FD00];
	v35 =	vor.u32 v48, v3  }
0x2bc: {  	v9 =	vld [tilespmem:$0x1FD10];
	_ =	sdelay $0x2  }
0x2bd: {  	[tilespmem:v34+s18+$0x0] =	vst.idx.msk $0xffff, v2  }
0x2be: {  	v36 =	vor.u32 v49, v1;
	v2 =	vld.idx.msk [tilespmem:v35+s14+$0x0], $0xffff  }
0x2bf: {  	v37 =	vor.u32 v9, v3;
	v34 =	vld [tilespmem:$0x1FD20]  }
0x2c0: {  	v45 =	vld [tilespmem:$0x1FD30];
	_ =	sdelay $0x2  }
0x2c1: {  	[tilespmem:v36+s18+$0x0] =	vst.idx.msk $0xffff, v2  }
0x2c2: {  	v38 =	vor.u32 v34, v1;
	v2 =	vld.idx.msk [tilespmem:v37+s14+$0x0], $0xffff  }
0x2c3: {  	v15 =	vld [tilespmem:$0x1FD40];
	v39 =	vor.u32 v45, v3  }
0x2c4: {  	v20 =	vld [tilespmem:$0x1FD50];
	_ =	sdelay $0x2  }
0x2c5: {  	[tilespmem:v38+s18+$0x0] =	vst.idx.msk $0xffff, v2  }
0x2c6: {  	v40 =	vor.u32 v15, v1;
	v2 =	vld.idx.msk [tilespmem:v39+s14+$0x0], $0xffff  }
0x2c7: {  	v6 =	vld [tilespmem:$0x1FEE0];
	v41 =	vor.u32 v20, v3  }
0x2c8: {  	v55 =	vld [tilespmem:$0x1FEF0];
	_ =	sdelay $0x2  }
0x2c9: {  	[tilespmem:v40+s18+$0x0] =	vst.idx.msk $0xffff, v2  }
0x2ca: {  	v42 =	vor.u32 v6, v1;
	v2 =	vld.idx.msk [tilespmem:v41+s14+$0x0], $0xffff  }
0x2cb: {  	v19 =	vld [tilespmem:$0x1FF00];
	v43 =	vor.u32 v55, v3  }
0x2cc: {  	v12 =	vld [tilespmem:$0x1FF10];
	_ =	sdelay $0x2  }
0x2cd: {  	[tilespmem:v42+s18+$0x0] =	vst.idx.msk $0xffff, v2  }
0x2ce: {  	v44 =	vor.u32 v19, v1;
	v2 =	vld.idx.msk [tilespmem:v43+s14+$0x0], $0xffff  }
0x2cf: {  	v56 =	vld [tilespmem:$0x1FD60];
	v47 =	vor.u32 v12, v3  }
0x2d0: {  	v11 =	vld [tilespmem:$0x1FD70];
	_ =	sdelay $0x2  }
0x2d1: {  	[tilespmem:v44+s18+$0x0] =	vst.idx.msk $0xffff, v2  }
0x2d2: {  	v50 =	vor.u32 v56, v1;
	v2 =	vld.idx.msk [tilespmem:v47+s14+$0x0], $0xffff  }
0x2d3: {  	v10 =	vld [tilespmem:$0x1FD80];
	v51 =	vor.u32 v11, v3  }
0x2d4: {  	v13 =	vld [tilespmem:$0x1FD90];
	_ =	sdelay $0x2  }
0x2d5: {  	[tilespmem:v50+s18+$0x0] =	vst.idx.msk $0xffff, v2  }
0x2d6: {  	v57 =	vor.u32 v10, v1;
	v2 =	vld.idx.msk [tilespmem:v51+s14+$0x0], $0xffff  }
0x2d7: {  	v14 =	vld [tilespmem:$0x1FDA0];
	v58 =	vor.u32 v13, v3  }
0x2d8: {  	v27 =	vld [tilespmem:$0x1FDB0];
	_ =	sdelay $0x2  }
0x2d9: {  	[tilespmem:v57+s18+$0x0] =	vst.idx.msk $0xffff, v2  }
0x2da: {  	v59 =	vor.u32 v14, v1;
	v2 =	vld.idx.msk [tilespmem:v58+s14+$0x0], $0xffff  }
0x2db: {  	v26 =	vld [tilespmem:$0x1FDC0];
	v60 =	vor.u32 v27, v3  }
0x2dc: {  	v21 =	vld [tilespmem:$0x1FDD0];
	_ =	sdelay $0x2  }
0x2dd: {  	[tilespmem:v59+s18+$0x0] =	vst.idx.msk $0xffff, v2  }
0x2de: {  	v61 =	vor.u32 v26, v1;
	v2 =	vld.idx.msk [tilespmem:v60+s14+$0x0], $0xffff  }
0x2df: {  	v62 =	vor.u32 v21, v3;
	v28 =	vld [tilespmem:$0x1FDE0]  }
0x2e0: {  	v16 =	vld [tilespmem:$0x1FDF0];
	_ =	sdelay $0x2  }
0x2e1: {  	[tilespmem:v61+s18+$0x0] =	vst.idx.msk $0xffff, v2  }
0x2e2: {  	v63 =	vor.u32 v28, v1;
	v2 =	vld.idx.msk [tilespmem:v62+s14+$0x0], $0xffff  }
0x2e3: {  	v17 =	vld [tilespmem:$0x1FE00];
	v22 =	vor.u32 v16, v3;
	_ =	sdelay $0x3  }
0x2e4: {  	v18 =	vld [tilespmem:$0x1FE10];
	[tilespmem:v63+s18+$0x0] =	vst.idx.msk $0xffff, v2  }
0x2e5: {  	v23 =	vor.u32 v17, v1;
	v2 =	vld.idx.msk [tilespmem:v22+s14+$0x0], $0xffff;
	_ =	sdelay $0x4  }
0x2e6: {  	v29 =	vor.u32 v18, v3;
	[tilespmem:v23+s18+$0x0] =	vst.idx.msk $0xffff, v2;
	v23 =	vld [tilespmem:$0x1FE20]  }
0x2e7: {  	v24 =	vld [tilespmem:$0x1FE30];
	_ =	sdelay $0x3  }
0x2e8: {  	v2 =	vld.idx.msk [tilespmem:v29+s14+$0x0], $0xffff;
	v30 =	vor.u32 v23, v1  }
0x2e9: {  	v25 =	vld [tilespmem:$0x1FE40];
	v31 =	vor.u32 v24, v3  }
0x2ea: {  	v63 =	vld [tilespmem:$0x1FFF0];
	_ =	sdelay $0x2  }
0x2eb: {  	[tilespmem:v30+s18+$0x0] =	vst.idx.msk $0xffff, v2  }
0x2ec: {  	v33 =	vor.u32 v25, v1;
	v2 =	vld.idx.msk [tilespmem:v31+s14+$0x0], $0xffff  }
0x2ed: {  	v59 =	vld [tilespmem:$0x1FC90];
	v35 =	vor.u32 v63, v3  }
0x2ee: {  	v37 =	vld [tilespmem:$0x1FFE0];
	_ =	sdelay $0x2  }
0x2ef: {  	[tilespmem:v33+s18+$0x0] =	vst.idx.msk $0xffff, v2  }
0x2f0: {  	v36 =	vor.u32 v59, v1;
	v2 =	vld.idx.msk [tilespmem:v35+s14+$0x0], $0xffff  }
0x2f1: {  	v5 =	vor.u32 v37, v3;
	v37 =	vld [tilespmem:$0x1FE50]  }
0x2f2: {  	v60 =	vld [tilespmem:$0x1FE80];
	_ =	sdelay $0x2  }
0x2f3: {  	[tilespmem:v36+s18+$0x0] =	vst.idx.msk $0xffff, v2  }
0x2f4: {  	v38 =	vor.u32 v37, v1;
	v2 =	vld.idx.msk [tilespmem:v5+s14+$0x0], $0xffff  }
0x2f5: {  	v42 =	vld [tilespmem:$0x1FE60];
	v39 =	vor.u32 v60, v3  }
0x2f6: {  	v41 =	vld [tilespmem:$0x1FAC0];
	_ =	sdelay $0x2  }
0x2f7: {  	[tilespmem:v38+s18+$0x0] =	vst.idx.msk $0xffff, v2  }
0x2f8: {  	v40 =	vor.u32 v42, v1;
	v2 =	vld.idx.msk [tilespmem:v39+s14+$0x0], $0xffff  }
0x2f9: {  	v47 =	vld [tilespmem:$0x1FE70];
	v5 =	vor.u32 v41, v3  }
0x2fa: {  	v44 =	vld [tilespmem:$0x1FAD0];
	_ =	sdelay $0x2  }
0x2fb: {  	[tilespmem:v40+s18+$0x0] =	vst.idx.msk $0xffff, v2  }
0x2fc: {  	v43 =	vor.u32 v47, v1;
	v2 =	vld.idx.msk [tilespmem:v5+s14+$0x0], $0xffff  }
0x2fd: {  	v61 =	vld [tilespmem:$0x1FF20];
	v5 =	vor.u32 v44, v3  }
0x2fe: {  	v51 =	vld [tilespmem:$0x1FAE0];
	_ =	sdelay $0x2  }
0x2ff: {  	[tilespmem:v43+s18+$0x0] =	vst.idx.msk $0xffff, v2  }
0x300: {  	v50 =	vor.u32 v61, v1;
	v2 =	vld.idx.msk [tilespmem:v5+s14+$0x0], $0xffff  }
0x301: {  	v62 =	vld [tilespmem:$0x1FF30];
	v5 =	vor.u32 v51, v3  }
0x302: {  	v58 =	vld [tilespmem:$0x1FAF0];
	_ =	sdelay $0x2  }
0x303: {  	[tilespmem:v50+s18+$0x0] =	vst.idx.msk $0xffff, v2  }
0x304: {  	v57 =	vor.u32 v62, v1;
	v2 =	vld.idx.msk [tilespmem:v5+s14+$0x0], $0xffff  }
0x305: {  	v33 =	vld [tilespmem:$0x1FF40];
	v5 =	vor.u32 v58, v3  }
0x306: {  	v50 =	vld [tilespmem:$0x1FB00];
	_ =	sdelay $0x2  }
0x307: {  	[tilespmem:v57+s18+$0x0] =	vst.idx.msk $0xffff, v2  }
0x308: {  	v22 =	vor.u32 v33, v1;
	v2 =	vld.idx.msk [tilespmem:v5+s14+$0x0], $0xffff  }
0x309: {  	v39 =	vld [tilespmem:$0x1FF50];
	v29 =	vor.u32 v50, v3  }
0x30a: {  	v51 =	vld [tilespmem:$0x1FB10];
	_ =	sdelay $0x2  }
0x30b: {  	[tilespmem:v22+s18+$0x0] =	vst.idx.msk $0xffff, v2  }
0x30c: {  	v30 =	vor.u32 v39, v1;
	v2 =	vld.idx.msk [tilespmem:v29+s14+$0x0], $0xffff  }
0x30d: {  	v31 =	vor.u32 v51, v3;
	_ =	sdelay $0x3  }
0x30e: {  	[tilespmem:v30+s18+$0x0] =	vst.idx.msk $0xffff, v2  }
0x30f: {  	v2 =	vld.idx.msk [tilespmem:v31+s14+$0x0], $0xffff  }
0x310: {  	v31 =	vld [tilespmem:$0x1FF60]  }
0x311: {  	v7 =	vld [tilespmem:$0x1FB20];
	_ =	sdelay $0x3  }
0x312: {  	v35 =	vor.u32 v31, v1  }
0x313: {  	v36 =	vor.u32 v7, v3;
	v40 =	vld [tilespmem:$0x1FF70]  }
0x314: {  	v43 =	vld [tilespmem:$0x1FB30];
	_ =	sdelay $0x2  }
0x315: {  	[tilespmem:v35+s18+$0x0] =	vst.idx.msk $0xffff, v2  }
0x316: {  	v38 =	vor.u32 v40, v1;
	v2 =	vld.idx.msk [tilespmem:v36+s14+$0x0], $0xffff  }
0x317: {  	v44 =	vor.u32 v43, v3;
	_ =	sdelay $0x3  }
0x318: {  	v41 =	vld [tilespmem:$0x1FF80];
	[tilespmem:v38+s18+$0x0] =	vst.idx.msk $0xffff, v2  }
0x319: {  	v2 =	vld.idx.msk [tilespmem:v44+s14+$0x0], $0xffff  }
0x31a: {  	v44 =	vld [tilespmem:$0x1FB40];
	_ =	sdelay $0x3  }
0x31b: {  	v57 =	vor.u32 v41, v1  }
0x31c: {  	v30 =	vld [tilespmem:$0x1FF90];
	v58 =	vor.u32 v44, v3  }
0x31d: {  	v36 =	vld [tilespmem:$0x1FB50];
	_ =	sdelay $0x2  }
0x31e: {  	[tilespmem:v57+s18+$0x0] =	vst.idx.msk $0xffff, v2  }
0x31f: {  	v22 =	vor.u32 v30, v1;
	v2 =	vld.idx.msk [tilespmem:v58+s14+$0x0], $0xffff  }
0x320: {  	v29 =	vor.u32 v36, v3;
	_ =	sdelay $0x3  }
0x321: {  	[tilespmem:v22+s18+$0x0] =	vst.idx.msk $0xffff, v2  }
0x322: {  	v2 =	vld.idx.msk [tilespmem:v29+s14+$0x0], $0xffff  }
0x323: {  	v29 =	vld [tilespmem:$0x1FFA0]  }
0x324: {  	v57 =	vld [tilespmem:$0x1FB60];
	_ =	sdelay $0x3  }
0x325: {  	v35 =	vor.u32 v29, v1  }
0x326: {  	v38 =	vor.u32 v57, v3;
	_ =	sdelay $0x3  }
0x327: {  	[tilespmem:v35+s18+$0x0] =	vst.idx.msk $0xffff, v2;
	v35 =	vld [tilespmem:$0x1FFB0]  }
0x328: {  	v2 =	vld.idx.msk [tilespmem:v38+s14+$0x0], $0xffff  }
0x329: {  	v38 =	vld [tilespmem:$0x1FB70];
	_ =	sdelay $0x3  }
0x32a: {  	v58 =	vor.u32 v35, v1  }
0x32b: {  	v22 =	vor.u32 v38, v3;
	_ =	sdelay $0x3  }
0x32c: {  	[tilespmem:v58+s18+$0x0] =	vst.idx.msk $0xffff, v2  }
0x32d: {  	v2 =	vld.idx.msk [tilespmem:v22+s14+$0x0], $0xffff  }
0x32e: {  	v22 =	vld [tilespmem:$0x1FFC0]  }
0x32f: {  	v58 =	vld [tilespmem:$0x1FB80];
	_ =	sdelay $0x3  }
0x330: {  	v4 =	vor.u32 v22, v1  }
0x331: {  	v3 =	vor.u32 v58, v3;
	_ =	sdelay $0x2  }
0x332: {  	v5 =	vmov s28  }
0x333: {  	[tilespmem:v4+s18+$0x0] =	vst.idx.msk $0xffff, v2;
	v2 =	vshll.u32 v5, $0x5  }
0x334: {  	v1 =	vor.u32 v8, v1;
	v3 =	vld.idx.msk [tilespmem:v3+s14+$0x0], $0xffff;
	v2 =	vadd.s32 v32, v2;
	v32 =	vlaneseq.u32  }
0x335: {  	v4 =	vor.u32 v32, v2;
	_ =	sdelay $0x3  }
0x336: {  	[tilespmem:v1+s18+$0x0] =	vst.idx.msk $0xffff, v3;
	v1 =	vshll.u32 v5, $0x9  }
0x337: {  	v3 =	vld.idx.msk [tilespmem:v4+s14+$0x0], $0xffff;
	v32 =	vor.u32 v54, v1  }
0x338: {  	v53 =	vor.u32 v53, v2;
	_ =	sdelay $0x3  }
0x339: {  	[tilespmem:v32+s18+$0x0] =	vst.idx.msk $0xffff, v3  }
0x33a: {  	v54 =	vor.u32 v52, v1;
	v3 =	vld.idx.msk [tilespmem:v53+s14+$0x0], $0xffff  }
0x33b: {  	v32 =	vor.u32 v0, v2;
	_ =	sdelay $0x3  }
0x33c: {  	[tilespmem:v54+s18+$0x0] =	vst.idx.msk $0xffff, v3  }
0x33d: {  	v46 =	vor.u32 v46, v1;
	v3 =	vld.idx.msk [tilespmem:v32+s14+$0x0], $0xffff  }
0x33e: {  	v48 =	vor.u32 v48, v2;
	_ =	sdelay $0x3  }
0x33f: {  	[tilespmem:v46+s18+$0x0] =	vst.idx.msk $0xffff, v3  }
0x340: {  	v49 =	vor.u32 v49, v1;
	v3 =	vld.idx.msk [tilespmem:v48+s14+$0x0], $0xffff  }
0x341: {  	v52 =	vor.u32 v9, v2;
	_ =	sdelay $0x3  }
0x342: {  	[tilespmem:v49+s18+$0x0] =	vst.idx.msk $0xffff, v3  }
0x343: {  	v53 =	vor.u32 v34, v1;
	v3 =	vld.idx.msk [tilespmem:v52+s14+$0x0], $0xffff  }
0x344: {  	v54 =	vor.u32 v45, v2;
	_ =	sdelay $0x3  }
0x345: {  	[tilespmem:v53+s18+$0x0] =	vst.idx.msk $0xffff, v3  }
0x346: {  	v0 =	vor.u32 v15, v1;
	v3 =	vld.idx.msk [tilespmem:v54+s14+$0x0], $0xffff  }
0x347: {  	v20 =	vor.u32 v20, v2;
	_ =	sdelay $0x3  }
0x348: {  	[tilespmem:v0+s18+$0x0] =	vst.idx.msk $0xffff, v3  }
0x349: {  	v32 =	vor.u32 v6, v1;
	v3 =	vld.idx.msk [tilespmem:v20+s14+$0x0], $0xffff  }
0x34a: {  	v34 =	vor.u32 v55, v2;
	_ =	sdelay $0x3  }
0x34b: {  	[tilespmem:v32+s18+$0x0] =	vst.idx.msk $0xffff, v3  }
0x34c: {  	v45 =	vor.u32 v19, v1;
	v3 =	vld.idx.msk [tilespmem:v34+s14+$0x0], $0xffff  }
0x34d: {  	v46 =	vor.u32 v12, v2;
	_ =	sdelay $0x3  }
0x34e: {  	[tilespmem:v45+s18+$0x0] =	vst.idx.msk $0xffff, v3  }
0x34f: {  	v48 =	vor.u32 v56, v1;
	v3 =	vld.idx.msk [tilespmem:v46+s14+$0x0], $0xffff  }
0x350: {  	v49 =	vor.u32 v11, v2;
	_ =	sdelay $0x3  }
0x351: {  	[tilespmem:v48+s18+$0x0] =	vst.idx.msk $0xffff, v3  }
0x352: {  	v52 =	vor.u32 v10, v1;
	v3 =	vld.idx.msk [tilespmem:v49+s14+$0x0], $0xffff  }
0x353: {  	v53 =	vor.u32 v13, v2;
	_ =	sdelay $0x3  }
0x354: {  	[tilespmem:v52+s18+$0x0] =	vst.idx.msk $0xffff, v3  }
0x355: {  	v54 =	vor.u32 v14, v1;
	v3 =	vld.idx.msk [tilespmem:v53+s14+$0x0], $0xffff  }
0x356: {  	v55 =	vor.u32 v27, v2;
	_ =	sdelay $0x3  }
0x357: {  	[tilespmem:v54+s18+$0x0] =	vst.idx.msk $0xffff, v3  }
0x358: {  	v56 =	vor.u32 v26, v1;
	v3 =	vld.idx.msk [tilespmem:v55+s14+$0x0], $0xffff  }
0x359: {  	v0 =	vor.u32 v21, v2;
	_ =	sdelay $0x3  }
0x35a: {  	[tilespmem:v56+s18+$0x0] =	vst.idx.msk $0xffff, v3  }
0x35b: {  	v20 =	vor.u32 v28, v1;
	v3 =	vld.idx.msk [tilespmem:v0+s14+$0x0], $0xffff  }
0x35c: {  	v21 =	vor.u32 v16, v2;
	_ =	sdelay $0x3  }
0x35d: {  	[tilespmem:v20+s18+$0x0] =	vst.idx.msk $0xffff, v3  }
0x35e: {  	v28 =	vor.u32 v17, v1;
	v3 =	vld.idx.msk [tilespmem:v21+s14+$0x0], $0xffff  }
0x35f: {  	v32 =	vor.u32 v18, v2;
	_ =	sdelay $0x3  }
0x360: {  	[tilespmem:v28+s18+$0x0] =	vst.idx.msk $0xffff, v3  }
0x361: {  	v34 =	vor.u32 v23, v1;
	v3 =	vld.idx.msk [tilespmem:v32+s14+$0x0], $0xffff  }
0x362: {  	v45 =	vor.u32 v24, v2;
	_ =	sdelay $0x3  }
0x363: {  	[tilespmem:v34+s18+$0x0] =	vst.idx.msk $0xffff, v3  }
0x364: {  	v46 =	vor.u32 v25, v1;
	v3 =	vld.idx.msk [tilespmem:v45+s14+$0x0], $0xffff  }
0x365: {  	v48 =	vor.u32 v63, v2  }
0x366: {  	v25 =	vld [tilespmem:$0x1FFE0];
	_ =	sdelay $0x2  }
0x367: {  	[tilespmem:v46+s18+$0x0] =	vst.idx.msk $0xffff, v3  }
0x368: {  	v49 =	vor.u32 v59, v1;
	v3 =	vld.idx.msk [tilespmem:v48+s14+$0x0], $0xffff  }
0x369: {  	v52 =	vor.u32 v25, v2;
	_ =	sdelay $0x3  }
0x36a: {  	[tilespmem:v49+s18+$0x0] =	vst.idx.msk $0xffff, v3  }
0x36b: {  	v53 =	vor.u32 v37, v1;
	v3 =	vld.idx.msk [tilespmem:v52+s14+$0x0], $0xffff  }
0x36c: {  	v54 =	vor.u32 v60, v2  }
0x36d: {  	v10 =	vld [tilespmem:$0x1FAC0];
	_ =	sdelay $0x2  }
0x36e: {  	[tilespmem:v53+s18+$0x0] =	vst.idx.msk $0xffff, v3  }
0x36f: {  	v55 =	vor.u32 v42, v1;
	v3 =	vld.idx.msk [tilespmem:v54+s14+$0x0], $0xffff  }
0x370: {  	v56 =	vor.u32 v10, v2  }
0x371: {  	v0 =	vld [tilespmem:$0x1FAD0];
	_ =	sdelay $0x2  }
0x372: {  	[tilespmem:v55+s18+$0x0] =	vst.idx.msk $0xffff, v3  }
0x373: {  	v59 =	vor.u32 v47, v1;
	v3 =	vld.idx.msk [tilespmem:v56+s14+$0x0], $0xffff  }
0x374: {  	v60 =	vor.u32 v0, v2  }
0x375: {  	v15 =	vmov v63;
	v63 =	vld [tilespmem:$0x1FAE0];
	_ =	sdelay $0x2  }
0x376: {  	[tilespmem:v59+s18+$0x0] =	vst.idx.msk $0xffff, v3  }
0x377: {  	v61 =	vor.u32 v61, v1;
	v3 =	vld.idx.msk [tilespmem:v60+s14+$0x0], $0xffff  }
0x378: {  	v20 =	vor.u32 v63, v2  }
0x379: {  	v9 =	vld [tilespmem:$0x1FAF0];
	_ =	sdelay $0x2  }
0x37a: {  	[tilespmem:v61+s18+$0x0] =	vst.idx.msk $0xffff, v3  }
0x37b: {  	v21 =	vor.u32 v62, v1;
	v3 =	vld.idx.msk [tilespmem:v20+s14+$0x0], $0xffff  }
0x37c: {  	v23 =	vor.u32 v9, v2;
	_ =	sdelay $0x3  }
0x37d: {  	[tilespmem:v21+s18+$0x0] =	vst.idx.msk $0xffff, v3  }
0x37e: {  	v28 =	vor.u32 v33, v1;
	v3 =	vld.idx.msk [tilespmem:v23+s14+$0x0], $0xffff  }
0x37f: {  	v32 =	vor.u32 v50, v2;
	_ =	sdelay $0x3  }
0x380: {  	[tilespmem:v28+s18+$0x0] =	vst.idx.msk $0xffff, v3  }
0x381: {  	v33 =	vor.u32 v39, v1;
	v3 =	vld.idx.msk [tilespmem:v32+s14+$0x0], $0xffff  }
0x382: {  	v34 =	vor.u32 v51, v2;
	_ =	sdelay $0x3  }
0x383: {  	[tilespmem:v33+s18+$0x0] =	vst.idx.msk $0xffff, v3  }
0x384: {  	v37 =	vor.u32 v31, v1;
	v3 =	vld.idx.msk [tilespmem:v34+s14+$0x0], $0xffff  }
0x385: {  	v39 =	vor.u32 v7, v2;
	_ =	sdelay $0x3  }
0x386: {  	[tilespmem:v37+s18+$0x0] =	vst.idx.msk $0xffff, v3  }
0x387: {  	v42 =	vor.u32 v40, v1;
	v3 =	vld.idx.msk [tilespmem:v39+s14+$0x0], $0xffff  }
0x388: {  	v45 =	vor.u32 v43, v2;
	_ =	sdelay $0x3  }
0x389: {  	[tilespmem:v42+s18+$0x0] =	vst.idx.msk $0xffff, v3  }
0x38a: {  	v46 =	vor.u32 v41, v1;
	v3 =	vld.idx.msk [tilespmem:v45+s14+$0x0], $0xffff  }
0x38b: {  	v47 =	vor.u32 v44, v2;
	_ =	sdelay $0x3  }
0x38c: {  	[tilespmem:v46+s18+$0x0] =	vst.idx.msk $0xffff, v3  }
0x38d: {  	v48 =	vor.u32 v30, v1;
	v3 =	vld.idx.msk [tilespmem:v47+s14+$0x0], $0xffff  }
0x38e: {  	v49 =	vor.u32 v36, v2;
	_ =	sdelay $0x3  }
0x38f: {  	[tilespmem:v48+s18+$0x0] =	vst.idx.msk $0xffff, v3  }
0x390: {  	v52 =	vor.u32 v29, v1;
	v3 =	vld.idx.msk [tilespmem:v49+s14+$0x0], $0xffff  }
0x391: {  	v53 =	vor.u32 v57, v2;
	_ =	sdelay $0x3  }
0x392: {  	[tilespmem:v52+s18+$0x0] =	vst.idx.msk $0xffff, v3  }
0x393: {  	v54 =	vor.u32 v35, v1;
	v3 =	vld.idx.msk [tilespmem:v53+s14+$0x0], $0xffff  }
0x394: {  	v55 =	vor.u32 v38, v2;
	_ =	sdelay $0x3  }
0x395: {  	[tilespmem:v54+s18+$0x0] =	vst.idx.msk $0xffff, v3  }
0x396: {  	v56 =	vor.u32 v22, v1;
	v3 =	vld.idx.msk [tilespmem:v55+s14+$0x0], $0xffff  }
0x397: {  	v2 =	vor.u32 v58, v2;
	_ =	sdelay $0x3  }
0x398: {  	[tilespmem:v56+s18+$0x0] =	vst.idx.msk $0xffff, v3  }
0x399: {  	v1 =	vor.u32 v8, v1;
	v2 =	vld.idx.msk [tilespmem:v2+s14+$0x0], $0xffff  }
0x39a: {  	p1 =	sne.s32 s26, $0xF  }
.Ltmp3:
0x39b: {  	s28 =	sshll.u32 s26, $0x5;
	(pc) =	sbr.rel @p1 .LBB2_6-.Ltmp3, $4  }
0x39c: {  	s28 =	sor.u32 s6, s28;
	v16 =	vmov v38  }
0x39d: {  	s28 =	sshrl.u32 s28, $0x3;
	v13 =	vmovc v0;
	v62 =	vmovc v51;
	v51 =	vmov v44;
	v59 =	vmov v63;
	v63 =	vmov v7  }
0x39e: {  	s29 =	sadd.s32 s5, s28;
	v60 =	vmovc v9;
	v9 =	vmovc v36;
	v36 =	vmov v57;
	v44 =	vmov v59;
	v61 =	vmov v50;
	[tilespmem:v1+s18+$0x0] =	vst.idx.msk $0xffff, v2  }
0x39f: {  	v50 =	vmovc v43;
	v45 =	vmovc v60;
	v46 =	vmov v61;
	v48 =	vmov v62;
	v49 =	vmov v63;
	[hbm4b:s29+s19] =	stream.strided.scatter [tilespmem:s18], [sflag:$0x5], $0x6400, s20, s19, $0x38;
	[tilespmem:$0x19640] =	vst v63  }
.Ltmp4:
0x3a0: {  	(pc) =	sbr.rel .LBB2_7-.Ltmp4, $4  }
0x3a1: {  	_ = 	snop  }
0x3a2: {  	_ =	swait.ge [sflag:s21], $0x6400  }
0x3a3: {  	[sflag:s21] =	ssyncset.done $0x0  }
0x3a4: {  	[sflag:s21] =	ssyncadd.s32 $0xFFFF9C00  }
.LBB2_6:
0x3a5: {  	s29 =	smul.u32 $0x640, s26;
	_ =	sdelay $0x1  }
0x3a6: {  	s29 =	sadd.s32 s29, s9  }
0x3a7: {  	s29 =	sshrl.u32 s29, $0x3  }
0x3a8: {  	s29 =	sadd.s32 s0, s29  }
0x3a9: {  	[tilespmem:s3], [sflag:$0x1] =	stream.linear.gather [hbm4b:s29+s3], $0x320, $0x38;
	[tilespmem:$0x19640] =	vst v63  }
0x3aa: {  	_ =	swait.ge [sflag:s21], $0x6400  }
0x3ab: {  	[sflag:s21] =	ssyncset.done $0x0  }
.Ltmp5:
0x3ac: {  	[sflag:s21] =	ssyncadd.s32 $0xFFFF9C00;
	(pc) =	sbr.rel @p0 .LBB2_8-.Ltmp5, $4  }
0x3ad: {  	_ =	swait.ge [sflag:s12], $0x320  }
0x3ae: {  	[sflag:s12] =	ssyncset.done $0x0  }
0x3af: {  	[sflag:s12] =	ssyncadd.s32 $0xFFFFFCE0  }
0x3b0: {  	[tilespmem:s14], [sflag:$0x3] =	stream.indirect.gather [hbm4b:s4+s13], $0x20, s3, s13, $0xb8;
	[tilespmem:$0x19640] =	vst v63  }
.LBB2_7:
0x3b1: {  	_ =	swait.ge [sflag:s22], $0x6400  }
0x3b2: {  	[sflag:s22] =	ssyncset.done $0x0  }
0x3b3: {  	[sflag:s22] =	ssyncadd.s32 $0xFFFF9C00  }
.LBB2_8:
0x3b4: {  	v7 =	vld [tilespmem:$0x1FE90];
	_ =	sdelay $0x1  }
0x3b5: {  	s29 =	simm.s32 $0x0  }
0x3b6: {  	v1 =	vmov s29  }
0x3b7: {  	v2 =	vshll.u32 v1, $0x5  }
0x3b8: {  	v0 =	vlaneseq.u32;
	v2 =	vadd.s32 v7, v2  }
0x3b9: {  	v6 =	vld [tilespmem:$0x1FEA0];
	v3 =	vor.u32 v0, v2  }
0x3ba: {  	v0 =	vld [tilespmem:$0x1FEB0];
	_ =	sdelay $0x2  }
0x3bb: {  	v1 =	vshll.u32 v1, $0x9  }
0x3bc: {  	v4 =	vor.u32 v6, v1;
	v3 =	vld.idx.msk [tilespmem:v3+s17+$0x0], $0xffff  }
0x3bd: {  	v63 =	vld [tilespmem:$0x1FEC0];
	v5 =	vor.u32 v0, v2  }
0x3be: {  	v33 =	vld [tilespmem:$0x1FED0];
	_ =	sdelay $0x2  }
0x3bf: {  	[tilespmem:v4+s23+$0x0] =	vst.idx.msk $0xffff, v3  }
0x3c0: {  	v4 =	vor.u32 v63, v1;
	v3 =	vld.idx.msk [tilespmem:v5+s17+$0x0], $0xffff  }
0x3c1: {  	v17 =	vld [tilespmem:$0x1FCE0];
	v5 =	vor.u32 v33, v2  }
0x3c2: {  	v18 =	vld [tilespmem:$0x1FCF0];
	_ =	sdelay $0x2  }
0x3c3: {  	[tilespmem:v4+s23+$0x0] =	vst.idx.msk $0xffff, v3  }
0x3c4: {  	v4 =	vor.u32 v17, v1;
	v3 =	vld.idx.msk [tilespmem:v5+s17+$0x0], $0xffff  }
0x3c5: {  	v24 =	vld [tilespmem:$0x1FD00];
	v5 =	vor.u32 v18, v2  }
0x3c6: {  	v38 =	vld [tilespmem:$0x1FD10];
	_ =	sdelay $0x2  }
0x3c7: {  	[tilespmem:v4+s23+$0x0] =	vst.idx.msk $0xffff, v3  }
0x3c8: {  	v4 =	vor.u32 v24, v1;
	v3 =	vld.idx.msk [tilespmem:v5+s17+$0x0], $0xffff  }
0x3c9: {  	v26 =	vld [tilespmem:$0x1FD20];
	v5 =	vor.u32 v38, v2  }
0x3ca: {  	v32 =	vld [tilespmem:$0x1FD30];
	_ =	sdelay $0x2  }
0x3cb: {  	[tilespmem:v4+s23+$0x0] =	vst.idx.msk $0xffff, v3  }
0x3cc: {  	v4 =	vor.u32 v26, v1;
	v3 =	vld.idx.msk [tilespmem:v5+s17+$0x0], $0xffff  }
0x3cd: {  	v27 =	vld [tilespmem:$0x1FD40];
	v5 =	vor.u32 v32, v2  }
0x3ce: {  	v28 =	vld [tilespmem:$0x1FD50];
	_ =	sdelay $0x2  }
0x3cf: {  	[tilespmem:v4+s23+$0x0] =	vst.idx.msk $0xffff, v3  }
0x3d0: {  	v4 =	vor.u32 v27, v1;
	v3 =	vld.idx.msk [tilespmem:v5+s17+$0x0], $0xffff  }
0x3d1: {  	v19 =	vld [tilespmem:$0x1FEE0];
	v5 =	vor.u32 v28, v2  }
0x3d2: {  	v20 =	vld [tilespmem:$0x1FEF0];
	_ =	sdelay $0x2  }
0x3d3: {  	[tilespmem:v4+s23+$0x0] =	vst.idx.msk $0xffff, v3  }
0x3d4: {  	v4 =	vor.u32 v19, v1;
	v3 =	vld.idx.msk [tilespmem:v5+s17+$0x0], $0xffff  }
0x3d5: {  	v21 =	vld [tilespmem:$0x1FF00];
	v5 =	vor.u32 v20, v2  }
0x3d6: {  	v22 =	vld [tilespmem:$0x1FF10];
	_ =	sdelay $0x2  }
0x3d7: {  	[tilespmem:v4+s23+$0x0] =	vst.idx.msk $0xffff, v3  }
0x3d8: {  	v4 =	vor.u32 v21, v1;
	v3 =	vld.idx.msk [tilespmem:v5+s17+$0x0], $0xffff  }
0x3d9: {  	v23 =	vld [tilespmem:$0x1FD60];
	v5 =	vor.u32 v22, v2  }
0x3da: {  	v29 =	vld [tilespmem:$0x1FD70];
	_ =	sdelay $0x2  }
0x3db: {  	[tilespmem:v4+s23+$0x0] =	vst.idx.msk $0xffff, v3  }
0x3dc: {  	v4 =	vor.u32 v23, v1;
	v3 =	vld.idx.msk [tilespmem:v5+s17+$0x0], $0xffff  }
0x3dd: {  	v30 =	vld [tilespmem:$0x1FD80];
	v5 =	vor.u32 v29, v2  }
0x3de: {  	v31 =	vld [tilespmem:$0x1FD90];
	_ =	sdelay $0x2  }
0x3df: {  	[tilespmem:v4+s23+$0x0] =	vst.idx.msk $0xffff, v3  }
0x3e0: {  	v4 =	vor.u32 v30, v1;
	v3 =	vld.idx.msk [tilespmem:v5+s17+$0x0], $0xffff  }
0x3e1: {  	v37 =	vld [tilespmem:$0x1FDA0];
	v5 =	vor.u32 v31, v2  }
0x3e2: {  	v42 =	vld [tilespmem:$0x1FDB0];
	_ =	sdelay $0x2  }
0x3e3: {  	[tilespmem:v4+s23+$0x0] =	vst.idx.msk $0xffff, v3  }
0x3e4: {  	v4 =	vor.u32 v37, v1;
	v3 =	vld.idx.msk [tilespmem:v5+s17+$0x0], $0xffff  }
0x3e5: {  	v47 =	vld [tilespmem:$0x1FDC0];
	v5 =	vor.u32 v42, v2  }
0x3e6: {  	v52 =	vld [tilespmem:$0x1FDD0];
	_ =	sdelay $0x2  }
0x3e7: {  	[tilespmem:v4+s23+$0x0] =	vst.idx.msk $0xffff, v3  }
0x3e8: {  	v4 =	vor.u32 v47, v1;
	v3 =	vld.idx.msk [tilespmem:v5+s17+$0x0], $0xffff  }
0x3e9: {  	v53 =	vld [tilespmem:$0x1FDE0];
	v5 =	vor.u32 v52, v2  }
0x3ea: {  	v8 =	vld [tilespmem:$0x1FDF0];
	_ =	sdelay $0x2  }
0x3eb: {  	[tilespmem:v4+s23+$0x0] =	vst.idx.msk $0xffff, v3  }
0x3ec: {  	v4 =	vor.u32 v53, v1;
	v3 =	vld.idx.msk [tilespmem:v5+s17+$0x0], $0xffff  }
0x3ed: {  	v34 =	vld [tilespmem:$0x1FE00];
	v5 =	vor.u32 v8, v2  }
0x3ee: {  	v54 =	vld [tilespmem:$0x1FE10];
	_ =	sdelay $0x2  }
0x3ef: {  	[tilespmem:v4+s23+$0x0] =	vst.idx.msk $0xffff, v3  }
0x3f0: {  	v4 =	vor.u32 v34, v1;
	v3 =	vld.idx.msk [tilespmem:v5+s17+$0x0], $0xffff  }
0x3f1: {  	v55 =	vld [tilespmem:$0x1FE20];
	v5 =	vor.u32 v54, v2  }
0x3f2: {  	v56 =	vld [tilespmem:$0x1FE30];
	_ =	sdelay $0x2  }
0x3f3: {  	[tilespmem:v4+s23+$0x0] =	vst.idx.msk $0xffff, v3  }
0x3f4: {  	v4 =	vor.u32 v55, v1;
	v3 =	vld.idx.msk [tilespmem:v5+s17+$0x0], $0xffff  }
0x3f5: {  	v14 =	vld [tilespmem:$0x1FE40];
	v5 =	vor.u32 v56, v2;
	_ =	sdelay $0x3  }
0x3f6: {  	[tilespmem:v4+s23+$0x0] =	vst.idx.msk $0xffff, v3  }
0x3f7: {  	v4 =	vor.u32 v14, v1;
	v3 =	vld.idx.msk [tilespmem:v5+s17+$0x0], $0xffff  }
0x3f8: {  	v43 =	vld [tilespmem:$0x1FC90];
	v5 =	vor.u32 v15, v2;
	_ =	sdelay $0x3  }
0x3f9: {  	[tilespmem:v4+s23+$0x0] =	vst.idx.msk $0xffff, v3  }
0x3fa: {  	v4 =	vor.u32 v43, v1;
	v3 =	vld.idx.msk [tilespmem:v5+s17+$0x0], $0xffff  }
0x3fb: {  	v58 =	vld [tilespmem:$0x1FE50];
	v5 =	vor.u32 v25, v2  }
0x3fc: {  	v57 =	vld [tilespmem:$0x1FE80];
	_ =	sdelay $0x2  }
0x3fd: {  	[tilespmem:v4+s23+$0x0] =	vst.idx.msk $0xffff, v3  }
0x3fe: {  	v4 =	vor.u32 v58, v1;
	v3 =	vld.idx.msk [tilespmem:v5+s17+$0x0], $0xffff  }
0x3ff: {  	v59 =	vld [tilespmem:$0x1FE60];
	v5 =	vor.u32 v57, v2;
	_ =	sdelay $0x3  }
0x400: {  	[tilespmem:v4+s23+$0x0] =	vst.idx.msk $0xffff, v3  }
0x401: {  	v4 =	vor.u32 v59, v1;
	v3 =	vld.idx.msk [tilespmem:v5+s17+$0x0], $0xffff  }
0x402: {  	v60 =	vld [tilespmem:$0x1FE70];
	v5 =	vor.u32 v10, v2;
	_ =	sdelay $0x3  }
0x403: {  	[tilespmem:v4+s23+$0x0] =	vst.idx.msk $0xffff, v3  }
0x404: {  	v4 =	vor.u32 v60, v1;
	v3 =	vld.idx.msk [tilespmem:v5+s17+$0x0], $0xffff  }
0x405: {  	v61 =	vld [tilespmem:$0x1FF20];
	v5 =	vor.u32 v13, v2;
	_ =	sdelay $0x3  }
0x406: {  	[tilespmem:v4+s23+$0x0] =	vst.idx.msk $0xffff, v3  }
0x407: {  	v4 =	vor.u32 v61, v1;
	v3 =	vld.idx.msk [tilespmem:v5+s17+$0x0], $0xffff  }
0x408: {  	v62 =	vld [tilespmem:$0x1FF30];
	v5 =	vor.u32 v44, v2;
	_ =	sdelay $0x3  }
0x409: {  	[tilespmem:v4+s23+$0x0] =	vst.idx.msk $0xffff, v3  }
0x40a: {  	v4 =	vor.u32 v62, v1;
	v3 =	vld.idx.msk [tilespmem:v5+s17+$0x0], $0xffff  }
0x40b: {  	v25 =	vld [tilespmem:$0x1FF40];
	v5 =	vor.u32 v45, v2;
	_ =	sdelay $0x3  }
0x40c: {  	[tilespmem:v4+s23+$0x0] =	vst.idx.msk $0xffff, v3  }
0x40d: {  	v4 =	vor.u32 v25, v1;
	v3 =	vld.idx.msk [tilespmem:v5+s17+$0x0], $0xffff  }
0x40e: {  	v39 =	vld [tilespmem:$0x1FF50];
	v5 =	vor.u32 v46, v2;
	_ =	sdelay $0x3  }
0x40f: {  	[tilespmem:v4+s23+$0x0] =	vst.idx.msk $0xffff, v3  }
0x410: {  	v4 =	vor.u32 v39, v1;
	v3 =	vld.idx.msk [tilespmem:v5+s17+$0x0], $0xffff  }
0x411: {  	v40 =	vld [tilespmem:$0x1FF60];
	v5 =	vor.u32 v48, v2;
	_ =	sdelay $0x3  }
0x412: {  	[tilespmem:v4+s23+$0x0] =	vst.idx.msk $0xffff, v3  }
0x413: {  	v4 =	vor.u32 v40, v1;
	v3 =	vld.idx.msk [tilespmem:v5+s17+$0x0], $0xffff  }
0x414: {  	v41 =	vld [tilespmem:$0x1FF70];
	v5 =	vor.u32 v49, v2;
	_ =	sdelay $0x3  }
0x415: {  	[tilespmem:v4+s23+$0x0] =	vst.idx.msk $0xffff, v3  }
0x416: {  	v4 =	vor.u32 v41, v1;
	v3 =	vld.idx.msk [tilespmem:v5+s17+$0x0], $0xffff  }
0x417: {  	v11 =	vld [tilespmem:$0x1FF80];
	v5 =	vor.u32 v50, v2;
	_ =	sdelay $0x3  }
0x418: {  	[tilespmem:v4+s23+$0x0] =	vst.idx.msk $0xffff, v3  }
0x419: {  	v4 =	vor.u32 v11, v1;
	v3 =	vld.idx.msk [tilespmem:v5+s17+$0x0], $0xffff  }
0x41a: {  	v10 =	vld [tilespmem:$0x1FF90];
	v5 =	vor.u32 v51, v2;
	_ =	sdelay $0x3  }
0x41b: {  	[tilespmem:v4+s23+$0x0] =	vst.idx.msk $0xffff, v3  }
0x41c: {  	v4 =	vor.u32 v10, v1;
	v3 =	vld.idx.msk [tilespmem:v5+s17+$0x0], $0xffff  }
0x41d: {  	v12 =	vld [tilespmem:$0x1FFA0];
	v5 =	vor.u32 v9, v2;
	_ =	sdelay $0x3  }
0x41e: {  	[tilespmem:v4+s23+$0x0] =	vst.idx.msk $0xffff, v3  }
0x41f: {  	v4 =	vor.u32 v12, v1;
	v3 =	vld.idx.msk [tilespmem:v5+s17+$0x0], $0xffff  }
0x420: {  	v35 =	vmov v13;
	v13 =	vld [tilespmem:$0x1FFB0];
	v5 =	vor.u32 v36, v2;
	_ =	sdelay $0x3  }
0x421: {  	[tilespmem:v4+s23+$0x0] =	vst.idx.msk $0xffff, v3  }
0x422: {  	v4 =	vor.u32 v13, v1;
	v3 =	vld.idx.msk [tilespmem:v5+s17+$0x0], $0xffff  }
0x423: {  	v5 =	vor.u32 v16, v2;
	_ =	sdelay $0x3  }
0x424: {  	[tilespmem:v4+s23+$0x0] =	vst.idx.msk $0xffff, v3;
	v4 =	vld [tilespmem:$0x1FFC0]  }
0x425: {  	v3 =	vld.idx.msk [tilespmem:v5+s17+$0x0], $0xffff  }
0x426: {  	v5 =	vld [tilespmem:$0x1FB80];
	_ =	sdelay $0x3  }
0x427: {  	v4 =	vor.u32 v4, v1  }
0x428: {  	v2 =	vor.u32 v5, v2;
	_ =	sdelay $0x3  }
0x429: {  	[tilespmem:v4+s23+$0x0] =	vst.idx.msk $0xffff, v3  }
0x42a: {  	v4 =	vld.idx.msk [tilespmem:v2+s17+$0x0], $0xffff  }
0x42b: {  	v2 =	vld [tilespmem:$0x1FFD0];
	_ =	sdelay $0x1  }
0x42c: {  	s29 =	simm.s32 $0x1  }
0x42d: {  	v5 =	vmov s29  }
0x42e: {  	v3 =	vshll.u32 v5, $0x5  }
0x42f: {  	v1 =	vor.u32 v2, v1;
	v2 =	vadd.s32 v7, v3;
	v3 =	vlaneseq.u32  }
0x430: {  	v3 =	vor.u32 v3, v2;
	_ =	sdelay $0x3  }
0x431: {  	[tilespmem:v1+s23+$0x0] =	vst.idx.msk $0xffff, v4;
	v1 =	vshll.u32 v5, $0x9  }
0x432: {  	v3 =	vld.idx.msk [tilespmem:v3+s17+$0x0], $0xffff;
	v4 =	vor.u32 v6, v1  }
0x433: {  	v5 =	vor.u32 v0, v2;
	_ =	sdelay $0x3  }
0x434: {  	[tilespmem:v4+s23+$0x0] =	vst.idx.msk $0xffff, v3  }
0x435: {  	v4 =	vor.u32 v63, v1;
	v3 =	vld.idx.msk [tilespmem:v5+s17+$0x0], $0xffff  }
0x436: {  	v5 =	vor.u32 v33, v2;
	_ =	sdelay $0x3  }
0x437: {  	[tilespmem:v4+s23+$0x0] =	vst.idx.msk $0xffff, v3  }
0x438: {  	v4 =	vor.u32 v17, v1;
	v3 =	vld.idx.msk [tilespmem:v5+s17+$0x0], $0xffff  }
0x439: {  	v5 =	vor.u32 v18, v2;
	_ =	sdelay $0x3  }
0x43a: {  	[tilespmem:v4+s23+$0x0] =	vst.idx.msk $0xffff, v3  }
0x43b: {  	v4 =	vor.u32 v24, v1;
	v3 =	vld.idx.msk [tilespmem:v5+s17+$0x0], $0xffff  }
0x43c: {  	v5 =	vor.u32 v38, v2;
	_ =	sdelay $0x3  }
0x43d: {  	[tilespmem:v4+s23+$0x0] =	vst.idx.msk $0xffff, v3  }
0x43e: {  	v4 =	vor.u32 v26, v1;
	v3 =	vld.idx.msk [tilespmem:v5+s17+$0x0], $0xffff  }
0x43f: {  	v5 =	vor.u32 v32, v2;
	_ =	sdelay $0x3  }
0x440: {  	[tilespmem:v4+s23+$0x0] =	vst.idx.msk $0xffff, v3  }
0x441: {  	v4 =	vor.u32 v27, v1;
	v3 =	vld.idx.msk [tilespmem:v5+s17+$0x0], $0xffff  }
0x442: {  	v5 =	vor.u32 v28, v2;
	_ =	sdelay $0x3  }
0x443: {  	[tilespmem:v4+s23+$0x0] =	vst.idx.msk $0xffff, v3  }
0x444: {  	v4 =	vor.u32 v19, v1;
	v3 =	vld.idx.msk [tilespmem:v5+s17+$0x0], $0xffff  }
0x445: {  	v5 =	vor.u32 v20, v2;
	_ =	sdelay $0x3  }
0x446: {  	[tilespmem:v4+s23+$0x0] =	vst.idx.msk $0xffff, v3  }
0x447: {  	v4 =	vor.u32 v21, v1;
	v3 =	vld.idx.msk [tilespmem:v5+s17+$0x0], $0xffff  }
0x448: {  	v5 =	vor.u32 v22, v2;
	_ =	sdelay $0x3  }
0x449: {  	[tilespmem:v4+s23+$0x0] =	vst.idx.msk $0xffff, v3  }
0x44a: {  	v4 =	vor.u32 v23, v1;
	v3 =	vld.idx.msk [tilespmem:v5+s17+$0x0], $0xffff  }
0x44b: {  	v5 =	vor.u32 v29, v2;
	_ =	sdelay $0x3  }
0x44c: {  	[tilespmem:v4+s23+$0x0] =	vst.idx.msk $0xffff, v3  }
0x44d: {  	v4 =	vor.u32 v30, v1;
	v3 =	vld.idx.msk [tilespmem:v5+s17+$0x0], $0xffff  }
0x44e: {  	v5 =	vor.u32 v31, v2;
	_ =	sdelay $0x3  }
0x44f: {  	[tilespmem:v4+s23+$0x0] =	vst.idx.msk $0xffff, v3  }
0x450: {  	v4 =	vor.u32 v37, v1;
	v3 =	vld.idx.msk [tilespmem:v5+s17+$0x0], $0xffff  }
0x451: {  	v5 =	vor.u32 v42, v2;
	_ =	sdelay $0x3  }
0x452: {  	[tilespmem:v4+s23+$0x0] =	vst.idx.msk $0xffff, v3  }
0x453: {  	v4 =	vor.u32 v47, v1;
	v3 =	vld.idx.msk [tilespmem:v5+s17+$0x0], $0xffff  }
0x454: {  	v5 =	vor.u32 v52, v2;
	_ =	sdelay $0x3  }
0x455: {  	[tilespmem:v4+s23+$0x0] =	vst.idx.msk $0xffff, v3  }
0x456: {  	v4 =	vor.u32 v53, v1;
	v3 =	vld.idx.msk [tilespmem:v5+s17+$0x0], $0xffff  }
0x457: {  	v5 =	vor.u32 v8, v2;
	_ =	sdelay $0x3  }
0x458: {  	[tilespmem:v4+s23+$0x0] =	vst.idx.msk $0xffff, v3  }
0x459: {  	v4 =	vor.u32 v34, v1;
	v3 =	vld.idx.msk [tilespmem:v5+s17+$0x0], $0xffff  }
0x45a: {  	v5 =	vor.u32 v54, v2;
	_ =	sdelay $0x3  }
0x45b: {  	[tilespmem:v4+s23+$0x0] =	vst.idx.msk $0xffff, v3  }
0x45c: {  	v4 =	vor.u32 v55, v1;
	v3 =	vld.idx.msk [tilespmem:v5+s17+$0x0], $0xffff  }
0x45d: {  	v5 =	vor.u32 v56, v2;
	_ =	sdelay $0x3  }
0x45e: {  	[tilespmem:v4+s23+$0x0] =	vst.idx.msk $0xffff, v3  }
0x45f: {  	v4 =	vor.u32 v14, v1;
	v3 =	vld.idx.msk [tilespmem:v5+s17+$0x0], $0xffff  }
0x460: {  	v5 =	vor.u32 v15, v2  }
0x461: {  	v0 =	vld [tilespmem:$0x1FFE0];
	_ =	sdelay $0x2  }
0x462: {  	[tilespmem:v4+s23+$0x0] =	vst.idx.msk $0xffff, v3  }
0x463: {  	v4 =	vor.u32 v43, v1;
	v3 =	vld.idx.msk [tilespmem:v5+s17+$0x0], $0xffff  }
0x464: {  	v5 =	vor.u32 v0, v2;
	_ =	sdelay $0x3  }
0x465: {  	[tilespmem:v4+s23+$0x0] =	vst.idx.msk $0xffff, v3  }
0x466: {  	v4 =	vor.u32 v58, v1;
	v3 =	vld.idx.msk [tilespmem:v5+s17+$0x0], $0xffff  }
0x467: {  	v5 =	vor.u32 v57, v2  }
0x468: {  	v0 =	vld [tilespmem:$0x1FAC0];
	_ =	sdelay $0x2  }
0x469: {  	[tilespmem:v4+s23+$0x0] =	vst.idx.msk $0xffff, v3  }
0x46a: {  	v4 =	vor.u32 v59, v1;
	v3 =	vld.idx.msk [tilespmem:v5+s17+$0x0], $0xffff  }
0x46b: {  	v5 =	vor.u32 v0, v2;
	_ =	sdelay $0x3  }
0x46c: {  	[tilespmem:v4+s23+$0x0] =	vst.idx.msk $0xffff, v3  }
0x46d: {  	v4 =	vor.u32 v60, v1;
	v3 =	vld.idx.msk [tilespmem:v5+s17+$0x0], $0xffff  }
0x46e: {  	v5 =	vor.u32 v35, v2;
	_ =	sdelay $0x3  }
0x46f: {  	[tilespmem:v4+s23+$0x0] =	vst.idx.msk $0xffff, v3  }
0x470: {  	v4 =	vor.u32 v61, v1;
	v3 =	vld.idx.msk [tilespmem:v5+s17+$0x0], $0xffff  }
0x471: {  	v5 =	vor.u32 v44, v2;
	_ =	sdelay $0x3  }
0x472: {  	[tilespmem:v4+s23+$0x0] =	vst.idx.msk $0xffff, v3  }
0x473: {  	v4 =	vor.u32 v62, v1;
	v3 =	vld.idx.msk [tilespmem:v5+s17+$0x0], $0xffff  }
0x474: {  	v5 =	vor.u32 v45, v2;
	_ =	sdelay $0x3  }
0x475: {  	[tilespmem:v4+s23+$0x0] =	vst.idx.msk $0xffff, v3  }
0x476: {  	v4 =	vor.u32 v25, v1;
	v3 =	vld.idx.msk [tilespmem:v5+s17+$0x0], $0xffff  }
0x477: {  	v5 =	vor.u32 v46, v2;
	_ =	sdelay $0x3  }
0x478: {  	[tilespmem:v4+s23+$0x0] =	vst.idx.msk $0xffff, v3  }
0x479: {  	v4 =	vor.u32 v39, v1;
	v3 =	vld.idx.msk [tilespmem:v5+s17+$0x0], $0xffff  }
0x47a: {  	v5 =	vor.u32 v48, v2;
	_ =	sdelay $0x3  }
0x47b: {  	[tilespmem:v4+s23+$0x0] =	vst.idx.msk $0xffff, v3  }
0x47c: {  	v4 =	vor.u32 v40, v1;
	v3 =	vld.idx.msk [tilespmem:v5+s17+$0x0], $0xffff  }
0x47d: {  	v5 =	vor.u32 v49, v2;
	_ =	sdelay $0x3  }
0x47e: {  	[tilespmem:v4+s23+$0x0] =	vst.idx.msk $0xffff, v3  }
0x47f: {  	v4 =	vor.u32 v41, v1;
	v3 =	vld.idx.msk [tilespmem:v5+s17+$0x0], $0xffff  }
0x480: {  	v5 =	vor.u32 v50, v2;
	_ =	sdelay $0x3  }
0x481: {  	[tilespmem:v4+s23+$0x0] =	vst.idx.msk $0xffff, v3  }
0x482: {  	v4 =	vor.u32 v11, v1;
	v3 =	vld.idx.msk [tilespmem:v5+s17+$0x0], $0xffff  }
0x483: {  	v5 =	vor.u32 v51, v2;
	_ =	sdelay $0x3  }
0x484: {  	[tilespmem:v4+s23+$0x0] =	vst.idx.msk $0xffff, v3  }
0x485: {  	v4 =	vor.u32 v10, v1;
	v3 =	vld.idx.msk [tilespmem:v5+s17+$0x0], $0xffff  }
0x486: {  	v5 =	vor.u32 v9, v2;
	_ =	sdelay $0x3  }
0x487: {  	[tilespmem:v4+s23+$0x0] =	vst.idx.msk $0xffff, v3  }
0x488: {  	v4 =	vor.u32 v12, v1;
	v3 =	vld.idx.msk [tilespmem:v5+s17+$0x0], $0xffff  }
0x489: {  	v5 =	vor.u32 v36, v2;
	_ =	sdelay $0x3  }
0x48a: {  	v0 =	vld [tilespmem:$0x1FFC0];
	[tilespmem:v4+s23+$0x0] =	vst.idx.msk $0xffff, v3  }
0x48b: {  	v4 =	vor.u32 v13, v1;
	v3 =	vld.idx.msk [tilespmem:v5+s17+$0x0], $0xffff;
	_ =	sdelay $0x4  }
0x48c: {  	v5 =	vor.u32 v16, v2;
	[tilespmem:v4+s23+$0x0] =	vst.idx.msk $0xffff, v3;
	v4 =	vor.u32 v0, v1;
	v0 =	vld [tilespmem:$0x1FB80];
	_ =	sdelay $0x4  }
0x48d: {  	s31 =	simm.s32 $0x2;
	s30 =	simm.s32 $0x5;
	s29 =	simm.s32 $0x3;
	v3 =	vld.idx.msk [tilespmem:v5+s17+$0x0], $0xffff;
	v2 =	vor.u32 v0, v2  }
.LBB2_9:
0x48e: {  	v0 =	vld [tilespmem:$0x1FE90]  }
0x48f: {  	v16 =	vld [tilespmem:$0x1FFD0];
	_ =	sdelay $0x2  }
0x490: {  	v5 =	vmov s31  }
0x491: {  	[tilespmem:v4+s23+$0x0] =	vst.idx.msk $0xffff, v3;
	v3 =	vshll.u32 v5, $0x5  }
0x492: {  	v4 =	vld.idx.msk [tilespmem:v2+s17+$0x0], $0xffff;
	v2 =	vadd.s32 v0, v3;
	v1 =	vor.u32 v16, v1;
	v0 =	vlaneseq.u32  }
0x493: {  	v3 =	vor.u32 v0, v2;
	v0 =	vld [tilespmem:$0x1FEA0];
	_ =	sdelay $0x3  }
0x494: {  	[tilespmem:v1+s23+$0x0] =	vst.idx.msk $0xffff, v4;
	v1 =	vshll.u32 v5, $0x9  }
0x495: {  	v4 =	vor.u32 v0, v1;
	v0 =	vld [tilespmem:$0x1FEB0];
	_ =	sdelay $0x3  }
0x496: {  	v3 =	vld.idx.msk [tilespmem:v3+s17+$0x0], $0xffff  }
0x497: {  	v33 =	vld [tilespmem:$0x1FEC0];
	v5 =	vor.u32 v0, v2  }
0x498: {  	v0 =	vld [tilespmem:$0x1FED0];
	_ =	sdelay $0x2  }
0x499: {  	[tilespmem:v4+s23+$0x0] =	vst.idx.msk $0xffff, v3  }
0x49a: {  	v4 =	vor.u32 v33, v1;
	v3 =	vld.idx.msk [tilespmem:v5+s17+$0x0], $0xffff  }
0x49b: {  	v17 =	vld [tilespmem:$0x1FCE0];
	v5 =	vor.u32 v0, v2  }
0x49c: {  	v18 =	vld [tilespmem:$0x1FCF0];
	_ =	sdelay $0x2  }
0x49d: {  	[tilespmem:v4+s23+$0x0] =	vst.idx.msk $0xffff, v3  }
0x49e: {  	v4 =	vor.u32 v17, v1;
	v3 =	vld.idx.msk [tilespmem:v5+s17+$0x0], $0xffff  }
0x49f: {  	v24 =	vld [tilespmem:$0x1FD00];
	v5 =	vor.u32 v18, v2  }
0x4a0: {  	v38 =	vld [tilespmem:$0x1FD10];
	_ =	sdelay $0x2  }
0x4a1: {  	[tilespmem:v4+s23+$0x0] =	vst.idx.msk $0xffff, v3  }
0x4a2: {  	v4 =	vor.u32 v24, v1;
	v3 =	vld.idx.msk [tilespmem:v5+s17+$0x0], $0xffff  }
0x4a3: {  	v26 =	vld [tilespmem:$0x1FD20];
	v5 =	vor.u32 v38, v2  }
0x4a4: {  	v35 =	vld [tilespmem:$0x1FD30];
	_ =	sdelay $0x2  }
0x4a5: {  	[tilespmem:v4+s23+$0x0] =	vst.idx.msk $0xffff, v3  }
0x4a6: {  	v4 =	vor.u32 v26, v1;
	v3 =	vld.idx.msk [tilespmem:v5+s17+$0x0], $0xffff  }
0x4a7: {  	v27 =	vld [tilespmem:$0x1FD40];
	v5 =	vor.u32 v35, v2  }
0x4a8: {  	v28 =	vld [tilespmem:$0x1FD50];
	_ =	sdelay $0x2  }
0x4a9: {  	[tilespmem:v4+s23+$0x0] =	vst.idx.msk $0xffff, v3  }
0x4aa: {  	v4 =	vor.u32 v27, v1;
	v3 =	vld.idx.msk [tilespmem:v5+s17+$0x0], $0xffff  }
0x4ab: {  	v20 =	vld [tilespmem:$0x1FEE0];
	v5 =	vor.u32 v28, v2  }
0x4ac: {  	v21 =	vld [tilespmem:$0x1FEF0];
	_ =	sdelay $0x2  }
0x4ad: {  	[tilespmem:v4+s23+$0x0] =	vst.idx.msk $0xffff, v3  }
0x4ae: {  	v4 =	vor.u32 v20, v1;
	v3 =	vld.idx.msk [tilespmem:v5+s17+$0x0], $0xffff  }
0x4af: {  	v22 =	vld [tilespmem:$0x1FF00];
	v5 =	vor.u32 v21, v2  }
0x4b0: {  	v23 =	vld [tilespmem:$0x1FF10];
	_ =	sdelay $0x2  }
0x4b1: {  	[tilespmem:v4+s23+$0x0] =	vst.idx.msk $0xffff, v3  }
0x4b2: {  	v4 =	vor.u32 v22, v1;
	v3 =	vld.idx.msk [tilespmem:v5+s17+$0x0], $0xffff  }
0x4b3: {  	v32 =	vld [tilespmem:$0x1FD60];
	v5 =	vor.u32 v23, v2  }
0x4b4: {  	v29 =	vld [tilespmem:$0x1FD70];
	_ =	sdelay $0x2  }
0x4b5: {  	[tilespmem:v4+s23+$0x0] =	vst.idx.msk $0xffff, v3  }
0x4b6: {  	v4 =	vor.u32 v32, v1;
	v3 =	vld.idx.msk [tilespmem:v5+s17+$0x0], $0xffff  }
0x4b7: {  	v30 =	vld [tilespmem:$0x1FD80];
	v5 =	vor.u32 v29, v2  }
0x4b8: {  	v31 =	vld [tilespmem:$0x1FD90];
	_ =	sdelay $0x2  }
0x4b9: {  	[tilespmem:v4+s23+$0x0] =	vst.idx.msk $0xffff, v3  }
0x4ba: {  	v4 =	vor.u32 v30, v1;
	v3 =	vld.idx.msk [tilespmem:v5+s17+$0x0], $0xffff  }
0x4bb: {  	v37 =	vld [tilespmem:$0x1FDA0];
	v5 =	vor.u32 v31, v2  }
0x4bc: {  	v42 =	vld [tilespmem:$0x1FDB0];
	_ =	sdelay $0x2  }
0x4bd: {  	[tilespmem:v4+s23+$0x0] =	vst.idx.msk $0xffff, v3  }
0x4be: {  	v4 =	vor.u32 v37, v1;
	v3 =	vld.idx.msk [tilespmem:v5+s17+$0x0], $0xffff  }
0x4bf: {  	v47 =	vld [tilespmem:$0x1FDC0];
	v5 =	vor.u32 v42, v2  }
0x4c0: {  	v52 =	vld [tilespmem:$0x1FDD0];
	_ =	sdelay $0x2  }
0x4c1: {  	[tilespmem:v4+s23+$0x0] =	vst.idx.msk $0xffff, v3  }
0x4c2: {  	v4 =	vor.u32 v47, v1;
	v3 =	vld.idx.msk [tilespmem:v5+s17+$0x0], $0xffff  }
0x4c3: {  	v53 =	vld [tilespmem:$0x1FDE0];
	v5 =	vor.u32 v52, v2  }
0x4c4: {  	v6 =	vld [tilespmem:$0x1FDF0];
	_ =	sdelay $0x2  }
0x4c5: {  	[tilespmem:v4+s23+$0x0] =	vst.idx.msk $0xffff, v3  }
0x4c6: {  	v4 =	vor.u32 v53, v1;
	v3 =	vld.idx.msk [tilespmem:v5+s17+$0x0], $0xffff  }
0x4c7: {  	v34 =	vld [tilespmem:$0x1FE00];
	v5 =	vor.u32 v6, v2  }
0x4c8: {  	v54 =	vld [tilespmem:$0x1FE10];
	_ =	sdelay $0x2  }
0x4c9: {  	[tilespmem:v4+s23+$0x0] =	vst.idx.msk $0xffff, v3  }
0x4ca: {  	v4 =	vor.u32 v34, v1;
	v3 =	vld.idx.msk [tilespmem:v5+s17+$0x0], $0xffff  }
0x4cb: {  	v55 =	vld [tilespmem:$0x1FE20];
	v5 =	vor.u32 v54, v2  }
0x4cc: {  	v56 =	vld [tilespmem:$0x1FE30];
	_ =	sdelay $0x2  }
0x4cd: {  	[tilespmem:v4+s23+$0x0] =	vst.idx.msk $0xffff, v3  }
0x4ce: {  	v4 =	vor.u32 v55, v1;
	v3 =	vld.idx.msk [tilespmem:v5+s17+$0x0], $0xffff  }
0x4cf: {  	v14 =	vld [tilespmem:$0x1FE40];
	v5 =	vor.u32 v56, v2  }
0x4d0: {  	v57 =	vld [tilespmem:$0x1FFF0];
	_ =	sdelay $0x2  }
0x4d1: {  	[tilespmem:v4+s23+$0x0] =	vst.idx.msk $0xffff, v3  }
0x4d2: {  	v4 =	vor.u32 v14, v1;
	v3 =	vld.idx.msk [tilespmem:v5+s17+$0x0], $0xffff  }
0x4d3: {  	v44 =	vld [tilespmem:$0x1FC90];
	v5 =	vor.u32 v57, v2  }
0x4d4: {  	v15 =	vld [tilespmem:$0x1FFE0];
	_ =	sdelay $0x2  }
0x4d5: {  	[tilespmem:v4+s23+$0x0] =	vst.idx.msk $0xffff, v3  }
0x4d6: {  	v4 =	vor.u32 v44, v1;
	v3 =	vld.idx.msk [tilespmem:v5+s17+$0x0], $0xffff  }
0x4d7: {  	v59 =	vld [tilespmem:$0x1FE50];
	v5 =	vor.u32 v15, v2  }
0x4d8: {  	v58 =	vld [tilespmem:$0x1FE80];
	_ =	sdelay $0x2  }
0x4d9: {  	[tilespmem:v4+s23+$0x0] =	vst.idx.msk $0xffff, v3  }
0x4da: {  	v4 =	vor.u32 v59, v1;
	v3 =	vld.idx.msk [tilespmem:v5+s17+$0x0], $0xffff  }
0x4db: {  	v60 =	vld [tilespmem:$0x1FE60];
	v5 =	vor.u32 v58, v2  }
0x4dc: {  	v0 =	vld [tilespmem:$0x1FAC0];
	_ =	sdelay $0x2  }
0x4dd: {  	[tilespmem:v4+s23+$0x0] =	vst.idx.msk $0xffff, v3  }
0x4de: {  	v4 =	vor.u32 v60, v1;
	v3 =	vld.idx.msk [tilespmem:v5+s17+$0x0], $0xffff  }
0x4df: {  	v61 =	vld [tilespmem:$0x1FE70];
	v5 =	vor.u32 v0, v2  }
0x4e0: {  	v43 =	vld [tilespmem:$0x1FAD0];
	_ =	sdelay $0x2  }
0x4e1: {  	[tilespmem:v4+s23+$0x0] =	vst.idx.msk $0xffff, v3  }
0x4e2: {  	v4 =	vor.u32 v61, v1;
	v3 =	vld.idx.msk [tilespmem:v5+s17+$0x0], $0xffff  }
0x4e3: {  	v62 =	vld [tilespmem:$0x1FF20];
	v5 =	vor.u32 v43, v2  }
0x4e4: {  	v45 =	vld [tilespmem:$0x1FAE0];
	_ =	sdelay $0x2  }
0x4e5: {  	[tilespmem:v4+s23+$0x0] =	vst.idx.msk $0xffff, v3  }
0x4e6: {  	v4 =	vor.u32 v62, v1;
	v3 =	vld.idx.msk [tilespmem:v5+s17+$0x0], $0xffff  }
0x4e7: {  	v63 =	vld [tilespmem:$0x1FF30];
	v5 =	vor.u32 v45, v2  }
0x4e8: {  	v46 =	vld [tilespmem:$0x1FAF0];
	_ =	sdelay $0x2  }
0x4e9: {  	[tilespmem:v4+s23+$0x0] =	vst.idx.msk $0xffff, v3  }
0x4ea: {  	v4 =	vor.u32 v63, v1;
	v3 =	vld.idx.msk [tilespmem:v5+s17+$0x0], $0xffff  }
0x4eb: {  	v25 =	vld [tilespmem:$0x1FF40];
	v5 =	vor.u32 v46, v2  }
0x4ec: {  	v48 =	vld [tilespmem:$0x1FB00];
	_ =	sdelay $0x2  }
0x4ed: {  	[tilespmem:v4+s23+$0x0] =	vst.idx.msk $0xffff, v3  }
0x4ee: {  	v4 =	vor.u32 v25, v1;
	v3 =	vld.idx.msk [tilespmem:v5+s17+$0x0], $0xffff  }
0x4ef: {  	v39 =	vld [tilespmem:$0x1FF50];
	v5 =	vor.u32 v48, v2  }
0x4f0: {  	v49 =	vld [tilespmem:$0x1FB10];
	_ =	sdelay $0x2  }
0x4f1: {  	[tilespmem:v4+s23+$0x0] =	vst.idx.msk $0xffff, v3  }
0x4f2: {  	v4 =	vor.u32 v39, v1;
	v3 =	vld.idx.msk [tilespmem:v5+s17+$0x0], $0xffff  }
0x4f3: {  	v40 =	vld [tilespmem:$0x1FF60];
	v5 =	vor.u32 v49, v2  }
0x4f4: {  	v50 =	vld [tilespmem:$0x1FB20];
	_ =	sdelay $0x2  }
0x4f5: {  	[tilespmem:v4+s23+$0x0] =	vst.idx.msk $0xffff, v3  }
0x4f6: {  	v4 =	vor.u32 v40, v1;
	v3 =	vld.idx.msk [tilespmem:v5+s17+$0x0], $0xffff  }
0x4f7: {  	v41 =	vld [tilespmem:$0x1FF70];
	v5 =	vor.u32 v50, v2  }
0x4f8: {  	v51 =	vld [tilespmem:$0x1FB30];
	_ =	sdelay $0x2  }
0x4f9: {  	[tilespmem:v4+s23+$0x0] =	vst.idx.msk $0xffff, v3  }
0x4fa: {  	v4 =	vor.u32 v41, v1;
	v3 =	vld.idx.msk [tilespmem:v5+s17+$0x0], $0xffff  }
0x4fb: {  	v11 =	vld [tilespmem:$0x1FF80];
	v5 =	vor.u32 v51, v2  }
0x4fc: {  	v0 =	vld [tilespmem:$0x1FB40];
	_ =	sdelay $0x2  }
0x4fd: {  	[tilespmem:v4+s23+$0x0] =	vst.idx.msk $0xffff, v3  }
0x4fe: {  	v4 =	vor.u32 v11, v1;
	v3 =	vld.idx.msk [tilespmem:v5+s17+$0x0], $0xffff  }
0x4ff: {  	v7 =	vld [tilespmem:$0x1FF90];
	v5 =	vor.u32 v0, v2  }
0x500: {  	v36 =	vld [tilespmem:$0x1FB50];
	_ =	sdelay $0x2  }
0x501: {  	[tilespmem:v4+s23+$0x0] =	vst.idx.msk $0xffff, v3  }
0x502: {  	v4 =	vor.u32 v7, v1;
	v3 =	vld.idx.msk [tilespmem:v5+s17+$0x0], $0xffff  }
0x503: {  	v8 =	vld [tilespmem:$0x1FFA0];
	v5 =	vor.u32 v36, v2  }
0x504: {  	v12 =	vld [tilespmem:$0x1FB60];
	_ =	sdelay $0x2  }
0x505: {  	[tilespmem:v4+s23+$0x0] =	vst.idx.msk $0xffff, v3  }
0x506: {  	v4 =	vor.u32 v8, v1;
	v3 =	vld.idx.msk [tilespmem:v5+s17+$0x0], $0xffff  }
0x507: {  	v9 =	vld [tilespmem:$0x1FFB0];
	v5 =	vor.u32 v12, v2  }
0x508: {  	v13 =	vld [tilespmem:$0x1FB70];
	_ =	sdelay $0x2  }
0x509: {  	[tilespmem:v4+s23+$0x0] =	vst.idx.msk $0xffff, v3  }
0x50a: {  	v4 =	vor.u32 v9, v1;
	v3 =	vld.idx.msk [tilespmem:v5+s17+$0x0], $0xffff  }
0x50b: {  	v10 =	vld [tilespmem:$0x1FFC0];
	v5 =	vor.u32 v13, v2  }
0x50c: {  	v19 =	vld [tilespmem:$0x1FB80];
	_ =	sdelay $0x2  }
0x50d: {  	[tilespmem:v4+s23+$0x0] =	vst.idx.msk $0xffff, v3  }
0x50e: {  	v4 =	vor.u32 v10, v1;
	v3 =	vld.idx.msk [tilespmem:v5+s17+$0x0], $0xffff  }
0x50f: {  	v2 =	vor.u32 v19, v2  }
0x510: {  	v5 =	vld [tilespmem:$0x1FE90];
	_ =	sdelay $0x2  }
0x511: {  	[tilespmem:v4+s23+$0x0] =	vst.idx.msk $0xffff, v3;
	v3 =	vmov s29  }
0x512: {  	v4 =	vld.idx.msk [tilespmem:v2+s17+$0x0], $0xffff;
	v2 =	vshll.u32 v3, $0x5  }
0x513: {  	v1 =	vor.u32 v16, v1;
	v2 =	vadd.s32 v5, v2;
	v5 =	vlaneseq.u32  }
0x514: {  	v5 =	vor.u32 v5, v2;
	_ =	sdelay $0x3  }
0x515: {  	[tilespmem:v1+s23+$0x0] =	vst.idx.msk $0xffff, v4;
	v1 =	vshll.u32 v3, $0x9;
	v3 =	vld [tilespmem:$0x1FEA0]  }
0x516: {  	v4 =	vld.idx.msk [tilespmem:v5+s17+$0x0], $0xffff  }
0x517: {  	v5 =	vld [tilespmem:$0x1FEB0];
	_ =	sdelay $0x3  }
0x518: {  	v3 =	vor.u32 v3, v1  }
0x519: {  	v5 =	vor.u32 v5, v2;
	_ =	sdelay $0x3  }
0x51a: {  	[tilespmem:v3+s23+$0x0] =	vst.idx.msk $0xffff, v4  }
0x51b: {  	v3 =	vld.idx.msk [tilespmem:v5+s17+$0x0], $0xffff  }
0x51c: {  	v5 =	vld [tilespmem:$0x1FED0];
	_ =	sdelay $0x3  }
0x51d: {  	v4 =	vor.u32 v33, v1  }
0x51e: {  	v5 =	vor.u32 v5, v2;
	_ =	sdelay $0x3  }
0x51f: {  	[tilespmem:v4+s23+$0x0] =	vst.idx.msk $0xffff, v3  }
0x520: {  	v4 =	vor.u32 v17, v1;
	v3 =	vld.idx.msk [tilespmem:v5+s17+$0x0], $0xffff  }
0x521: {  	v5 =	vor.u32 v18, v2;
	_ =	sdelay $0x3  }
0x522: {  	[tilespmem:v4+s23+$0x0] =	vst.idx.msk $0xffff, v3  }
0x523: {  	v4 =	vor.u32 v24, v1;
	v3 =	vld.idx.msk [tilespmem:v5+s17+$0x0], $0xffff  }
0x524: {  	v5 =	vor.u32 v38, v2;
	_ =	sdelay $0x3  }
0x525: {  	[tilespmem:v4+s23+$0x0] =	vst.idx.msk $0xffff, v3  }
0x526: {  	v4 =	vor.u32 v26, v1;
	v3 =	vld.idx.msk [tilespmem:v5+s17+$0x0], $0xffff  }
0x527: {  	v5 =	vor.u32 v35, v2;
	_ =	sdelay $0x3  }
0x528: {  	[tilespmem:v4+s23+$0x0] =	vst.idx.msk $0xffff, v3  }
0x529: {  	v4 =	vor.u32 v27, v1;
	v3 =	vld.idx.msk [tilespmem:v5+s17+$0x0], $0xffff  }
0x52a: {  	v5 =	vor.u32 v28, v2;
	_ =	sdelay $0x3  }
0x52b: {  	[tilespmem:v4+s23+$0x0] =	vst.idx.msk $0xffff, v3  }
0x52c: {  	v4 =	vor.u32 v20, v1;
	v3 =	vld.idx.msk [tilespmem:v5+s17+$0x0], $0xffff  }
0x52d: {  	v5 =	vor.u32 v21, v2;
	_ =	sdelay $0x3  }
0x52e: {  	[tilespmem:v4+s23+$0x0] =	vst.idx.msk $0xffff, v3  }
0x52f: {  	v4 =	vor.u32 v22, v1;
	v3 =	vld.idx.msk [tilespmem:v5+s17+$0x0], $0xffff  }
0x530: {  	v5 =	vor.u32 v23, v2;
	_ =	sdelay $0x3  }
0x531: {  	[tilespmem:v4+s23+$0x0] =	vst.idx.msk $0xffff, v3  }
0x532: {  	v4 =	vor.u32 v32, v1;
	v3 =	vld.idx.msk [tilespmem:v5+s17+$0x0], $0xffff  }
0x533: {  	v5 =	vor.u32 v29, v2;
	_ =	sdelay $0x3  }
0x534: {  	[tilespmem:v4+s23+$0x0] =	vst.idx.msk $0xffff, v3  }
0x535: {  	v4 =	vor.u32 v30, v1;
	v3 =	vld.idx.msk [tilespmem:v5+s17+$0x0], $0xffff  }
0x536: {  	v5 =	vor.u32 v31, v2;
	_ =	sdelay $0x3  }
0x537: {  	[tilespmem:v4+s23+$0x0] =	vst.idx.msk $0xffff, v3  }
0x538: {  	v4 =	vor.u32 v37, v1;
	v3 =	vld.idx.msk [tilespmem:v5+s17+$0x0], $0xffff  }
0x539: {  	v5 =	vor.u32 v42, v2;
	_ =	sdelay $0x3  }
0x53a: {  	[tilespmem:v4+s23+$0x0] =	vst.idx.msk $0xffff, v3  }
0x53b: {  	v4 =	vor.u32 v47, v1;
	v3 =	vld.idx.msk [tilespmem:v5+s17+$0x0], $0xffff  }
0x53c: {  	v5 =	vor.u32 v52, v2;
	_ =	sdelay $0x3  }
0x53d: {  	[tilespmem:v4+s23+$0x0] =	vst.idx.msk $0xffff, v3  }
0x53e: {  	v4 =	vor.u32 v53, v1;
	v3 =	vld.idx.msk [tilespmem:v5+s17+$0x0], $0xffff  }
0x53f: {  	v5 =	vor.u32 v6, v2;
	_ =	sdelay $0x3  }
0x540: {  	[tilespmem:v4+s23+$0x0] =	vst.idx.msk $0xffff, v3  }
0x541: {  	v4 =	vor.u32 v34, v1;
	v3 =	vld.idx.msk [tilespmem:v5+s17+$0x0], $0xffff  }
0x542: {  	v5 =	vor.u32 v54, v2;
	_ =	sdelay $0x3  }
0x543: {  	[tilespmem:v4+s23+$0x0] =	vst.idx.msk $0xffff, v3  }
0x544: {  	v4 =	vor.u32 v55, v1;
	v3 =	vld.idx.msk [tilespmem:v5+s17+$0x0], $0xffff  }
0x545: {  	v5 =	vor.u32 v56, v2;
	_ =	sdelay $0x3  }
0x546: {  	[tilespmem:v4+s23+$0x0] =	vst.idx.msk $0xffff, v3  }
0x547: {  	v4 =	vor.u32 v14, v1;
	v3 =	vld.idx.msk [tilespmem:v5+s17+$0x0], $0xffff  }
0x548: {  	v5 =	vor.u32 v57, v2;
	_ =	sdelay $0x3  }
0x549: {  	[tilespmem:v4+s23+$0x0] =	vst.idx.msk $0xffff, v3  }
0x54a: {  	v4 =	vor.u32 v44, v1;
	v3 =	vld.idx.msk [tilespmem:v5+s17+$0x0], $0xffff  }
0x54b: {  	v5 =	vor.u32 v15, v2;
	_ =	sdelay $0x3  }
0x54c: {  	[tilespmem:v4+s23+$0x0] =	vst.idx.msk $0xffff, v3  }
0x54d: {  	v4 =	vor.u32 v59, v1;
	v3 =	vld.idx.msk [tilespmem:v5+s17+$0x0], $0xffff  }
0x54e: {  	v5 =	vor.u32 v58, v2;
	_ =	sdelay $0x3  }
0x54f: {  	[tilespmem:v4+s23+$0x0] =	vst.idx.msk $0xffff, v3  }
0x550: {  	v3 =	vld.idx.msk [tilespmem:v5+s17+$0x0], $0xffff  }
0x551: {  	v5 =	vld [tilespmem:$0x1FAC0];
	_ =	sdelay $0x3  }
0x552: {  	v4 =	vor.u32 v60, v1  }
0x553: {  	v5 =	vor.u32 v5, v2;
	_ =	sdelay $0x3  }
0x554: {  	[tilespmem:v4+s23+$0x0] =	vst.idx.msk $0xffff, v3  }
0x555: {  	v4 =	vor.u32 v61, v1;
	v3 =	vld.idx.msk [tilespmem:v5+s17+$0x0], $0xffff  }
0x556: {  	v5 =	vor.u32 v43, v2;
	_ =	sdelay $0x3  }
0x557: {  	[tilespmem:v4+s23+$0x0] =	vst.idx.msk $0xffff, v3  }
0x558: {  	v4 =	vor.u32 v62, v1;
	v3 =	vld.idx.msk [tilespmem:v5+s17+$0x0], $0xffff  }
0x559: {  	v5 =	vor.u32 v45, v2;
	_ =	sdelay $0x3  }
0x55a: {  	[tilespmem:v4+s23+$0x0] =	vst.idx.msk $0xffff, v3  }
0x55b: {  	v4 =	vor.u32 v63, v1;
	v3 =	vld.idx.msk [tilespmem:v5+s17+$0x0], $0xffff  }
0x55c: {  	v5 =	vor.u32 v46, v2;
	_ =	sdelay $0x3  }
0x55d: {  	[tilespmem:v4+s23+$0x0] =	vst.idx.msk $0xffff, v3  }
0x55e: {  	v4 =	vor.u32 v25, v1;
	v3 =	vld.idx.msk [tilespmem:v5+s17+$0x0], $0xffff  }
0x55f: {  	v5 =	vor.u32 v48, v2;
	_ =	sdelay $0x3  }
0x560: {  	[tilespmem:v4+s23+$0x0] =	vst.idx.msk $0xffff, v3  }
0x561: {  	v4 =	vor.u32 v39, v1;
	v3 =	vld.idx.msk [tilespmem:v5+s17+$0x0], $0xffff  }
0x562: {  	v5 =	vor.u32 v49, v2;
	_ =	sdelay $0x3  }
0x563: {  	[tilespmem:v4+s23+$0x0] =	vst.idx.msk $0xffff, v3  }
0x564: {  	v4 =	vor.u32 v40, v1;
	v3 =	vld.idx.msk [tilespmem:v5+s17+$0x0], $0xffff  }
0x565: {  	v5 =	vor.u32 v50, v2;
	_ =	sdelay $0x3  }
0x566: {  	[tilespmem:v4+s23+$0x0] =	vst.idx.msk $0xffff, v3  }
0x567: {  	v4 =	vor.u32 v41, v1;
	v3 =	vld.idx.msk [tilespmem:v5+s17+$0x0], $0xffff  }
0x568: {  	v5 =	vor.u32 v51, v2;
	_ =	sdelay $0x3  }
0x569: {  	[tilespmem:v4+s23+$0x0] =	vst.idx.msk $0xffff, v3  }
0x56a: {  	v4 =	vor.u32 v11, v1;
	v3 =	vld.idx.msk [tilespmem:v5+s17+$0x0], $0xffff  }
0x56b: {  	v5 =	vor.u32 v0, v2;
	_ =	sdelay $0x3  }
0x56c: {  	[tilespmem:v4+s23+$0x0] =	vst.idx.msk $0xffff, v3  }
0x56d: {  	v4 =	vor.u32 v7, v1;
	v3 =	vld.idx.msk [tilespmem:v5+s17+$0x0], $0xffff  }
0x56e: {  	v5 =	vor.u32 v36, v2;
	_ =	sdelay $0x3  }
0x56f: {  	[tilespmem:v4+s23+$0x0] =	vst.idx.msk $0xffff, v3  }
0x570: {  	v4 =	vor.u32 v8, v1;
	v3 =	vld.idx.msk [tilespmem:v5+s17+$0x0], $0xffff  }
0x571: {  	v5 =	vor.u32 v12, v2;
	_ =	sdelay $0x3  }
0x572: {  	[tilespmem:v4+s23+$0x0] =	vst.idx.msk $0xffff, v3  }
0x573: {  	v4 =	vor.u32 v9, v1;
	v3 =	vld.idx.msk [tilespmem:v5+s17+$0x0], $0xffff  }
0x574: {  	p0 =	sne.s32 s30, $0x31;
	v5 =	vor.u32 v13, v2  }
.Ltmp6:
0x575: {  	_ = 	snop;
	(pc) =	sbr.rel @p0 .LBB2_9-.Ltmp6, $3  }
0x576: {  	_ =	sdelay $0x1  }
0x577: {  	s29 =	smov.u32 s30;
	[tilespmem:v4+s23+$0x0] =	vst.idx.msk $0xffff, v3  }
0x578: {  	s30 =	sadd.s32 $0x2, s30;
	s31 =	sadd.s32 $0xFFFFFFFF, s29;
	v2 =	vor.u32 v19, v2;
	v4 =	vor.u32 v10, v1;
	v3 =	vld.idx.msk [tilespmem:v5+s17+$0x0], $0xffff  }
0x579: {  	v14 =	vld [tilespmem:$0x1FE90]  }
0x57a: {  	v16 =	vld [tilespmem:$0x1FFD0];
	_ =	sdelay $0x2  }
0x57b: {  	v5 =	vmov s31  }
0x57c: {  	v57 =	vshll.u32 v5, $0x5;
	[tilespmem:v4+s23+$0x0] =	vst.idx.msk $0xffff, v3  }
0x57d: {  	v0 =	vlaneseq.u32;
	v2 =	vld.idx.msk [tilespmem:v2+s17+$0x0], $0xffff;
	v3 =	vadd.s32 v14, v57;
	v1 =	vor.u32 v16, v1  }
0x57e: {  	v8 =	vld [tilespmem:$0x1FEA0];
	v4 =	vor.u32 v0, v3  }
0x57f: {  	v9 =	vld [tilespmem:$0x1FEB0];
	_ =	sdelay $0x2  }
0x580: {  	[tilespmem:v1+s23+$0x0] =	vst.idx.msk $0xffff, v2;
	v1 =	vshll.u32 v5, $0x9  }
0x581: {  	v2 =	vld.idx.msk [tilespmem:v4+s17+$0x0], $0xffff;
	v4 =	vor.u32 v8, v1  }
0x582: {  	v51 =	vld [tilespmem:$0x1FEC0];
	v5 =	vor.u32 v9, v3  }
0x583: {  	v7 =	vld [tilespmem:$0x1FED0];
	_ =	sdelay $0x2  }
0x584: {  	[tilespmem:v4+s23+$0x0] =	vst.idx.msk $0xffff, v2  }
0x585: {  	v4 =	vor.u32 v51, v1;
	v2 =	vld.idx.msk [tilespmem:v5+s17+$0x0], $0xffff  }
0x586: {  	v58 =	vld [tilespmem:$0x1FCE0];
	v5 =	vor.u32 v7, v3  }
0x587: {  	v59 =	vld [tilespmem:$0x1FCF0];
	_ =	sdelay $0x2  }
0x588: {  	[tilespmem:v4+s23+$0x0] =	vst.idx.msk $0xffff, v2  }
0x589: {  	v4 =	vor.u32 v58, v1;
	v2 =	vld.idx.msk [tilespmem:v5+s17+$0x0], $0xffff  }
0x58a: {  	v60 =	vld [tilespmem:$0x1FD00];
	v5 =	vor.u32 v59, v3  }
0x58b: {  	v61 =	vld [tilespmem:$0x1FD10];
	_ =	sdelay $0x2  }
0x58c: {  	[tilespmem:v4+s23+$0x0] =	vst.idx.msk $0xffff, v2  }
0x58d: {  	v4 =	vor.u32 v60, v1;
	v2 =	vld.idx.msk [tilespmem:v5+s17+$0x0], $0xffff  }
0x58e: {  	v62 =	vld [tilespmem:$0x1FD20];
	v5 =	vor.u32 v61, v3  }
0x58f: {  	v32 =	vld [tilespmem:$0x1FD30];
	_ =	sdelay $0x2  }
0x590: {  	[tilespmem:v4+s23+$0x0] =	vst.idx.msk $0xffff, v2  }
0x591: {  	v4 =	vor.u32 v62, v1;
	v2 =	vld.idx.msk [tilespmem:v5+s17+$0x0], $0xffff  }
0x592: {  	v26 =	vld [tilespmem:$0x1FD40];
	v5 =	vor.u32 v32, v3  }
0x593: {  	v27 =	vld [tilespmem:$0x1FD50];
	_ =	sdelay $0x2  }
0x594: {  	[tilespmem:v4+s23+$0x0] =	vst.idx.msk $0xffff, v2  }
0x595: {  	v4 =	vor.u32 v26, v1;
	v2 =	vld.idx.msk [tilespmem:v5+s17+$0x0], $0xffff  }
0x596: {  	v19 =	vld [tilespmem:$0x1FEE0];
	v5 =	vor.u32 v27, v3  }
0x597: {  	v20 =	vld [tilespmem:$0x1FEF0];
	_ =	sdelay $0x2  }
0x598: {  	[tilespmem:v4+s23+$0x0] =	vst.idx.msk $0xffff, v2  }
0x599: {  	v4 =	vor.u32 v19, v1;
	v2 =	vld.idx.msk [tilespmem:v5+s17+$0x0], $0xffff  }
0x59a: {  	v21 =	vld [tilespmem:$0x1FF00];
	v5 =	vor.u32 v20, v3  }
0x59b: {  	v22 =	vld [tilespmem:$0x1FF10];
	_ =	sdelay $0x2  }
0x59c: {  	[tilespmem:v4+s23+$0x0] =	vst.idx.msk $0xffff, v2  }
0x59d: {  	v4 =	vor.u32 v21, v1;
	v2 =	vld.idx.msk [tilespmem:v5+s17+$0x0], $0xffff  }
0x59e: {  	v23 =	vld [tilespmem:$0x1FD60];
	v5 =	vor.u32 v22, v3  }
0x59f: {  	v28 =	vld [tilespmem:$0x1FD70];
	_ =	sdelay $0x2  }
0x5a0: {  	[tilespmem:v4+s23+$0x0] =	vst.idx.msk $0xffff, v2  }
0x5a1: {  	v4 =	vor.u32 v23, v1;
	v2 =	vld.idx.msk [tilespmem:v5+s17+$0x0], $0xffff  }
0x5a2: {  	v29 =	vld [tilespmem:$0x1FD80];
	v5 =	vor.u32 v28, v3  }
0x5a3: {  	v30 =	vld [tilespmem:$0x1FD90];
	_ =	sdelay $0x2  }
0x5a4: {  	[tilespmem:v4+s23+$0x0] =	vst.idx.msk $0xffff, v2  }
0x5a5: {  	v4 =	vor.u32 v29, v1;
	v2 =	vld.idx.msk [tilespmem:v5+s17+$0x0], $0xffff  }
0x5a6: {  	v31 =	vld [tilespmem:$0x1FDA0];
	v5 =	vor.u32 v30, v3  }
0x5a7: {  	v37 =	vld [tilespmem:$0x1FDB0];
	_ =	sdelay $0x2  }
0x5a8: {  	[tilespmem:v4+s23+$0x0] =	vst.idx.msk $0xffff, v2  }
0x5a9: {  	v4 =	vor.u32 v31, v1;
	v2 =	vld.idx.msk [tilespmem:v5+s17+$0x0], $0xffff  }
0x5aa: {  	v42 =	vld [tilespmem:$0x1FDC0];
	v5 =	vor.u32 v37, v3  }
0x5ab: {  	v24 =	vld [tilespmem:$0x1FDD0];
	_ =	sdelay $0x2  }
0x5ac: {  	[tilespmem:v4+s23+$0x0] =	vst.idx.msk $0xffff, v2  }
0x5ad: {  	v4 =	vor.u32 v42, v1;
	v2 =	vld.idx.msk [tilespmem:v5+s17+$0x0], $0xffff  }
0x5ae: {  	v17 =	vld [tilespmem:$0x1FDE0];
	v5 =	vor.u32 v24, v3  }
0x5af: {  	v6 =	vld [tilespmem:$0x1FDF0];
	_ =	sdelay $0x2  }
0x5b0: {  	[tilespmem:v4+s23+$0x0] =	vst.idx.msk $0xffff, v2  }
0x5b1: {  	v4 =	vor.u32 v17, v1;
	v2 =	vld.idx.msk [tilespmem:v5+s17+$0x0], $0xffff  }
0x5b2: {  	v53 =	vld [tilespmem:$0x1FE00];
	v5 =	vor.u32 v6, v3  }
0x5b3: {  	v34 =	vld [tilespmem:$0x1FE10];
	_ =	sdelay $0x2  }
0x5b4: {  	[tilespmem:v4+s23+$0x0] =	vst.idx.msk $0xffff, v2  }
0x5b5: {  	v4 =	vor.u32 v53, v1;
	v2 =	vld.idx.msk [tilespmem:v5+s17+$0x0], $0xffff  }
0x5b6: {  	v47 =	vld [tilespmem:$0x1FE20];
	v5 =	vor.u32 v34, v3  }
0x5b7: {  	v52 =	vld [tilespmem:$0x1FE30];
	_ =	sdelay $0x2  }
0x5b8: {  	[tilespmem:v4+s23+$0x0] =	vst.idx.msk $0xffff, v2  }
0x5b9: {  	v4 =	vor.u32 v47, v1;
	v2 =	vld.idx.msk [tilespmem:v5+s17+$0x0], $0xffff  }
0x5ba: {  	v56 =	vld [tilespmem:$0x1FE40];
	v5 =	vor.u32 v52, v3  }
0x5bb: {  	v18 =	vld [tilespmem:$0x1FFF0];
	_ =	sdelay $0x2  }
0x5bc: {  	[tilespmem:v4+s23+$0x0] =	vst.idx.msk $0xffff, v2  }
0x5bd: {  	v4 =	vor.u32 v56, v1;
	v2 =	vld.idx.msk [tilespmem:v5+s17+$0x0], $0xffff  }
0x5be: {  	v43 =	vld [tilespmem:$0x1FC90];
	v5 =	vor.u32 v18, v3  }
0x5bf: {  	v15 =	vld [tilespmem:$0x1FFE0];
	_ =	sdelay $0x2  }
0x5c0: {  	[tilespmem:v4+s23+$0x0] =	vst.idx.msk $0xffff, v2  }
0x5c1: {  	v4 =	vor.u32 v43, v1;
	v2 =	vld.idx.msk [tilespmem:v5+s17+$0x0], $0xffff  }
0x5c2: {  	v54 =	vld [tilespmem:$0x1FE50];
	v5 =	vor.u32 v15, v3  }
0x5c3: {  	v38 =	vld [tilespmem:$0x1FE80];
	_ =	sdelay $0x2  }
0x5c4: {  	[tilespmem:v4+s23+$0x0] =	vst.idx.msk $0xffff, v2  }
0x5c5: {  	v4 =	vor.u32 v54, v1;
	v2 =	vld.idx.msk [tilespmem:v5+s17+$0x0], $0xffff  }
0x5c6: {  	v55 =	vld [tilespmem:$0x1FE60];
	v5 =	vor.u32 v38, v3  }
0x5c7: {  	v10 =	vld [tilespmem:$0x1FAC0];
	_ =	sdelay $0x2  }
0x5c8: {  	[tilespmem:v4+s23+$0x0] =	vst.idx.msk $0xffff, v2  }
0x5c9: {  	v4 =	vor.u32 v55, v1;
	v2 =	vld.idx.msk [tilespmem:v5+s17+$0x0], $0xffff  }
0x5ca: {  	v60 =	vld [tilespmem:$0x1FE70];
	v5 =	vor.u32 v10, v3  }
0x5cb: {  	v35 =	vld [tilespmem:$0x1FAD0];
	_ =	sdelay $0x2  }
0x5cc: {  	[tilespmem:v4+s23+$0x0] =	vst.idx.msk $0xffff, v2  }
0x5cd: {  	v4 =	vor.u32 v60, v1;
	v2 =	vld.idx.msk [tilespmem:v5+s17+$0x0], $0xffff  }
0x5ce: {  	v57 =	vld [tilespmem:$0x1FF20];
	v5 =	vor.u32 v35, v3  }
0x5cf: {  	v44 =	vld [tilespmem:$0x1FAE0];
	_ =	sdelay $0x2  }
0x5d0: {  	[tilespmem:v4+s23+$0x0] =	vst.idx.msk $0xffff, v2  }
0x5d1: {  	v4 =	vor.u32 v57, v1;
	v2 =	vld.idx.msk [tilespmem:v5+s17+$0x0], $0xffff  }
0x5d2: {  	v58 =	vld [tilespmem:$0x1FF30];
	v5 =	vor.u32 v44, v3  }
0x5d3: {  	v45 =	vld [tilespmem:$0x1FAF0];
	_ =	sdelay $0x2  }
0x5d4: {  	[tilespmem:v4+s23+$0x0] =	vst.idx.msk $0xffff, v2  }
0x5d5: {  	v4 =	vor.u32 v58, v1;
	v2 =	vld.idx.msk [tilespmem:v5+s17+$0x0], $0xffff  }
0x5d6: {  	v59 =	vld [tilespmem:$0x1FF40];
	v5 =	vor.u32 v45, v3  }
0x5d7: {  	v46 =	vld [tilespmem:$0x1FB00];
	_ =	sdelay $0x2  }
0x5d8: {  	[tilespmem:v4+s23+$0x0] =	vst.idx.msk $0xffff, v2  }
0x5d9: {  	v4 =	vor.u32 v59, v1;
	v2 =	vld.idx.msk [tilespmem:v5+s17+$0x0], $0xffff  }
0x5da: {  	v25 =	vld [tilespmem:$0x1FF50];
	v5 =	vor.u32 v46, v3  }
0x5db: {  	v48 =	vld [tilespmem:$0x1FB10];
	_ =	sdelay $0x2  }
0x5dc: {  	[tilespmem:v4+s23+$0x0] =	vst.idx.msk $0xffff, v2  }
0x5dd: {  	v4 =	vor.u32 v25, v1;
	v2 =	vld.idx.msk [tilespmem:v5+s17+$0x0], $0xffff  }
0x5de: {  	v61 =	vld [tilespmem:$0x1FF60];
	v5 =	vor.u32 v48, v3  }
0x5df: {  	v49 =	vld [tilespmem:$0x1FB20];
	_ =	sdelay $0x2  }
0x5e0: {  	[tilespmem:v4+s23+$0x0] =	vst.idx.msk $0xffff, v2  }
0x5e1: {  	v4 =	vor.u32 v61, v1;
	v2 =	vld.idx.msk [tilespmem:v5+s17+$0x0], $0xffff  }
0x5e2: {  	v62 =	vld [tilespmem:$0x1FF70];
	v5 =	vor.u32 v49, v3  }
0x5e3: {  	v50 =	vld [tilespmem:$0x1FB30];
	_ =	sdelay $0x2  }
0x5e4: {  	[tilespmem:v4+s23+$0x0] =	vst.idx.msk $0xffff, v2  }
0x5e5: {  	v4 =	vor.u32 v62, v1;
	v2 =	vld.idx.msk [tilespmem:v5+s17+$0x0], $0xffff  }
0x5e6: {  	v63 =	vld [tilespmem:$0x1FF80];
	v5 =	vor.u32 v50, v3  }
0x5e7: {  	v0 =	vld [tilespmem:$0x1FB40];
	_ =	sdelay $0x2  }
0x5e8: {  	[tilespmem:v4+s23+$0x0] =	vst.idx.msk $0xffff, v2  }
0x5e9: {  	v4 =	vor.u32 v63, v1;
	v2 =	vld.idx.msk [tilespmem:v5+s17+$0x0], $0xffff  }
0x5ea: {  	v11 =	vld [tilespmem:$0x1FF90];
	v5 =	vor.u32 v0, v3  }
0x5eb: {  	v36 =	vld [tilespmem:$0x1FB50];
	_ =	sdelay $0x2  }
0x5ec: {  	[tilespmem:v4+s23+$0x0] =	vst.idx.msk $0xffff, v2  }
0x5ed: {  	v4 =	vor.u32 v11, v1;
	v2 =	vld.idx.msk [tilespmem:v5+s17+$0x0], $0xffff  }
0x5ee: {  	v39 =	vld [tilespmem:$0x1FFA0];
	v5 =	vor.u32 v36, v3  }
0x5ef: {  	v12 =	vld [tilespmem:$0x1FB60];
	_ =	sdelay $0x2  }
0x5f0: {  	[tilespmem:v4+s23+$0x0] =	vst.idx.msk $0xffff, v2  }
0x5f1: {  	v4 =	vor.u32 v39, v1;
	v2 =	vld.idx.msk [tilespmem:v5+s17+$0x0], $0xffff  }
0x5f2: {  	v40 =	vld [tilespmem:$0x1FFB0];
	v5 =	vor.u32 v12, v3  }
0x5f3: {  	v13 =	vld [tilespmem:$0x1FB70];
	_ =	sdelay $0x2  }
0x5f4: {  	[tilespmem:v4+s23+$0x0] =	vst.idx.msk $0xffff, v2  }
0x5f5: {  	v4 =	vor.u32 v40, v1;
	v2 =	vld.idx.msk [tilespmem:v5+s17+$0x0], $0xffff  }
0x5f6: {  	v41 =	vld [tilespmem:$0x1FFC0];
	v5 =	vor.u32 v13, v3  }
0x5f7: {  	v33 =	vld [tilespmem:$0x1FB80];
	_ =	sdelay $0x2  }
0x5f8: {  	[tilespmem:v4+s23+$0x0] =	vst.idx.msk $0xffff, v2  }
0x5f9: {  	v4 =	vor.u32 v41, v1;
	v2 =	vld.idx.msk [tilespmem:v5+s17+$0x0], $0xffff  }
0x5fa: {  	v3 =	vor.u32 v33, v3;
	_ =	sdelay $0x2  }
0x5fb: {  	v5 =	vmov s29  }
0x5fc: {  	[tilespmem:v4+s23+$0x0] =	vst.idx.msk $0xffff, v2;
	v2 =	vshll.u32 v5, $0x5  }
0x5fd: {  	v1 =	vor.u32 v16, v1;
	v4 =	vlaneseq.u32;
	v3 =	vld.idx.msk [tilespmem:v3+s17+$0x0], $0xffff;
	v2 =	vadd.s32 v14, v2  }
0x5fe: {  	v4 =	vor.u32 v4, v2;
	_ =	sdelay $0x3  }
0x5ff: {  	[tilespmem:v1+s23+$0x0] =	vst.idx.msk $0xffff, v3;
	v1 =	vshll.u32 v5, $0x9  }
0x600: {  	v3 =	vld.idx.msk [tilespmem:v4+s17+$0x0], $0xffff;
	v4 =	vor.u32 v8, v1  }
0x601: {  	v5 =	vor.u32 v9, v2;
	_ =	sdelay $0x3  }
0x602: {  	[tilespmem:v4+s23+$0x0] =	vst.idx.msk $0xffff, v3  }
0x603: {  	v4 =	vor.u32 v51, v1;
	v3 =	vld.idx.msk [tilespmem:v5+s17+$0x0], $0xffff  }
0x604: {  	v5 =	vor.u32 v7, v2;
	v7 =	vld [tilespmem:$0x1FCE0]  }
0x605: {  	v8 =	vld [tilespmem:$0x1FCF0];
	_ =	sdelay $0x2  }
0x606: {  	[tilespmem:v4+s23+$0x0] =	vst.idx.msk $0xffff, v3  }
0x607: {  	v4 =	vor.u32 v7, v1;
	v3 =	vld.idx.msk [tilespmem:v5+s17+$0x0], $0xffff  }
0x608: {  	v9 =	vld [tilespmem:$0x1FD00];
	v5 =	vor.u32 v8, v2  }
0x609: {  	v51 =	vld [tilespmem:$0x1FD10];
	_ =	sdelay $0x2  }
0x60a: {  	[tilespmem:v4+s23+$0x0] =	vst.idx.msk $0xffff, v3  }
0x60b: {  	v4 =	vor.u32 v9, v1;
	v3 =	vld.idx.msk [tilespmem:v5+s17+$0x0], $0xffff  }
0x60c: {  	v14 =	vld [tilespmem:$0x1FD20];
	v5 =	vor.u32 v51, v2;
	_ =	sdelay $0x3  }
0x60d: {  	[tilespmem:v4+s23+$0x0] =	vst.idx.msk $0xffff, v3  }
0x60e: {  	v4 =	vor.u32 v14, v1;
	v3 =	vld.idx.msk [tilespmem:v5+s17+$0x0], $0xffff  }
0x60f: {  	v5 =	vor.u32 v32, v2;
	_ =	sdelay $0x3  }
0x610: {  	[tilespmem:v4+s23+$0x0] =	vst.idx.msk $0xffff, v3  }
0x611: {  	v4 =	vor.u32 v26, v1;
	v3 =	vld.idx.msk [tilespmem:v5+s17+$0x0], $0xffff  }
0x612: {  	v5 =	vor.u32 v27, v2;
	_ =	sdelay $0x3  }
0x613: {  	[tilespmem:v4+s23+$0x0] =	vst.idx.msk $0xffff, v3  }
0x614: {  	v4 =	vor.u32 v19, v1;
	v3 =	vld.idx.msk [tilespmem:v5+s17+$0x0], $0xffff  }
0x615: {  	v5 =	vor.u32 v20, v2;
	_ =	sdelay $0x3  }
0x616: {  	[tilespmem:v4+s23+$0x0] =	vst.idx.msk $0xffff, v3  }
0x617: {  	v4 =	vor.u32 v21, v1;
	v3 =	vld.idx.msk [tilespmem:v5+s17+$0x0], $0xffff  }
0x618: {  	v5 =	vor.u32 v22, v2;
	_ =	sdelay $0x3  }
0x619: {  	[tilespmem:v4+s23+$0x0] =	vst.idx.msk $0xffff, v3  }
0x61a: {  	v4 =	vor.u32 v23, v1;
	v3 =	vld.idx.msk [tilespmem:v5+s17+$0x0], $0xffff  }
0x61b: {  	v5 =	vor.u32 v28, v2;
	_ =	sdelay $0x3  }
0x61c: {  	[tilespmem:v4+s23+$0x0] =	vst.idx.msk $0xffff, v3  }
0x61d: {  	v4 =	vor.u32 v29, v1;
	v3 =	vld.idx.msk [tilespmem:v5+s17+$0x0], $0xffff  }
0x61e: {  	v5 =	vor.u32 v30, v2;
	_ =	sdelay $0x3  }
0x61f: {  	[tilespmem:v4+s23+$0x0] =	vst.idx.msk $0xffff, v3  }
0x620: {  	v4 =	vor.u32 v31, v1;
	v3 =	vld.idx.msk [tilespmem:v5+s17+$0x0], $0xffff  }
0x621: {  	v5 =	vor.u32 v37, v2;
	_ =	sdelay $0x3  }
0x622: {  	[tilespmem:v4+s23+$0x0] =	vst.idx.msk $0xffff, v3  }
0x623: {  	v4 =	vor.u32 v42, v1;
	v3 =	vld.idx.msk [tilespmem:v5+s17+$0x0], $0xffff  }
0x624: {  	v5 =	vor.u32 v24, v2;
	_ =	sdelay $0x3  }
0x625: {  	[tilespmem:v4+s23+$0x0] =	vst.idx.msk $0xffff, v3  }
0x626: {  	v4 =	vor.u32 v17, v1;
	v3 =	vld.idx.msk [tilespmem:v5+s17+$0x0], $0xffff  }
0x627: {  	v5 =	vor.u32 v6, v2;
	_ =	sdelay $0x3  }
0x628: {  	[tilespmem:v4+s23+$0x0] =	vst.idx.msk $0xffff, v3  }
0x629: {  	v4 =	vor.u32 v53, v1;
	v3 =	vld.idx.msk [tilespmem:v5+s17+$0x0], $0xffff  }
0x62a: {  	v5 =	vor.u32 v34, v2;
	_ =	sdelay $0x3  }
0x62b: {  	[tilespmem:v4+s23+$0x0] =	vst.idx.msk $0xffff, v3  }
0x62c: {  	v4 =	vor.u32 v47, v1;
	v3 =	vld.idx.msk [tilespmem:v5+s17+$0x0], $0xffff  }
0x62d: {  	v5 =	vor.u32 v52, v2;
	_ =	sdelay $0x3  }
0x62e: {  	[tilespmem:v4+s23+$0x0] =	vst.idx.msk $0xffff, v3  }
0x62f: {  	v4 =	vor.u32 v56, v1;
	v3 =	vld.idx.msk [tilespmem:v5+s17+$0x0], $0xffff  }
0x630: {  	v5 =	vor.u32 v18, v2;
	_ =	sdelay $0x3  }
0x631: {  	[tilespmem:v4+s23+$0x0] =	vst.idx.msk $0xffff, v3  }
0x632: {  	v4 =	vor.u32 v43, v1;
	v3 =	vld.idx.msk [tilespmem:v5+s17+$0x0], $0xffff  }
0x633: {  	v5 =	vor.u32 v15, v2;
	_ =	sdelay $0x3  }
0x634: {  	[tilespmem:v4+s23+$0x0] =	vst.idx.msk $0xffff, v3  }
0x635: {  	v4 =	vor.u32 v54, v1;
	v3 =	vld.idx.msk [tilespmem:v5+s17+$0x0], $0xffff  }
0x636: {  	v5 =	vor.u32 v38, v2;
	_ =	sdelay $0x3  }
0x637: {  	[tilespmem:v4+s23+$0x0] =	vst.idx.msk $0xffff, v3  }
0x638: {  	v4 =	vor.u32 v55, v1;
	v3 =	vld.idx.msk [tilespmem:v5+s17+$0x0], $0xffff  }
0x639: {  	v5 =	vor.u32 v10, v2;
	_ =	sdelay $0x3  }
0x63a: {  	[tilespmem:v4+s23+$0x0] =	vst.idx.msk $0xffff, v3  }
0x63b: {  	v4 =	vor.u32 v60, v1;
	v3 =	vld.idx.msk [tilespmem:v5+s17+$0x0], $0xffff  }
0x63c: {  	v5 =	vor.u32 v35, v2;
	_ =	sdelay $0x3  }
0x63d: {  	[tilespmem:v4+s23+$0x0] =	vst.idx.msk $0xffff, v3  }
0x63e: {  	v4 =	vor.u32 v57, v1;
	v3 =	vld.idx.msk [tilespmem:v5+s17+$0x0], $0xffff  }
0x63f: {  	v5 =	vor.u32 v44, v2;
	_ =	sdelay $0x3  }
0x640: {  	[tilespmem:v4+s23+$0x0] =	vst.idx.msk $0xffff, v3  }
0x641: {  	v4 =	vor.u32 v58, v1;
	v3 =	vld.idx.msk [tilespmem:v5+s17+$0x0], $0xffff  }
0x642: {  	v5 =	vor.u32 v45, v2;
	_ =	sdelay $0x3  }
0x643: {  	[tilespmem:v4+s23+$0x0] =	vst.idx.msk $0xffff, v3  }
0x644: {  	v4 =	vor.u32 v59, v1;
	v3 =	vld.idx.msk [tilespmem:v5+s17+$0x0], $0xffff  }
0x645: {  	v5 =	vor.u32 v46, v2;
	_ =	sdelay $0x3  }
0x646: {  	[tilespmem:v4+s23+$0x0] =	vst.idx.msk $0xffff, v3  }
0x647: {  	v4 =	vor.u32 v25, v1;
	v3 =	vld.idx.msk [tilespmem:v5+s17+$0x0], $0xffff  }
0x648: {  	v5 =	vor.u32 v48, v2;
	_ =	sdelay $0x3  }
0x649: {  	[tilespmem:v4+s23+$0x0] =	vst.idx.msk $0xffff, v3  }
0x64a: {  	v4 =	vor.u32 v61, v1;
	v3 =	vld.idx.msk [tilespmem:v5+s17+$0x0], $0xffff  }
0x64b: {  	v5 =	vor.u32 v49, v2;
	_ =	sdelay $0x3  }
0x64c: {  	[tilespmem:v4+s23+$0x0] =	vst.idx.msk $0xffff, v3  }
0x64d: {  	v4 =	vor.u32 v62, v1;
	v3 =	vld.idx.msk [tilespmem:v5+s17+$0x0], $0xffff  }
0x64e: {  	v5 =	vor.u32 v50, v2;
	_ =	sdelay $0x3  }
0x64f: {  	[tilespmem:v4+s23+$0x0] =	vst.idx.msk $0xffff, v3  }
0x650: {  	v4 =	vor.u32 v63, v1;
	v3 =	vld.idx.msk [tilespmem:v5+s17+$0x0], $0xffff  }
0x651: {  	v5 =	vor.u32 v0, v2;
	_ =	sdelay $0x3  }
0x652: {  	[tilespmem:v4+s23+$0x0] =	vst.idx.msk $0xffff, v3  }
0x653: {  	v4 =	vor.u32 v11, v1;
	v3 =	vld.idx.msk [tilespmem:v5+s17+$0x0], $0xffff  }
0x654: {  	v5 =	vor.u32 v36, v2;
	_ =	sdelay $0x3  }
0x655: {  	[tilespmem:v4+s23+$0x0] =	vst.idx.msk $0xffff, v3  }
0x656: {  	v4 =	vor.u32 v39, v1;
	v3 =	vld.idx.msk [tilespmem:v5+s17+$0x0], $0xffff  }
0x657: {  	v5 =	vor.u32 v12, v2;
	_ =	sdelay $0x3  }
0x658: {  	[tilespmem:v4+s23+$0x0] =	vst.idx.msk $0xffff, v3  }
0x659: {  	v4 =	vor.u32 v40, v1;
	v3 =	vld.idx.msk [tilespmem:v5+s17+$0x0], $0xffff  }
0x65a: {  	v5 =	vor.u32 v13, v2;
	_ =	sdelay $0x3  }
0x65b: {  	[tilespmem:v4+s23+$0x0] =	vst.idx.msk $0xffff, v3  }
0x65c: {  	v4 =	vor.u32 v41, v1;
	v3 =	vld.idx.msk [tilespmem:v5+s17+$0x0], $0xffff  }
0x65d: {  	v63 =	vor.u32 v33, v2;
	_ =	sdelay $0x3  }
0x65e: {  	[tilespmem:v4+s23+$0x0] =	vst.idx.msk $0xffff, v3  }
0x65f: {  	v1 =	vor.u32 v16, v1;
	v0 =	vld.idx.msk [tilespmem:v63+s17+$0x0], $0xffff  }
0x660: {  	p0 =	seq.s32 s26, $0xF  }
.Ltmp7:
0x661: {  	_ = 	snop;
	(pc) =	sbr.rel @p0 .LBB2_12-.Ltmp7, $4  }
0x662: {  	v32 =	vmov v60;
	v19 =	vmov v30  }
0x663: {  	s28 =	sadd.s32 s28, s5;
	v21 =	vmovc v37;
	v22 =	vmovc v17;
	v23 =	vmov v29;
	v29 =	vmov v31;
	v37 =	vmov v53  }
0x664: {  	s28 =	sadd.s32 $0x2, s28;
	v17 =	vmovc v34;
	v6 =	vmovc v14;
	v43 =	vmov v9;
	v9 =	vmov v47;
	v15 =	vmov v27;
	[tilespmem:v1+s23+$0x0] =	vst.idx.msk $0xffff, v0  }
0x665: {  	v46 =	vmovc v26;
	v48 =	vmovc v51;
	v51 =	vmov v28;
	v50 =	vmov v8;
	v13 =	vmov v42;
	[hbm4b:s28+s19] =	stream.strided.scatter [tilespmem:s23], [sflag:$0x6], $0x6400, s20, s19, $0x38;
	[tilespmem:$0x19640] =	vst v63  }
0x666: {  	v49 =	vld [tilespmem:$0x1FE90]  }
0x667: {  	v42 =	vld [tilespmem:$0x1FEA0]  }
0x668: {  	v44 =	vld [tilespmem:$0x1FEB0]  }
0x669: {  	v30 =	vld [tilespmem:$0x1FEC0]  }
0x66a: {  	v45 =	vld [tilespmem:$0x1FED0]  }
0x66b: {  	v20 =	vld [tilespmem:$0x1FD30]  }
0x66c: {  	s28 =	smul.u32 $0x640, s26;
	v31 =	vld [tilespmem:$0x1FEE0]  }
.Ltmp8:
0x66d: {  	v36 =	vld [tilespmem:$0x1FEF0];
	(pc) =	sbr.rel .LBB2_2-.Ltmp8, $4  }
0x66e: {  	v14 =	vld [tilespmem:$0x1FF00];
	s28 =	sadd.s32 s28, s10  }
0x66f: {  	v12 =	vld [tilespmem:$0x1FF10];
	s28 =	sshrl.u32 s28, $0x3  }
0x670: {  	s26 =	sadd.s32 $0x1, s26;
	v53 =	vld [tilespmem:$0x1FD60];
	s28 =	sadd.s32 s0, s28  }
0x671: {  	v34 =	vlaneseq.u32;
	v8 =	vld [tilespmem:$0x1FDF0];
	[tilespmem:s13], [sflag:$0x2] =	stream.linear.gather [hbm4b:s28+s3], $0x320, $0x38  }
.LBB2_13:
0x672: {  	_ =	sfence.sel $0x180000  }
0x673: {  	[bflag:$0x0] =	sbarrier.arrive $0xFFFF  }
0x674: {  	p0 =	sne.s32 s2, $0x0;
	_ =	strace $0x90000047  }
0x675: {  	s0 =	sadd.s32 @!p0 $0x100000, s1;
	[bflag:$0x2] =	sbarrier.arrive $0xFFFF  }
0x676: {  	[sflag:s0] =	ssyncadd.tile.s32 @!p0 $0x1;
	_ =	shalt  }
.Lfunc_end2:
_tile_overlayer_lowered:
.L_overlay_start_2:
0x677: {  	(tag) =	ssettag $0x2  }
0x678: {  	s0 =	rddreg [dreg:$0x0];
	s2 =	stileid.u32  }
0x679: {  	s1 =	rddreg [dreg:$0x1];
	p0 =	sne.s32 s2, $0x0  }
0x67a: {  	s3 =	rddreg [dreg:$0x2];
	[bflag:$0x3] =	sbarrier.arrive $0xFFFF;
	s2 =	simm.s32 @!p0 $0x1C07  }
0x67b: {  	[timem:s3], [sflag:s2] =	dma.local @!p0 [hbm:s0], s1  }
0x67c: {  	s0 =	simm.s32 @!p0 $0x7  }
0x67d: {  	_ =	swait.ge @!p0 [sflag:s0], s1  }
0x67e: {  	s1 =	ssub.s32 @!p0 $0x0, s1;
	[sflag:s0] =	ssyncset.done @!p0 $0x0  }
0x67f: {  	[sflag:s0] =	ssyncadd.s32 @!p0 s1  }
0x680: {  	[bflag:$0x3] =	sbarrier.arrive $0xFFFF  }
0x681: {  	_ =	shalt  }

</sc_bundles>
